<compile_context>
chip_gen: v7x
topology: tpu7x:2x2x1
jax: 0.10.2.dev20260603
libtpu: 0.0.44.dev20260713+nightly
codegen_flags: <defaults>
</compile_context>

<pallas_src>
import functools

import jax
import jax.numpy as jnp
from jax import lax
from jax.experimental import pallas as pl
from jax.experimental.pallas import tpu as pltpu
from jax.experimental.pallas import tpu_sc as plsc

_B = 16384
_D = 64
_V = 100000
_H1 = 256
_COLS_PER_TILE = _D // 16
_HALF = _B // 2

_CBLK = 4096


def _sc_gather_t(uidx, midx, uemb_t, memb_t):
    mesh = plsc.VectorSubcoreMesh(core_axis_name="c", subcore_axis_name="s")

    @functools.partial(
        pl.kernel,
        mesh=mesh,
        out_type=[
            jax.ShapeDtypeStruct((_D, _B), jnp.float32),
            jax.ShapeDtypeStruct((_D, _B), jnp.float32),
        ],
        scratch_types=[
            pltpu.VMEM((_V,), jnp.float32),
            pltpu.VMEM((_B,), jnp.int32),
            pltpu.VMEM((_HALF,), jnp.float32),
        ],
        compiler_params=pltpu.CompilerParams(
            use_tc_tiling_on_sc=True, needs_layout_passes=False),
    )
    def k(uidx_hbm, midx_hbm, uemb_hbm, memb_hbm, out_u, out_m,
          col_v, idx_v, row_v):
        wid = lax.axis_index("s") * 2 + lax.axis_index("c")
        slot = wid // 2
        is_user = (wid % 2) == 0


        def work(idx_hbm, tab_hbm, out_hbm):
            pltpu.sync_copy(idx_hbm, idx_v)
            for j in range(_COLS_PER_TILE):
                c = slot * _COLS_PER_TILE + j
                pltpu.sync_copy(tab_hbm.at[c], col_v)
                for h in range(2):
                    @plsc.parallel_loop(0, _HALF, 16, unroll=16)
                    def _(i):
                        iv = idx_v[pl.ds(h * _HALF + i, 16)]
                        row_v[pl.ds(i, 16)] = plsc.load_gather(
                            col_v, [iv])
                    pltpu.sync_copy(
                        row_v, out_hbm.at[c, pl.ds(h * _HALF, _HALF)])

        @pl.when(is_user)
        def _():
            work(uidx_hbm, uemb_hbm, out_u)

        @pl.when(jnp.logical_not(is_user))
        def _():
            work(midx_hbm, memb_hbm, out_m)

    return k(uidx, midx, uemb_t, memb_t)


def _mlp_body(u_ref, m_ref, w1_ref, b1_ref, w2_ref, b2_ref, out_ref):
    w1u = w1_ref[:, :_D]
    w1m = w1_ref[:, _D:]
    h = (jnp.dot(w1u, u_ref[...], preferred_element_type=jnp.float32)
         + jnp.dot(w1m, m_ref[...], preferred_element_type=jnp.float32)
         + b1_ref[...])
    h = jnp.maximum(h, 0.0)
    res = jnp.dot(w2_ref[...], h, preferred_element_type=jnp.float32)
    out_ref[...] = res[0, :] + b2_ref[0, 0]


def _tc_mlp(u_t, m_t, W1, b1_2d, W2, b2_2d):
    grid = (_B // _CBLK,)
    return pl.pallas_call(
        _mlp_body,
        grid=grid,
        in_specs=[
            pl.BlockSpec((_D, _CBLK), lambda i: (0, i)),
            pl.BlockSpec((_D, _CBLK), lambda i: (0, i)),
            pl.BlockSpec((_H1, 2 * _D), lambda i: (0, 0)),
            pl.BlockSpec((_H1, 1), lambda i: (0, 0)),
            pl.BlockSpec((1, _H1), lambda i: (0, 0)),
            pl.BlockSpec((1, 1), lambda i: (0, 0)),
        ],
        out_specs=pl.BlockSpec((_CBLK,), lambda i: (i,)),
        out_shape=jax.ShapeDtypeStruct((_B,), jnp.float32),
        compiler_params=pltpu.CompilerParams(
            dimension_semantics=("parallel",)),
    )(u_t, m_t, W1, b1_2d, W2, b2_2d)


def kernel(x, user_emb, movie_emb, W1, b1, W2, b2):
    uidx = x[0].astype(jnp.int32)
    midx = x[1].astype(jnp.int32)
    u_t, m_t = _sc_gather_t(uidx, midx, user_emb.T, movie_emb.T)
    return _tc_mlp(u_t, m_t, W1, b1.reshape(_H1, 1), W2, b2.reshape(1, 1))

# --- scband reference (transcript-rebuilt; emitter-appended) ---
"""Pipeline reference for scband-dense-net-44659069944452 (READ-ONLY COPY).

The authoritative reference and input builder live on the scoring server;
editing this copy changes nothing except your own understanding.
"""

import jax, jax.numpy as jnp
import numpy as np

NUM_USERS = 100000
NUM_MOVIES = 100000
N_FACTORS = 64
H1 = 256
BATCH = 16384


def setup_inputs(seed: int = 0) -> dict:
    key = jax.random.key(seed)
    ks = jax.random.split(key, 7)
    x = jax.random.randint(ks[0], (2, BATCH), 0, NUM_USERS)
    user_emb = jax.random.normal(ks[1], (NUM_USERS, N_FACTORS), dtype=jnp.float32) * 0.05
    movie_emb = jax.random.normal(ks[2], (NUM_MOVIES, N_FACTORS), dtype=jnp.float32) * 0.05
    W1 = jax.random.normal(ks[3], (H1, 2 * N_FACTORS), dtype=jnp.float32) * (1.0 / np.sqrt(2 * N_FACTORS))
    b1 = jnp.zeros((H1,), dtype=jnp.float32)
    W2 = jax.random.normal(ks[4], (1, H1), dtype=jnp.float32) * (1.0 / np.sqrt(H1))
    b2 = jnp.zeros((1,), dtype=jnp.float32)
    return {"x": x, "user_emb": user_emb, "movie_emb": movie_emb, "W1": W1, "b1": b1, "W2": W2, "b2": b2}


def reference(x, user_emb, movie_emb, W1, b1, W2, b2):
    # users = x[0], movies = x[1]
    users_embedding = jnp.take(user_emb, x[0], axis=0)
    movies_embedding = jnp.take(movie_emb, x[1], axis=0)
    h = jnp.concatenate([users_embedding, movies_embedding], axis=1)
    # emb_drop / drop1 are identity in eval mode
    h1_relu = jax.nn.relu(h @ W1.T + b1)
    output_scores = (h1_relu @ W2.T + b2).squeeze(-1)
    return output_scores

if __name__ == "__main__":
    import jax
    _d = setup_inputs()
    print(jax.jit(kernel)(*tuple(_d.values())))

</pallas_src>

<mosaic_0001>
#map = affine_map<(d0, d1) -> (0)>
#map1 = affine_map<(d0, d1) -> (0, 0)>
module attributes {stable_mosaic.version = 14 : i64} {
  func.func @k(%arg0: i32, %arg1: i32, %arg2: memref<16384xi32, #tpu.memory_space<hbm>>, %arg3: memref<16384xi32, #tpu.memory_space<hbm>>, %arg4: memref<64x100000xf32, #tpu.memory_space<hbm>>, %arg5: memref<64x100000xf32, #tpu.memory_space<hbm>>, %arg6: memref<64x16384xf32, #tpu.memory_space<hbm>>, %arg7: memref<64x16384xf32, #tpu.memory_space<hbm>>, %arg8: memref<100000xf32, #tpu.memory_space<vmem>>, %arg9: memref<16384xi32, #tpu.memory_space<vmem>>, %arg10: memref<8192xf32, #tpu.memory_space<vmem>>) attributes {dimension_semantics = [#tpu.dimension_semantics<core_parallel>, #tpu.dimension_semantics<subcore_parallel>], iteration_bounds = array<i64: 2, 16>, scalar_prefetch = 0 : i64, scratch_operands = 3 : i64, tpu.core_type = #tpu.core_type<sc_vector_subcore>, window_params = [{transform_indices = #map}, {transform_indices = #map}, {transform_indices = #map1}, {transform_indices = #map1}, {transform_indices = #map1}, {transform_indices = #map1}]} {
    %mul3A = arith.constant 2 : i32
    %mul3A_0 = arith.muli %arg1, %mul3A : i32
    %add3A = arith.addi %mul3A_0, %arg0 : i32
    %jit3A = arith.constant 2 : i32
    %div3A = arith.divsi %add3A, %jit3A : i32
    %sign3A = arith.constant 0 : i32
    %sign3A_1 = arith.cmpi sgt, %add3A, %sign3A : i32
    %sign3A_2 = arith.extui %sign3A_1 : i1 to i32
    %sign3A_3 = arith.constant 0 : i32
    %sign3A_4 = arith.cmpi slt, %add3A, %sign3A_3 : i32
    %sign3A_5 = arith.extui %sign3A_4 : i1 to i32
    %sign3A_6 = arith.subi %sign3A_2, %sign3A_5 : i32
    %sign3A_7 = arith.constant 0 : i32
    %sign3A_8 = arith.cmpi sgt, %jit3A, %sign3A_7 : i32
    %sign3A_9 = arith.extui %sign3A_8 : i1 to i32
    %sign3A_10 = arith.constant 0 : i32
    %sign3A_11 = arith.cmpi slt, %jit3A, %sign3A_10 : i32
    %sign3A_12 = arith.extui %sign3A_11 : i1 to i32
    %sign3A_13 = arith.subi %sign3A_9, %sign3A_12 : i32
    %ne3A = arith.cmpi ne, %sign3A_6, %sign3A_13 : i32
    %rem3A = arith.remsi %add3A, %jit3A : i32
    %ne3A_14 = arith.constant 0 : i32
    %ne3A_15 = arith.cmpi ne, %rem3A, %ne3A_14 : i32
    %and3A = arith.andi %ne3A, %ne3A_15 : i1
    %sub3A = arith.constant 1 : i32
    %sub3A_16 = arith.subi %div3A, %sub3A : i32
    %select_n3A = arith.select %and3A, %sub3A_16, %div3A : i32
    %jit3A_17 = arith.constant 2 : i32
    %eq3A = arith.constant 0 : i32
    %eq3A_18 = arith.cmpi eq, %jit3A_17, %eq3A : i32
    %jit3A_19 = arith.constant 1 : i32
    %select_n3A_20 = arith.select %eq3A_18, %jit3A_19, %jit3A_17 : i32
    %rem3A_21 = arith.remsi %add3A, %select_n3A_20 : i32
    %ne3A_22 = arith.constant 0 : i32
    %ne3A_23 = arith.cmpi ne, %rem3A_21, %ne3A_22 : i32
    %lt3A = arith.constant 0 : i32
    %lt3A_24 = arith.cmpi slt, %rem3A_21, %lt3A : i32
    %lt3A_25 = arith.constant 0 : i32
    %lt3A_26 = arith.cmpi slt, %select_n3A_20, %lt3A_25 : i32
    %ne3A_27 = arith.xori %lt3A_24, %lt3A_26 : i1
    %and3A_28 = arith.andi %ne3A_27, %ne3A_23 : i1
    %add3A_29 = arith.addi %rem3A_21, %select_n3A_20 : i32
    %select_n3A_30 = arith.select %and3A_28, %add3A_29, %rem3A_21 : i32
    %eq3A_31 = arith.constant 0 : i32
    %eq3A_32 = arith.cmpi eq, %select_n3A_30, %eq3A_31 : i32
    %convert_element_type3A = arith.extui %eq3A_32 : i1 to i32
    %cond3A = arith.constant 0 : i32
    %cond3A_33 = arith.cmpi ne, %convert_element_type3A, %cond3A : i32
    scf.if %cond3A_33 {
      "tpu.region"() ({
        %run_scoped3A = tpu.sem_alloc : memref<!tpu.dma_semaphore, #tpu.memory_space<semaphore_mem>>
        tpu.enqueue_dma source(%arg2 : memref<16384xi32, #tpu.memory_space<hbm>>) target(%arg9 : memref<16384xi32, #tpu.memory_space<vmem>>) target_semaphore(%run_scoped3A : memref<!tpu.dma_semaphore, #tpu.memory_space<semaphore_mem>>)
        tpu.wait_dma2 semaphore(%run_scoped3A : memref<!tpu.dma_semaphore, #tpu.memory_space<semaphore_mem>>) src(%arg2 : memref<16384xi32, #tpu.memory_space<hbm>>) dst(%arg9 : memref<16384xi32, #tpu.memory_space<vmem>>)
        tpu.yield
      }) : () -> ()
      %mul3A_38 = arith.constant 4 : i32
      %mul3A_39 = arith.muli %select_n3A, %mul3A_38 : i32
      %add3A_40 = arith.constant 0 : i32
      %add3A_41 = arith.addi %mul3A_39, %add3A_40 : i32
      "tpu.region"() ({
        %run_scoped3A = tpu.sem_alloc : memref<!tpu.dma_semaphore, #tpu.memory_space<semaphore_mem>>
        %dma_start3A = arith.constant 0 : i32
        %dma_start3A_77 = tpu.memref_slice %arg4[%add3A_41, %dma_start3A] : memref<64x100000xf32, #tpu.memory_space<hbm>> -> memref<1x100000xf32, #tpu.memory_space<hbm>>
        %dma_start3A_78 = tpu.memref_squeeze %dma_start3A_77 : memref<1x100000xf32, #tpu.memory_space<hbm>> -> memref<100000xf32, #tpu.memory_space<hbm>>
        %dma_start3A_79 = arith.constant 0 : i32
        %dma_start3A_80 = tpu.memref_slice %arg4[%add3A_41, %dma_start3A_79] : memref<64x100000xf32, #tpu.memory_space<hbm>> -> memref<1x100000xf32, #tpu.memory_space<hbm>>
        %dma_start3A_81 = tpu.memref_squeeze %dma_start3A_80 : memref<1x100000xf32, #tpu.memory_space<hbm>> -> memref<100000xf32, #tpu.memory_space<hbm>>
        tpu.enqueue_dma source(%dma_start3A_81 : memref<100000xf32, #tpu.memory_space<hbm>>) target(%arg8 : memref<100000xf32, #tpu.memory_space<vmem>>) target_semaphore(%run_scoped3A : memref<!tpu.dma_semaphore, #tpu.memory_space<semaphore_mem>>)
        %dma_wait3A = arith.constant 0 : i32
        %dma_wait3A_82 = tpu.memref_slice %arg4[%add3A_41, %dma_wait3A] : memref<64x100000xf32, #tpu.memory_space<hbm>> -> memref<1x100000xf32, #tpu.memory_space<hbm>>
        %dma_wait3A_83 = tpu.memref_squeeze %dma_wait3A_82 : memref<1x100000xf32, #tpu.memory_space<hbm>> -> memref<100000xf32, #tpu.memory_space<hbm>>
        %dma_wait3A_84 = arith.constant 0 : i32
        %dma_wait3A_85 = tpu.memref_slice %arg4[%add3A_41, %dma_wait3A_84] : memref<64x100000xf32, #tpu.memory_space<hbm>> -> memref<1x100000xf32, #tpu.memory_space<hbm>>
        %dma_wait3A_86 = tpu.memref_squeeze %dma_wait3A_85 : memref<1x100000xf32, #tpu.memory_space<hbm>> -> memref<100000xf32, #tpu.memory_space<hbm>>
        tpu.wait_dma2 semaphore(%run_scoped3A : memref<!tpu.dma_semaphore, #tpu.memory_space<semaphore_mem>>) src(%dma_wait3A_86 : memref<100000xf32, #tpu.memory_space<hbm>>) dst(%arg8 : memref<100000xf32, #tpu.memory_space<vmem>>)
        tpu.yield
      }) : () -> ()
      %parallel_loop3A = arith.constant 0 : i32
      %parallel_loop3A_42 = arith.constant 8192 : i32
      %parallel_loop3A_43 = arith.constant 16 : i32
      scf.for %parallel_loop3A_77 = %parallel_loop3A to %parallel_loop3A_42 step %parallel_loop3A_43  : i32 {
        %parallel_loop3A_78 = arith.constant 0 : i32
        %parallel_loop3A_79 = arith.addi %parallel_loop3A_78, %parallel_loop3A_77 : i32
        %parallel_loop3A_80 = arith.index_cast %parallel_loop3A_79 : i32 to index
        %parallel_loop3A_81 = tpu.vector_load %arg9[%parallel_loop3A_80] {strides = array<i32>} : memref<16384xi32, #tpu.memory_space<vmem>>, vector<16xi32>,
        %parallel_loop3A_82 = tpu.vector_load_idx %arg8[%parallel_loop3A_81] : memref<100000xf32, #tpu.memory_space<vmem>>[vector<16xi32>], vector<16xf32>,
        %parallel_loop3A_83 = arith.index_cast %parallel_loop3A_77 : i32 to index
        %parallel_loop3A_84 = tpu.vector_load %arg10[%parallel_loop3A_83] {strides = array<i32>} : memref<8192xf32, #tpu.memory_space<vmem>>, vector<16xf32>,
        tpu.vector_store %arg10[%parallel_loop3A_83], %parallel_loop3A_82 {strides = array<i32>} : memref<8192xf32, #tpu.memory_space<vmem>>, vector<16xf32>,
      } {sc.loop_unroll_factor = 16 : i64, sc.parallel_access}
      "tpu.region"() ({
        %run_scoped3A = tpu.sem_alloc : memref<!tpu.dma_semaphore, #tpu.memory_space<semaphore_mem>>
        %dma_start3A = arith.constant 0 : i32
        %dma_start3A_77 = tpu.memref_slice %arg6[%add3A_41, %dma_start3A] : memref<64x16384xf32, #tpu.memory_space<hbm>> -> memref<1x8192xf32, #tpu.memory_space<hbm>>
        %dma_start3A_78 = tpu.memref_squeeze %dma_start3A_77 : memref<1x8192xf32, #tpu.memory_space<hbm>> -> memref<8192xf32, #tpu.memory_space<hbm>>
        %dma_start3A_79 = arith.constant 0 : i32
        %dma_start3A_80 = tpu.memref_slice %arg6[%add3A_41, %dma_start3A_79] : memref<64x16384xf32, #tpu.memory_space<hbm>> -> memref<1x8192xf32, #tpu.memory_space<hbm>>
        %dma_start3A_81 = tpu.memref_squeeze %dma_start3A_80 : memref<1x8192xf32, #tpu.memory_space<hbm>> -> memref<8192xf32, #tpu.memory_space<hbm>>
        tpu.enqueue_dma source(%arg10 : memref<8192xf32, #tpu.memory_space<vmem>>) target(%dma_start3A_81 : memref<8192xf32, #tpu.memory_space<hbm>>) target_semaphore(%run_scoped3A : memref<!tpu.dma_semaphore, #tpu.memory_space<semaphore_mem>>)
        %dma_wait3A = arith.constant 0 : i32
        %dma_wait3A_82 = tpu.memref_slice %arg6[%add3A_41, %dma_wait3A] : memref<64x16384xf32, #tpu.memory_space<hbm>> -> memref<1x8192xf32, #tpu.memory_space<hbm>>
        %dma_wait3A_83 = tpu.memref_squeeze %dma_wait3A_82 : memref<1x8192xf32, #tpu.memory_space<hbm>> -> memref<8192xf32, #tpu.memory_space<hbm>>
        %dma_wait3A_84 = arith.constant 0 : i32
        %dma_wait3A_85 = tpu.memref_slice %arg6[%add3A_41, %dma_wait3A_84] : memref<64x16384xf32, #tpu.memory_space<hbm>> -> memref<1x8192xf32, #tpu.memory_space<hbm>>
        %dma_wait3A_86 = tpu.memref_squeeze %dma_wait3A_85 : memref<1x8192xf32, #tpu.memory_space<hbm>> -> memref<8192xf32, #tpu.memory_space<hbm>>
        tpu.wait_dma2 semaphore(%run_scoped3A : memref<!tpu.dma_semaphore, #tpu.memory_space<semaphore_mem>>) src(%arg10 : memref<8192xf32, #tpu.memory_space<vmem>>) dst(%dma_wait3A_86 : memref<8192xf32, #tpu.memory_space<hbm>>)
        tpu.yield
      }) : () -> ()
      %parallel_loop3A_44 = arith.constant 0 : i32
      %parallel_loop3A_45 = arith.constant 8192 : i32
      %parallel_loop3A_46 = arith.constant 16 : i32
      scf.for %parallel_loop3A_77 = %parallel_loop3A_44 to %parallel_loop3A_45 step %parallel_loop3A_46  : i32 {
        %parallel_loop3A_78 = arith.constant 8192 : i32
        %parallel_loop3A_79 = arith.addi %parallel_loop3A_78, %parallel_loop3A_77 : i32
        %parallel_loop3A_80 = arith.index_cast %parallel_loop3A_79 : i32 to index
        %parallel_loop3A_81 = tpu.vector_load %arg9[%parallel_loop3A_80] {strides = array<i32>} : memref<16384xi32, #tpu.memory_space<vmem>>, vector<16xi32>,
        %parallel_loop3A_82 = tpu.vector_load_idx %arg8[%parallel_loop3A_81] : memref<100000xf32, #tpu.memory_space<vmem>>[vector<16xi32>], vector<16xf32>,
        %parallel_loop3A_83 = arith.index_cast %parallel_loop3A_77 : i32 to index
        %parallel_loop3A_84 = tpu.vector_load %arg10[%parallel_loop3A_83] {strides = array<i32>} : memref<8192xf32, #tpu.memory_space<vmem>>, vector<16xf32>,
        tpu.vector_store %arg10[%parallel_loop3A_83], %parallel_loop3A_82 {strides = array<i32>} : memref<8192xf32, #tpu.memory_space<vmem>>, vector<16xf32>,
      } {sc.loop_unroll_factor = 16 : i64, sc.parallel_access}
      "tpu.region"() ({
        %run_scoped3A = tpu.sem_alloc : memref<!tpu.dma_semaphore, #tpu.memory_space<semaphore_mem>>
        %dma_start3A = arith.constant 8192 : i32
        %dma_start3A_77 = tpu.memref_slice %arg6[%add3A_41, %dma_start3A] : memref<64x16384xf32, #tpu.memory_space<hbm>> -> memref<1x8192xf32, #tpu.memory_space<hbm>>
        %dma_start3A_78 = tpu.memref_squeeze %dma_start3A_77 : memref<1x8192xf32, #tpu.memory_space<hbm>> -> memref<8192xf32, #tpu.memory_space<hbm>>
        %dma_start3A_79 = arith.constant 8192 : i32
        %dma_start3A_80 = tpu.memref_slice %arg6[%add3A_41, %dma_start3A_79] : memref<64x16384xf32, #tpu.memory_space<hbm>> -> memref<1x8192xf32, #tpu.memory_space<hbm>>
        %dma_start3A_81 = tpu.memref_squeeze %dma_start3A_80 : memref<1x8192xf32, #tpu.memory_space<hbm>> -> memref<8192xf32, #tpu.memory_space<hbm>>
        tpu.enqueue_dma source(%arg10 : memref<8192xf32, #tpu.memory_space<vmem>>) target(%dma_start3A_81 : memref<8192xf32, #tpu.memory_space<hbm>>) target_semaphore(%run_scoped3A : memref<!tpu.dma_semaphore, #tpu.memory_space<semaphore_mem>>)
        %dma_wait3A = arith.constant 8192 : i32
        %dma_wait3A_82 = tpu.memref_slice %arg6[%add3A_41, %dma_wait3A] : memref<64x16384xf32, #tpu.memory_space<hbm>> -> memref<1x8192xf32, #tpu.memory_space<hbm>>
        %dma_wait3A_83 = tpu.memref_squeeze %dma_wait3A_82 : memref<1x8192xf32, #tpu.memory_space<hbm>> -> memref<8192xf32, #tpu.memory_space<hbm>>
        %dma_wait3A_84 = arith.constant 8192 : i32
        %dma_wait3A_85 = tpu.memref_slice %arg6[%add3A_41, %dma_wait3A_84] : memref<64x16384xf32, #tpu.memory_space<hbm>> -> memref<1x8192xf32, #tpu.memory_space<hbm>>
        %dma_wait3A_86 = tpu.memref_squeeze %dma_wait3A_85 : memref<1x8192xf32, #tpu.memory_space<hbm>> -> memref<8192xf32, #tpu.memory_space<hbm>>
        tpu.wait_dma2 semaphore(%run_scoped3A : memref<!tpu.dma_semaphore, #tpu.memory_space<semaphore_mem>>) src(%arg10 : memref<8192xf32, #tpu.memory_space<vmem>>) dst(%dma_wait3A_86 : memref<8192xf32, #tpu.memory_space<hbm>>)
        tpu.yield
      }) : () -> ()
      %mul3A_47 = arith.constant 4 : i32
      %mul3A_48 = arith.muli %select_n3A, %mul3A_47 : i32
      %add3A_49 = arith.constant 1 : i32
      %add3A_50 = arith.addi %mul3A_48, %add3A_49 : i32
      "tpu.region"() ({
        %run_scoped3A = tpu.sem_alloc : memref<!tpu.dma_semaphore, #tpu.memory_space<semaphore_mem>>
        %dma_start3A = arith.constant 0 : i32
        %dma_start3A_77 = tpu.memref_slice %arg4[%add3A_50, %dma_start3A] : memref<64x100000xf32, #tpu.memory_space<hbm>> -> memref<1x100000xf32, #tpu.memory_space<hbm>>
        %dma_start3A_78 = tpu.memref_squeeze %dma_start3A_77 : memref<1x100000xf32, #tpu.memory_space<hbm>> -> memref<100000xf32, #tpu.memory_space<hbm>>
        %dma_start3A_79 = arith.constant 0 : i32
        %dma_start3A_80 = tpu.memref_slice %arg4[%add3A_50, %dma_start3A_79] : memref<64x100000xf32, #tpu.memory_space<hbm>> -> memref<1x100000xf32, #tpu.memory_space<hbm>>
        %dma_start3A_81 = tpu.memref_squeeze %dma_start3A_80 : memref<1x100000xf32, #tpu.memory_space<hbm>> -> memref<100000xf32, #tpu.memory_space<hbm>>
        tpu.enqueue_dma source(%dma_start3A_81 : memref<100000xf32, #tpu.memory_space<hbm>>) target(%arg8 : memref<100000xf32, #tpu.memory_space<vmem>>) target_semaphore(%run_scoped3A : memref<!tpu.dma_semaphore, #tpu.memory_space<semaphore_mem>>)
        %dma_wait3A = arith.constant 0 : i32
        %dma_wait3A_82 = tpu.memref_slice %arg4[%add3A_50, %dma_wait3A] : memref<64x100000xf32, #tpu.memory_space<hbm>> -> memref<1x100000xf32, #tpu.memory_space<hbm>>
        %dma_wait3A_83 = tpu.memref_squeeze %dma_wait3A_82 : memref<1x100000xf32, #tpu.memory_space<hbm>> -> memref<100000xf32, #tpu.memory_space<hbm>>
        %dma_wait3A_84 = arith.constant 0 : i32
        %dma_wait3A_85 = tpu.memref_slice %arg4[%add3A_50, %dma_wait3A_84] : memref<64x100000xf32, #tpu.memory_space<hbm>> -> memref<1x100000xf32, #tpu.memory_space<hbm>>
        %dma_wait3A_86 = tpu.memref_squeeze %dma_wait3A_85 : memref<1x100000xf32, #tpu.memory_space<hbm>> -> memref<100000xf32, #tpu.memory_space<hbm>>
        tpu.wait_dma2 semaphore(%run_scoped3A : memref<!tpu.dma_semaphore, #tpu.memory_space<semaphore_mem>>) src(%dma_wait3A_86 : memref<100000xf32, #tpu.memory_space<hbm>>) dst(%arg8 : memref<100000xf32, #tpu.memory_space<vmem>>)
        tpu.yield
      }) : () -> ()
      %parallel_loop3A_51 = arith.constant 0 : i32
      %parallel_loop3A_52 = arith.constant 8192 : i32
      %parallel_loop3A_53 = arith.constant 16 : i32
      scf.for %parallel_loop3A_77 = %parallel_loop3A_51 to %parallel_loop3A_52 step %parallel_loop3A_53  : i32 {
        %parallel_loop3A_78 = arith.constant 0 : i32
        %parallel_loop3A_79 = arith.addi %parallel_loop3A_78, %parallel_loop3A_77 : i32
        %parallel_loop3A_80 = arith.index_cast %parallel_loop3A_79 : i32 to index
        %parallel_loop3A_81 = tpu.vector_load %arg9[%parallel_loop3A_80] {strides = array<i32>} : memref<16384xi32, #tpu.memory_space<vmem>>, vector<16xi32>,
        %parallel_loop3A_82 = tpu.vector_load_idx %arg8[%parallel_loop3A_81] : memref<100000xf32, #tpu.memory_space<vmem>>[vector<16xi32>], vector<16xf32>,
        %parallel_loop3A_83 = arith.index_cast %parallel_loop3A_77 : i32 to index
        %parallel_loop3A_84 = tpu.vector_load %arg10[%parallel_loop3A_83] {strides = array<i32>} : memref<8192xf32, #tpu.memory_space<vmem>>, vector<16xf32>,
        tpu.vector_store %arg10[%parallel_loop3A_83], %parallel_loop3A_82 {strides = array<i32>} : memref<8192xf32, #tpu.memory_space<vmem>>, vector<16xf32>,
      } {sc.loop_unroll_factor = 16 : i64, sc.parallel_access}
      "tpu.region"() ({
        %run_scoped3A = tpu.sem_alloc : memref<!tpu.dma_semaphore, #tpu.memory_space<semaphore_mem>>
        %dma_start3A = arith.constant 0 : i32
        %dma_start3A_77 = tpu.memref_slice %arg6[%add3A_50, %dma_start3A] : memref<64x16384xf32, #tpu.memory_space<hbm>> -> memref<1x8192xf32, #tpu.memory_space<hbm>>
        %dma_start3A_78 = tpu.memref_squeeze %dma_start3A_77 : memref<1x8192xf32, #tpu.memory_space<hbm>> -> memref<8192xf32, #tpu.memory_space<hbm>>
        %dma_start3A_79 = arith.constant 0 : i32
        %dma_start3A_80 = tpu.memref_slice %arg6[%add3A_50, %dma_start3A_79] : memref<64x16384xf32, #tpu.memory_space<hbm>> -> memref<1x8192xf32, #tpu.memory_space<hbm>>
        %dma_start3A_81 = tpu.memref_squeeze %dma_start3A_80 : memref<1x8192xf32, #tpu.memory_space<hbm>> -> memref<8192xf32, #tpu.memory_space<hbm>>
        tpu.enqueue_dma source(%arg10 : memref<8192xf32, #tpu.memory_space<vmem>>) target(%dma_start3A_81 : memref<8192xf32, #tpu.memory_space<hbm>>) target_semaphore(%run_scoped3A : memref<!tpu.dma_semaphore, #tpu.memory_space<semaphore_mem>>)
        %dma_wait3A = arith.constant 0 : i32
        %dma_wait3A_82 = tpu.memref_slice %arg6[%add3A_50, %dma_wait3A] : memref<64x16384xf32, #tpu.memory_space<hbm>> -> memref<1x8192xf32, #tpu.memory_space<hbm>>
        %dma_wait3A_83 = tpu.memref_squeeze %dma_wait3A_82 : memref<1x8192xf32, #tpu.memory_space<hbm>> -> memref<8192xf32, #tpu.memory_space<hbm>>
        %dma_wait3A_84 = arith.constant 0 : i32
        %dma_wait3A_85 = tpu.memref_slice %arg6[%add3A_50, %dma_wait3A_84] : memref<64x16384xf32, #tpu.memory_space<hbm>> -> memref<1x8192xf32, #tpu.memory_space<hbm>>
        %dma_wait3A_86 = tpu.memref_squeeze %dma_wait3A_85 : memref<1x8192xf32, #tpu.memory_space<hbm>> -> memref<8192xf32, #tpu.memory_space<hbm>>
        tpu.wait_dma2 semaphore(%run_scoped3A : memref<!tpu.dma_semaphore, #tpu.memory_space<semaphore_mem>>) src(%arg10 : memref<8192xf32, #tpu.memory_space<vmem>>) dst(%dma_wait3A_86 : memref<8192xf32, #tpu.memory_space<hbm>>)
        tpu.yield
      }) : () -> ()
      %parallel_loop3A_54 = arith.constant 0 : i32
      %parallel_loop3A_55 = arith.constant 8192 : i32
      %parallel_loop3A_56 = arith.constant 16 : i32
      scf.for %parallel_loop3A_77 = %parallel_loop3A_54 to %parallel_loop3A_55 step %parallel_loop3A_56  : i32 {
        %parallel_loop3A_78 = arith.constant 8192 : i32
        %parallel_loop3A_79 = arith.addi %parallel_loop3A_78, %parallel_loop3A_77 : i32
        %parallel_loop3A_80 = arith.index_cast %parallel_loop3A_79 : i32 to index
        %parallel_loop3A_81 = tpu.vector_load %arg9[%parallel_loop3A_80] {strides = array<i32>} : memref<16384xi32, #tpu.memory_space<vmem>>, vector<16xi32>,
        %parallel_loop3A_82 = tpu.vector_load_idx %arg8[%parallel_loop3A_81] : memref<100000xf32, #tpu.memory_space<vmem>>[vector<16xi32>], vector<16xf32>,
        %parallel_loop3A_83 = arith.index_cast %parallel_loop3A_77 : i32 to index
        %parallel_loop3A_84 = tpu.vector_load %arg10[%parallel_loop3A_83] {strides = array<i32>} : memref<8192xf32, #tpu.memory_space<vmem>>, vector<16xf32>,
        tpu.vector_store %arg10[%parallel_loop3A_83], %parallel_loop3A_82 {strides = array<i32>} : memref<8192xf32, #tpu.memory_space<vmem>>, vector<16xf32>,
      } {sc.loop_unroll_factor = 16 : i64, sc.parallel_access}
      "tpu.region"() ({
        %run_scoped3A = tpu.sem_alloc : memref<!tpu.dma_semaphore, #tpu.memory_space<semaphore_mem>>
        %dma_start3A = arith.constant 8192 : i32
        %dma_start3A_77 = tpu.memref_slice %arg6[%add3A_50, %dma_start3A] : memref<64x16384xf32, #tpu.memory_space<hbm>> -> memref<1x8192xf32, #tpu.memory_space<hbm>>
        %dma_start3A_78 = tpu.memref_squeeze %dma_start3A_77 : memref<1x8192xf32, #tpu.memory_space<hbm>> -> memref<8192xf32, #tpu.memory_space<hbm>>
        %dma_start3A_79 = arith.constant 8192 : i32
        %dma_start3A_80 = tpu.memref_slice %arg6[%add3A_50, %dma_start3A_79] : memref<64x16384xf32, #tpu.memory_space<hbm>> -> memref<1x8192xf32, #tpu.memory_space<hbm>>
        %dma_start3A_81 = tpu.memref_squeeze %dma_start3A_80 : memref<1x8192xf32, #tpu.memory_space<hbm>> -> memref<8192xf32, #tpu.memory_space<hbm>>
        tpu.enqueue_dma source(%arg10 : memref<8192xf32, #tpu.memory_space<vmem>>) target(%dma_start3A_81 : memref<8192xf32, #tpu.memory_space<hbm>>) target_semaphore(%run_scoped3A : memref<!tpu.dma_semaphore, #tpu.memory_space<semaphore_mem>>)
        %dma_wait3A = arith.constant 8192 : i32
        %dma_wait3A_82 = tpu.memref_slice %arg6[%add3A_50, %dma_wait3A] : memref<64x16384xf32, #tpu.memory_space<hbm>> -> memref<1x8192xf32, #tpu.memory_space<hbm>>
        %dma_wait3A_83 = tpu.memref_squeeze %dma_wait3A_82 : memref<1x8192xf32, #tpu.memory_space<hbm>> -> memref<8192xf32, #tpu.memory_space<hbm>>
        %dma_wait3A_84 = arith.constant 8192 : i32
        %dma_wait3A_85 = tpu.memref_slice %arg6[%add3A_50, %dma_wait3A_84] : memref<64x16384xf32, #tpu.memory_space<hbm>> -> memref<1x8192xf32, #tpu.memory_space<hbm>>
        %dma_wait3A_86 = tpu.memref_squeeze %dma_wait3A_85 : memref<1x8192xf32, #tpu.memory_space<hbm>> -> memref<8192xf32, #tpu.memory_space<hbm>>
        tpu.wait_dma2 semaphore(%run_scoped3A : memref<!tpu.dma_semaphore, #tpu.memory_space<semaphore_mem>>) src(%arg10 : memref<8192xf32, #tpu.memory_space<vmem>>) dst(%dma_wait3A_86 : memref<8192xf32, #tpu.memory_space<hbm>>)
        tpu.yield
      }) : () -> ()
      %mul3A_57 = arith.constant 4 : i32
      %mul3A_58 = arith.muli %select_n3A, %mul3A_57 : i32
      %add3A_59 = arith.constant 2 : i32
      %add3A_60 = arith.addi %mul3A_58, %add3A_59 : i32
      "tpu.region"() ({
        %run_scoped3A = tpu.sem_alloc : memref<!tpu.dma_semaphore, #tpu.memory_space<semaphore_mem>>
        %dma_start3A = arith.constant 0 : i32
        %dma_start3A_77 = tpu.memref_slice %arg4[%add3A_60, %dma_start3A] : memref<64x100000xf32, #tpu.memory_space<hbm>> -> memref<1x100000xf32, #tpu.memory_space<hbm>>
        %dma_start3A_78 = tpu.memref_squeeze %dma_start3A_77 : memref<1x100000xf32, #tpu.memory_space<hbm>> -> memref<100000xf32, #tpu.memory_space<hbm>>
        %dma_start3A_79 = arith.constant 0 : i32
        %dma_start3A_80 = tpu.memref_slice %arg4[%add3A_60, %dma_start3A_79] : memref<64x100000xf32, #tpu.memory_space<hbm>> -> memref<1x100000xf32, #tpu.memory_space<hbm>>
        %dma_start3A_81 = tpu.memref_squeeze %dma_start3A_80 : memref<1x100000xf32, #tpu.memory_space<hbm>> -> memref<100000xf32, #tpu.memory_space<hbm>>
        tpu.enqueue_dma source(%dma_start3A_81 : memref<100000xf32, #tpu.memory_space<hbm>>) target(%arg8 : memref<100000xf32, #tpu.memory_space<vmem>>) target_semaphore(%run_scoped3A : memref<!tpu.dma_semaphore, #tpu.memory_space<semaphore_mem>>)
        %dma_wait3A = arith.constant 0 : i32
        %dma_wait3A_82 = tpu.memref_slice %arg4[%add3A_60, %dma_wait3A] : memref<64x100000xf32, #tpu.memory_space<hbm>> -> memref<1x100000xf32, #tpu.memory_space<hbm>>
        %dma_wait3A_83 = tpu.memref_squeeze %dma_wait3A_82 : memref<1x100000xf32, #tpu.memory_space<hbm>> -> memref<100000xf32, #tpu.memory_space<hbm>>
        %dma_wait3A_84 = arith.constant 0 : i32
        %dma_wait3A_85 = tpu.memref_slice %arg4[%add3A_60, %dma_wait3A_84] : memref<64x100000xf32, #tpu.memory_space<hbm>> -> memref<1x100000xf32, #tpu.memory_space<hbm>>
        %dma_wait3A_86 = tpu.memref_squeeze %dma_wait3A_85 : memref<1x100000xf32, #tpu.memory_space<hbm>> -> memref<100000xf32, #tpu.memory_space<hbm>>
        tpu.wait_dma2 semaphore(%run_scoped3A : memref<!tpu.dma_semaphore, #tpu.memory_space<semaphore_mem>>) src(%dma_wait3A_86 : memref<100000xf32, #tpu.memory_space<hbm>>) dst(%arg8 : memref<100000xf32, #tpu.memory_space<vmem>>)
        tpu.yield
      }) : () -> ()
      %parallel_loop3A_61 = arith.constant 0 : i32
      %parallel_loop3A_62 = arith.constant 8192 : i32
      %parallel_loop3A_63 = arith.constant 16 : i32
      scf.for %parallel_loop3A_77 = %parallel_loop3A_61 to %parallel_loop3A_62 step %parallel_loop3A_63  : i32 {
        %parallel_loop3A_78 = arith.constant 0 : i32
        %parallel_loop3A_79 = arith.addi %parallel_loop3A_78, %parallel_loop3A_77 : i32
        %parallel_loop3A_80 = arith.index_cast %parallel_loop3A_79 : i32 to index
        %parallel_loop3A_81 = tpu.vector_load %arg9[%parallel_loop3A_80] {strides = array<i32>} : memref<16384xi32, #tpu.memory_space<vmem>>, vector<16xi32>,
        %parallel_loop3A_82 = tpu.vector_load_idx %arg8[%parallel_loop3A_81] : memref<100000xf32, #tpu.memory_space<vmem>>[vector<16xi32>], vector<16xf32>,
        %parallel_loop3A_83 = arith.index_cast %parallel_loop3A_77 : i32 to index
        %parallel_loop3A_84 = tpu.vector_load %arg10[%parallel_loop3A_83] {strides = array<i32>} : memref<8192xf32, #tpu.memory_space<vmem>>, vector<16xf32>,
        tpu.vector_store %arg10[%parallel_loop3A_83], %parallel_loop3A_82 {strides = array<i32>} : memref<8192xf32, #tpu.memory_space<vmem>>, vector<16xf32>,
      } {sc.loop_unroll_factor = 16 : i64, sc.parallel_access}
      "tpu.region"() ({
        %run_scoped3A = tpu.sem_alloc : memref<!tpu.dma_semaphore, #tpu.memory_space<semaphore_mem>>
        %dma_start3A = arith.constant 0 : i32
        %dma_start3A_77 = tpu.memref_slice %arg6[%add3A_60, %dma_start3A] : memref<64x16384xf32, #tpu.memory_space<hbm>> -> memref<1x8192xf32, #tpu.memory_space<hbm>>
        %dma_start3A_78 = tpu.memref_squeeze %dma_start3A_77 : memref<1x8192xf32, #tpu.memory_space<hbm>> -> memref<8192xf32, #tpu.memory_space<hbm>>
        %dma_start3A_79 = arith.constant 0 : i32
        %dma_start3A_80 = tpu.memref_slice %arg6[%add3A_60, %dma_start3A_79] : memref<64x16384xf32, #tpu.memory_space<hbm>> -> memref<1x8192xf32, #tpu.memory_space<hbm>>
        %dma_start3A_81 = tpu.memref_squeeze %dma_start3A_80 : memref<1x8192xf32, #tpu.memory_space<hbm>> -> memref<8192xf32, #tpu.memory_space<hbm>>
        tpu.enqueue_dma source(%arg10 : memref<8192xf32, #tpu.memory_space<vmem>>) target(%dma_start3A_81 : memref<8192xf32, #tpu.memory_space<hbm>>) target_semaphore(%run_scoped3A : memref<!tpu.dma_semaphore, #tpu.memory_space<semaphore_mem>>)
        %dma_wait3A = arith.constant 0 : i32
        %dma_wait3A_82 = tpu.memref_slice %arg6[%add3A_60, %dma_wait3A] : memref<64x16384xf32, #tpu.memory_space<hbm>> -> memref<1x8192xf32, #tpu.memory_space<hbm>>
        %dma_wait3A_83 = tpu.memref_squeeze %dma_wait3A_82 : memref<1x8192xf32, #tpu.memory_space<hbm>> -> memref<8192xf32, #tpu.memory_space<hbm>>
        %dma_wait3A_84 = arith.constant 0 : i32
        %dma_wait3A_85 = tpu.memref_slice %arg6[%add3A_60, %dma_wait3A_84] : memref<64x16384xf32, #tpu.memory_space<hbm>> -> memref<1x8192xf32, #tpu.memory_space<hbm>>
        %dma_wait3A_86 = tpu.memref_squeeze %dma_wait3A_85 : memref<1x8192xf32, #tpu.memory_space<hbm>> -> memref<8192xf32, #tpu.memory_space<hbm>>
        tpu.wait_dma2 semaphore(%run_scoped3A : memref<!tpu.dma_semaphore, #tpu.memory_space<semaphore_mem>>) src(%arg10 : memref<8192xf32, #tpu.memory_space<vmem>>) dst(%dma_wait3A_86 : memref<8192xf32, #tpu.memory_space<hbm>>)
        tpu.yield
      }) : () -> ()
      %parallel_loop3A_64 = arith.constant 0 : i32
      %parallel_loop3A_65 = arith.constant 8192 : i32
      %parallel_loop3A_66 = arith.constant 16 : i32
      scf.for %parallel_loop3A_77 = %parallel_loop3A_64 to %parallel_loop3A_65 step %parallel_loop3A_66  : i32 {
        %parallel_loop3A_78 = arith.constant 8192 : i32
        %parallel_loop3A_79 = arith.addi %parallel_loop3A_78, %parallel_loop3A_77 : i32
        %parallel_loop3A_80 = arith.index_cast %parallel_loop3A_79 : i32 to index
        %parallel_loop3A_81 = tpu.vector_load %arg9[%parallel_loop3A_80] {strides = array<i32>} : memref<16384xi32, #tpu.memory_space<vmem>>, vector<16xi32>,
        %parallel_loop3A_82 = tpu.vector_load_idx %arg8[%parallel_loop3A_81] : memref<100000xf32, #tpu.memory_space<vmem>>[vector<16xi32>], vector<16xf32>,
        %parallel_loop3A_83 = arith.index_cast %parallel_loop3A_77 : i32 to index
        %parallel_loop3A_84 = tpu.vector_load %arg10[%parallel_loop3A_83] {strides = array<i32>} : memref<8192xf32, #tpu.memory_space<vmem>>, vector<16xf32>,
        tpu.vector_store %arg10[%parallel_loop3A_83], %parallel_loop3A_82 {strides = array<i32>} : memref<8192xf32, #tpu.memory_space<vmem>>, vector<16xf32>,
      } {sc.loop_unroll_factor = 16 : i64, sc.parallel_access}
      "tpu.region"() ({
        %run_scoped3A = tpu.sem_alloc : memref<!tpu.dma_semaphore, #tpu.memory_space<semaphore_mem>>
        %dma_start3A = arith.constant 8192 : i32
        %dma_start3A_77 = tpu.memref_slice %arg6[%add3A_60, %dma_start3A] : memref<64x16384xf32, #tpu.memory_space<hbm>> -> memref<1x8192xf32, #tpu.memory_space<hbm>>
        %dma_start3A_78 = tpu.memref_squeeze %dma_start3A_77 : memref<1x8192xf32, #tpu.memory_space<hbm>> -> memref<8192xf32, #tpu.memory_space<hbm>>
        %dma_start3A_79 = arith.constant 8192 : i32
        %dma_start3A_80 = tpu.memref_slice %arg6[%add3A_60, %dma_start3A_79] : memref<64x16384xf32, #tpu.memory_space<hbm>> -> memref<1x8192xf32, #tpu.memory_space<hbm>>
        %dma_start3A_81 = tpu.memref_squeeze %dma_start3A_80 : memref<1x8192xf32, #tpu.memory_space<hbm>> -> memref<8192xf32, #tpu.memory_space<hbm>>
        tpu.enqueue_dma source(%arg10 : memref<8192xf32, #tpu.memory_space<vmem>>) target(%dma_start3A_81 : memref<8192xf32, #tpu.memory_space<hbm>>) target_semaphore(%run_scoped3A : memref<!tpu.dma_semaphore, #tpu.memory_space<semaphore_mem>>)
        %dma_wait3A = arith.constant 8192 : i32
        %dma_wait3A_82 = tpu.memref_slice %arg6[%add3A_60, %dma_wait3A] : memref<64x16384xf32, #tpu.memory_space<hbm>> -> memref<1x8192xf32, #tpu.memory_space<hbm>>
        %dma_wait3A_83 = tpu.memref_squeeze %dma_wait3A_82 : memref<1x8192xf32, #tpu.memory_space<hbm>> -> memref<8192xf32, #tpu.memory_space<hbm>>
        %dma_wait3A_84 = arith.constant 8192 : i32
        %dma_wait3A_85 = tpu.memref_slice %arg6[%add3A_60, %dma_wait3A_84] : memref<64x16384xf32, #tpu.memory_space<hbm>> -> memref<1x8192xf32, #tpu.memory_space<hbm>>
        %dma_wait3A_86 = tpu.memref_squeeze %dma_wait3A_85 : memref<1x8192xf32, #tpu.memory_space<hbm>> -> memref<8192xf32, #tpu.memory_space<hbm>>
        tpu.wait_dma2 semaphore(%run_scoped3A : memref<!tpu.dma_semaphore, #tpu.memory_space<semaphore_mem>>) src(%arg10 : memref<8192xf32, #tpu.memory_space<vmem>>) dst(%dma_wait3A_86 : memref<8192xf32, #tpu.memory_space<hbm>>)
        tpu.yield
      }) : () -> ()
      %mul3A_67 = arith.constant 4 : i32
      %mul3A_68 = arith.muli %select_n3A, %mul3A_67 : i32
      %add3A_69 = arith.constant 3 : i32
      %add3A_70 = arith.addi %mul3A_68, %add3A_69 : i32
      "tpu.region"() ({
        %run_scoped3A = tpu.sem_alloc : memref<!tpu.dma_semaphore, #tpu.memory_space<semaphore_mem>>
        %dma_start3A = arith.constant 0 : i32
        %dma_start3A_77 = tpu.memref_slice %arg4[%add3A_70, %dma_start3A] : memref<64x100000xf32, #tpu.memory_space<hbm>> -> memref<1x100000xf32, #tpu.memory_space<hbm>>
        %dma_start3A_78 = tpu.memref_squeeze %dma_start3A_77 : memref<1x100000xf32, #tpu.memory_space<hbm>> -> memref<100000xf32, #tpu.memory_space<hbm>>
        %dma_start3A_79 = arith.constant 0 : i32
        %dma_start3A_80 = tpu.memref_slice %arg4[%add3A_70, %dma_start3A_79] : memref<64x100000xf32, #tpu.memory_space<hbm>> -> memref<1x100000xf32, #tpu.memory_space<hbm>>
        %dma_start3A_81 = tpu.memref_squeeze %dma_start3A_80 : memref<1x100000xf32, #tpu.memory_space<hbm>> -> memref<100000xf32, #tpu.memory_space<hbm>>
        tpu.enqueue_dma source(%dma_start3A_81 : memref<100000xf32, #tpu.memory_space<hbm>>) target(%arg8 : memref<100000xf32, #tpu.memory_space<vmem>>) target_semaphore(%run_scoped3A : memref<!tpu.dma_semaphore, #tpu.memory_space<semaphore_mem>>)
        %dma_wait3A = arith.constant 0 : i32
        %dma_wait3A_82 = tpu.memref_slice %arg4[%add3A_70, %dma_wait3A] : memref<64x100000xf32, #tpu.memory_space<hbm>> -> memref<1x100000xf32, #tpu.memory_space<hbm>>
        %dma_wait3A_83 = tpu.memref_squeeze %dma_wait3A_82 : memref<1x100000xf32, #tpu.memory_space<hbm>> -> memref<100000xf32, #tpu.memory_space<hbm>>
        %dma_wait3A_84 = arith.constant 0 : i32
        %dma_wait3A_85 = tpu.memref_slice %arg4[%add3A_70, %dma_wait3A_84] : memref<64x100000xf32, #tpu.memory_space<hbm>> -> memref<1x100000xf32, #tpu.memory_space<hbm>>
        %dma_wait3A_86 = tpu.memref_squeeze %dma_wait3A_85 : memref<1x100000xf32, #tpu.memory_space<hbm>> -> memref<100000xf32, #tpu.memory_space<hbm>>
        tpu.wait_dma2 semaphore(%run_scoped3A : memref<!tpu.dma_semaphore, #tpu.memory_space<semaphore_mem>>) src(%dma_wait3A_86 : memref<100000xf32, #tpu.memory_space<hbm>>) dst(%arg8 : memref<100000xf32, #tpu.memory_space<vmem>>)
        tpu.yield
      }) : () -> ()
      %parallel_loop3A_71 = arith.constant 0 : i32
      %parallel_loop3A_72 = arith.constant 8192 : i32
      %parallel_loop3A_73 = arith.constant 16 : i32
      scf.for %parallel_loop3A_77 = %parallel_loop3A_71 to %parallel_loop3A_72 step %parallel_loop3A_73  : i32 {
        %parallel_loop3A_78 = arith.constant 0 : i32
        %parallel_loop3A_79 = arith.addi %parallel_loop3A_78, %parallel_loop3A_77 : i32
        %parallel_loop3A_80 = arith.index_cast %parallel_loop3A_79 : i32 to index
        %parallel_loop3A_81 = tpu.vector_load %arg9[%parallel_loop3A_80] {strides = array<i32>} : memref<16384xi32, #tpu.memory_space<vmem>>, vector<16xi32>,
        %parallel_loop3A_82 = tpu.vector_load_idx %arg8[%parallel_loop3A_81] : memref<100000xf32, #tpu.memory_space<vmem>>[vector<16xi32>], vector<16xf32>,
        %parallel_loop3A_83 = arith.index_cast %parallel_loop3A_77 : i32 to index
        %parallel_loop3A_84 = tpu.vector_load %arg10[%parallel_loop3A_83] {strides = array<i32>} : memref<8192xf32, #tpu.memory_space<vmem>>, vector<16xf32>,
        tpu.vector_store %arg10[%parallel_loop3A_83], %parallel_loop3A_82 {strides = array<i32>} : memref<8192xf32, #tpu.memory_space<vmem>>, vector<16xf32>,
      } {sc.loop_unroll_factor = 16 : i64, sc.parallel_access}
      "tpu.region"() ({
        %run_scoped3A = tpu.sem_alloc : memref<!tpu.dma_semaphore, #tpu.memory_space<semaphore_mem>>
        %dma_start3A = arith.constant 0 : i32
        %dma_start3A_77 = tpu.memref_slice %arg6[%add3A_70, %dma_start3A] : memref<64x16384xf32, #tpu.memory_space<hbm>> -> memref<1x8192xf32, #tpu.memory_space<hbm>>
        %dma_start3A_78 = tpu.memref_squeeze %dma_start3A_77 : memref<1x8192xf32, #tpu.memory_space<hbm>> -> memref<8192xf32, #tpu.memory_space<hbm>>
        %dma_start3A_79 = arith.constant 0 : i32
        %dma_start3A_80 = tpu.memref_slice %arg6[%add3A_70, %dma_start3A_79] : memref<64x16384xf32, #tpu.memory_space<hbm>> -> memref<1x8192xf32, #tpu.memory_space<hbm>>
        %dma_start3A_81 = tpu.memref_squeeze %dma_start3A_80 : memref<1x8192xf32, #tpu.memory_space<hbm>> -> memref<8192xf32, #tpu.memory_space<hbm>>
        tpu.enqueue_dma source(%arg10 : memref<8192xf32, #tpu.memory_space<vmem>>) target(%dma_start3A_81 : memref<8192xf32, #tpu.memory_space<hbm>>) target_semaphore(%run_scoped3A : memref<!tpu.dma_semaphore, #tpu.memory_space<semaphore_mem>>)
        %dma_wait3A = arith.constant 0 : i32
        %dma_wait3A_82 = tpu.memref_slice %arg6[%add3A_70, %dma_wait3A] : memref<64x16384xf32, #tpu.memory_space<hbm>> -> memref<1x8192xf32, #tpu.memory_space<hbm>>
        %dma_wait3A_83 = tpu.memref_squeeze %dma_wait3A_82 : memref<1x8192xf32, #tpu.memory_space<hbm>> -> memref<8192xf32, #tpu.memory_space<hbm>>
        %dma_wait3A_84 = arith.constant 0 : i32
        %dma_wait3A_85 = tpu.memref_slice %arg6[%add3A_70, %dma_wait3A_84] : memref<64x16384xf32, #tpu.memory_space<hbm>> -> memref<1x8192xf32, #tpu.memory_space<hbm>>
        %dma_wait3A_86 = tpu.memref_squeeze %dma_wait3A_85 : memref<1x8192xf32, #tpu.memory_space<hbm>> -> memref<8192xf32, #tpu.memory_space<hbm>>
        tpu.wait_dma2 semaphore(%run_scoped3A : memref<!tpu.dma_semaphore, #tpu.memory_space<semaphore_mem>>) src(%arg10 : memref<8192xf32, #tpu.memory_space<vmem>>) dst(%dma_wait3A_86 : memref<8192xf32, #tpu.memory_space<hbm>>)
        tpu.yield
      }) : () -> ()
      %parallel_loop3A_74 = arith.constant 0 : i32
      %parallel_loop3A_75 = arith.constant 8192 : i32
      %parallel_loop3A_76 = arith.constant 16 : i32
      scf.for %parallel_loop3A_77 = %parallel_loop3A_74 to %parallel_loop3A_75 step %parallel_loop3A_76  : i32 {
        %parallel_loop3A_78 = arith.constant 8192 : i32
        %parallel_loop3A_79 = arith.addi %parallel_loop3A_78, %parallel_loop3A_77 : i32
        %parallel_loop3A_80 = arith.index_cast %parallel_loop3A_79 : i32 to index
        %parallel_loop3A_81 = tpu.vector_load %arg9[%parallel_loop3A_80] {strides = array<i32>} : memref<16384xi32, #tpu.memory_space<vmem>>, vector<16xi32>,
        %parallel_loop3A_82 = tpu.vector_load_idx %arg8[%parallel_loop3A_81] : memref<100000xf32, #tpu.memory_space<vmem>>[vector<16xi32>], vector<16xf32>,
        %parallel_loop3A_83 = arith.index_cast %parallel_loop3A_77 : i32 to index
        %parallel_loop3A_84 = tpu.vector_load %arg10[%parallel_loop3A_83] {strides = array<i32>} : memref<8192xf32, #tpu.memory_space<vmem>>, vector<16xf32>,
        tpu.vector_store %arg10[%parallel_loop3A_83], %parallel_loop3A_82 {strides = array<i32>} : memref<8192xf32, #tpu.memory_space<vmem>>, vector<16xf32>,
      } {sc.loop_unroll_factor = 16 : i64, sc.parallel_access}
      "tpu.region"() ({
        %run_scoped3A = tpu.sem_alloc : memref<!tpu.dma_semaphore, #tpu.memory_space<semaphore_mem>>
        %dma_start3A = arith.constant 8192 : i32
        %dma_start3A_77 = tpu.memref_slice %arg6[%add3A_70, %dma_start3A] : memref<64x16384xf32, #tpu.memory_space<hbm>> -> memref<1x8192xf32, #tpu.memory_space<hbm>>
        %dma_start3A_78 = tpu.memref_squeeze %dma_start3A_77 : memref<1x8192xf32, #tpu.memory_space<hbm>> -> memref<8192xf32, #tpu.memory_space<hbm>>
        %dma_start3A_79 = arith.constant 8192 : i32
        %dma_start3A_80 = tpu.memref_slice %arg6[%add3A_70, %dma_start3A_79] : memref<64x16384xf32, #tpu.memory_space<hbm>> -> memref<1x8192xf32, #tpu.memory_space<hbm>>
        %dma_start3A_81 = tpu.memref_squeeze %dma_start3A_80 : memref<1x8192xf32, #tpu.memory_space<hbm>> -> memref<8192xf32, #tpu.memory_space<hbm>>
        tpu.enqueue_dma source(%arg10 : memref<8192xf32, #tpu.memory_space<vmem>>) target(%dma_start3A_81 : memref<8192xf32, #tpu.memory_space<hbm>>) target_semaphore(%run_scoped3A : memref<!tpu.dma_semaphore, #tpu.memory_space<semaphore_mem>>)
        %dma_wait3A = arith.constant 8192 : i32
        %dma_wait3A_82 = tpu.memref_slice %arg6[%add3A_70, %dma_wait3A] : memref<64x16384xf32, #tpu.memory_space<hbm>> -> memref<1x8192xf32, #tpu.memory_space<hbm>>
        %dma_wait3A_83 = tpu.memref_squeeze %dma_wait3A_82 : memref<1x8192xf32, #tpu.memory_space<hbm>> -> memref<8192xf32, #tpu.memory_space<hbm>>
        %dma_wait3A_84 = arith.constant 8192 : i32
        %dma_wait3A_85 = tpu.memref_slice %arg6[%add3A_70, %dma_wait3A_84] : memref<64x16384xf32, #tpu.memory_space<hbm>> -> memref<1x8192xf32, #tpu.memory_space<hbm>>
        %dma_wait3A_86 = tpu.memref_squeeze %dma_wait3A_85 : memref<1x8192xf32, #tpu.memory_space<hbm>> -> memref<8192xf32, #tpu.memory_space<hbm>>
        tpu.wait_dma2 semaphore(%run_scoped3A : memref<!tpu.dma_semaphore, #tpu.memory_space<semaphore_mem>>) src(%arg10 : memref<8192xf32, #tpu.memory_space<vmem>>) dst(%dma_wait3A_86 : memref<8192xf32, #tpu.memory_space<hbm>>)
        tpu.yield
      }) : () -> ()
    } else {
    }
    %not3A = arith.constant true
    %not3A_34 = arith.xori %eq3A_32, %not3A : i1
    %convert_element_type3A_35 = arith.extui %not3A_34 : i1 to i32
    %cond3A_36 = arith.constant 0 : i32
    %cond3A_37 = arith.cmpi ne, %convert_element_type3A_35, %cond3A_36 : i32
    scf.if %cond3A_37 {
      "tpu.region"() ({
        %run_scoped3A = tpu.sem_alloc : memref<!tpu.dma_semaphore, #tpu.memory_space<semaphore_mem>>
        tpu.enqueue_dma source(%arg3 : memref<16384xi32, #tpu.memory_space<hbm>>) target(%arg9 : memref<16384xi32, #tpu.memory_space<vmem>>) target_semaphore(%run_scoped3A : memref<!tpu.dma_semaphore, #tpu.memory_space<semaphore_mem>>)
        tpu.wait_dma2 semaphore(%run_scoped3A : memref<!tpu.dma_semaphore, #tpu.memory_space<semaphore_mem>>) src(%arg3 : memref<16384xi32, #tpu.memory_space<hbm>>) dst(%arg9 : memref<16384xi32, #tpu.memory_space<vmem>>)
        tpu.yield
      }) : () -> ()
      %mul3A_38 = arith.constant 4 : i32
      %mul3A_39 = arith.muli %select_n3A, %mul3A_38 : i32
      %add3A_40 = arith.constant 0 : i32
      %add3A_41 = arith.addi %mul3A_39, %add3A_40 : i32
      "tpu.region"() ({
        %run_scoped3A = tpu.sem_alloc : memref<!tpu.dma_semaphore, #tpu.memory_space<semaphore_mem>>
        %dma_start3A = arith.constant 0 : i32
        %dma_start3A_77 = tpu.memref_slice %arg5[%add3A_41, %dma_start3A] : memref<64x100000xf32, #tpu.memory_space<hbm>> -> memref<1x100000xf32, #tpu.memory_space<hbm>>
        %dma_start3A_78 = tpu.memref_squeeze %dma_start3A_77 : memref<1x100000xf32, #tpu.memory_space<hbm>> -> memref<100000xf32, #tpu.memory_space<hbm>>
        %dma_start3A_79 = arith.constant 0 : i32
        %dma_start3A_80 = tpu.memref_slice %arg5[%add3A_41, %dma_start3A_79] : memref<64x100000xf32, #tpu.memory_space<hbm>> -> memref<1x100000xf32, #tpu.memory_space<hbm>>
        %dma_start3A_81 = tpu.memref_squeeze %dma_start3A_80 : memref<1x100000xf32, #tpu.memory_space<hbm>> -> memref<100000xf32, #tpu.memory_space<hbm>>
        tpu.enqueue_dma source(%dma_start3A_81 : memref<100000xf32, #tpu.memory_space<hbm>>) target(%arg8 : memref<100000xf32, #tpu.memory_space<vmem>>) target_semaphore(%run_scoped3A : memref<!tpu.dma_semaphore, #tpu.memory_space<semaphore_mem>>)
        %dma_wait3A = arith.constant 0 : i32
        %dma_wait3A_82 = tpu.memref_slice %arg5[%add3A_41, %dma_wait3A] : memref<64x100000xf32, #tpu.memory_space<hbm>> -> memref<1x100000xf32, #tpu.memory_space<hbm>>
        %dma_wait3A_83 = tpu.memref_squeeze %dma_wait3A_82 : memref<1x100000xf32, #tpu.memory_space<hbm>> -> memref<100000xf32, #tpu.memory_space<hbm>>
        %dma_wait3A_84 = arith.constant 0 : i32
        %dma_wait3A_85 = tpu.memref_slice %arg5[%add3A_41, %dma_wait3A_84] : memref<64x100000xf32, #tpu.memory_space<hbm>> -> memref<1x100000xf32, #tpu.memory_space<hbm>>
        %dma_wait3A_86 = tpu.memref_squeeze %dma_wait3A_85 : memref<1x100000xf32, #tpu.memory_space<hbm>> -> memref<100000xf32, #tpu.memory_space<hbm>>
        tpu.wait_dma2 semaphore(%run_scoped3A : memref<!tpu.dma_semaphore, #tpu.memory_space<semaphore_mem>>) src(%dma_wait3A_86 : memref<100000xf32, #tpu.memory_space<hbm>>) dst(%arg8 : memref<100000xf32, #tpu.memory_space<vmem>>)
        tpu.yield
      }) : () -> ()
      %parallel_loop3A = arith.constant 0 : i32
      %parallel_loop3A_42 = arith.constant 8192 : i32
      %parallel_loop3A_43 = arith.constant 16 : i32
      scf.for %parallel_loop3A_77 = %parallel_loop3A to %parallel_loop3A_42 step %parallel_loop3A_43  : i32 {
        %parallel_loop3A_78 = arith.constant 0 : i32
        %parallel_loop3A_79 = arith.addi %parallel_loop3A_78, %parallel_loop3A_77 : i32
        %parallel_loop3A_80 = arith.index_cast %parallel_loop3A_79 : i32 to index
        %parallel_loop3A_81 = tpu.vector_load %arg9[%parallel_loop3A_80] {strides = array<i32>} : memref<16384xi32, #tpu.memory_space<vmem>>, vector<16xi32>,
        %parallel_loop3A_82 = tpu.vector_load_idx %arg8[%parallel_loop3A_81] : memref<100000xf32, #tpu.memory_space<vmem>>[vector<16xi32>], vector<16xf32>,
        %parallel_loop3A_83 = arith.index_cast %parallel_loop3A_77 : i32 to index
        %parallel_loop3A_84 = tpu.vector_load %arg10[%parallel_loop3A_83] {strides = array<i32>} : memref<8192xf32, #tpu.memory_space<vmem>>, vector<16xf32>,
        tpu.vector_store %arg10[%parallel_loop3A_83], %parallel_loop3A_82 {strides = array<i32>} : memref<8192xf32, #tpu.memory_space<vmem>>, vector<16xf32>,
      } {sc.loop_unroll_factor = 16 : i64, sc.parallel_access}
      "tpu.region"() ({
        %run_scoped3A = tpu.sem_alloc : memref<!tpu.dma_semaphore, #tpu.memory_space<semaphore_mem>>
        %dma_start3A = arith.constant 0 : i32
        %dma_start3A_77 = tpu.memref_slice %arg7[%add3A_41, %dma_start3A] : memref<64x16384xf32, #tpu.memory_space<hbm>> -> memref<1x8192xf32, #tpu.memory_space<hbm>>
        %dma_start3A_78 = tpu.memref_squeeze %dma_start3A_77 : memref<1x8192xf32, #tpu.memory_space<hbm>> -> memref<8192xf32, #tpu.memory_space<hbm>>
        %dma_start3A_79 = arith.constant 0 : i32
        %dma_start3A_80 = tpu.memref_slice %arg7[%add3A_41, %dma_start3A_79] : memref<64x16384xf32, #tpu.memory_space<hbm>> -> memref<1x8192xf32, #tpu.memory_space<hbm>>
        %dma_start3A_81 = tpu.memref_squeeze %dma_start3A_80 : memref<1x8192xf32, #tpu.memory_space<hbm>> -> memref<8192xf32, #tpu.memory_space<hbm>>
        tpu.enqueue_dma source(%arg10 : memref<8192xf32, #tpu.memory_space<vmem>>) target(%dma_start3A_81 : memref<8192xf32, #tpu.memory_space<hbm>>) target_semaphore(%run_scoped3A : memref<!tpu.dma_semaphore, #tpu.memory_space<semaphore_mem>>)
        %dma_wait3A = arith.constant 0 : i32
        %dma_wait3A_82 = tpu.memref_slice %arg7[%add3A_41, %dma_wait3A] : memref<64x16384xf32, #tpu.memory_space<hbm>> -> memref<1x8192xf32, #tpu.memory_space<hbm>>
        %dma_wait3A_83 = tpu.memref_squeeze %dma_wait3A_82 : memref<1x8192xf32, #tpu.memory_space<hbm>> -> memref<8192xf32, #tpu.memory_space<hbm>>
        %dma_wait3A_84 = arith.constant 0 : i32
        %dma_wait3A_85 = tpu.memref_slice %arg7[%add3A_41, %dma_wait3A_84] : memref<64x16384xf32, #tpu.memory_space<hbm>> -> memref<1x8192xf32, #tpu.memory_space<hbm>>
        %dma_wait3A_86 = tpu.memref_squeeze %dma_wait3A_85 : memref<1x8192xf32, #tpu.memory_space<hbm>> -> memref<8192xf32, #tpu.memory_space<hbm>>
        tpu.wait_dma2 semaphore(%run_scoped3A : memref<!tpu.dma_semaphore, #tpu.memory_space<semaphore_mem>>) src(%arg10 : memref<8192xf32, #tpu.memory_space<vmem>>) dst(%dma_wait3A_86 : memref<8192xf32, #tpu.memory_space<hbm>>)
        tpu.yield
      }) : () -> ()
      %parallel_loop3A_44 = arith.constant 0 : i32
      %parallel_loop3A_45 = arith.constant 8192 : i32
      %parallel_loop3A_46 = arith.constant 16 : i32
      scf.for %parallel_loop3A_77 = %parallel_loop3A_44 to %parallel_loop3A_45 step %parallel_loop3A_46  : i32 {
        %parallel_loop3A_78 = arith.constant 8192 : i32
        %parallel_loop3A_79 = arith.addi %parallel_loop3A_78, %parallel_loop3A_77 : i32
        %parallel_loop3A_80 = arith.index_cast %parallel_loop3A_79 : i32 to index
        %parallel_loop3A_81 = tpu.vector_load %arg9[%parallel_loop3A_80] {strides = array<i32>} : memref<16384xi32, #tpu.memory_space<vmem>>, vector<16xi32>,
        %parallel_loop3A_82 = tpu.vector_load_idx %arg8[%parallel_loop3A_81] : memref<100000xf32, #tpu.memory_space<vmem>>[vector<16xi32>], vector<16xf32>,
        %parallel_loop3A_83 = arith.index_cast %parallel_loop3A_77 : i32 to index
        %parallel_loop3A_84 = tpu.vector_load %arg10[%parallel_loop3A_83] {strides = array<i32>} : memref<8192xf32, #tpu.memory_space<vmem>>, vector<16xf32>,
        tpu.vector_store %arg10[%parallel_loop3A_83], %parallel_loop3A_82 {strides = array<i32>} : memref<8192xf32, #tpu.memory_space<vmem>>, vector<16xf32>,
      } {sc.loop_unroll_factor = 16 : i64, sc.parallel_access}
      "tpu.region"() ({
        %run_scoped3A = tpu.sem_alloc : memref<!tpu.dma_semaphore, #tpu.memory_space<semaphore_mem>>
        %dma_start3A = arith.constant 8192 : i32
        %dma_start3A_77 = tpu.memref_slice %arg7[%add3A_41, %dma_start3A] : memref<64x16384xf32, #tpu.memory_space<hbm>> -> memref<1x8192xf32, #tpu.memory_space<hbm>>
        %dma_start3A_78 = tpu.memref_squeeze %dma_start3A_77 : memref<1x8192xf32, #tpu.memory_space<hbm>> -> memref<8192xf32, #tpu.memory_space<hbm>>
        %dma_start3A_79 = arith.constant 8192 : i32
        %dma_start3A_80 = tpu.memref_slice %arg7[%add3A_41, %dma_start3A_79] : memref<64x16384xf32, #tpu.memory_space<hbm>> -> memref<1x8192xf32, #tpu.memory_space<hbm>>
        %dma_start3A_81 = tpu.memref_squeeze %dma_start3A_80 : memref<1x8192xf32, #tpu.memory_space<hbm>> -> memref<8192xf32, #tpu.memory_space<hbm>>
        tpu.enqueue_dma source(%arg10 : memref<8192xf32, #tpu.memory_space<vmem>>) target(%dma_start3A_81 : memref<8192xf32, #tpu.memory_space<hbm>>) target_semaphore(%run_scoped3A : memref<!tpu.dma_semaphore, #tpu.memory_space<semaphore_mem>>)
        %dma_wait3A = arith.constant 8192 : i32
        %dma_wait3A_82 = tpu.memref_slice %arg7[%add3A_41, %dma_wait3A] : memref<64x16384xf32, #tpu.memory_space<hbm>> -> memref<1x8192xf32, #tpu.memory_space<hbm>>
        %dma_wait3A_83 = tpu.memref_squeeze %dma_wait3A_82 : memref<1x8192xf32, #tpu.memory_space<hbm>> -> memref<8192xf32, #tpu.memory_space<hbm>>
        %dma_wait3A_84 = arith.constant 8192 : i32
        %dma_wait3A_85 = tpu.memref_slice %arg7[%add3A_41, %dma_wait3A_84] : memref<64x16384xf32, #tpu.memory_space<hbm>> -> memref<1x8192xf32, #tpu.memory_space<hbm>>
        %dma_wait3A_86 = tpu.memref_squeeze %dma_wait3A_85 : memref<1x8192xf32, #tpu.memory_space<hbm>> -> memref<8192xf32, #tpu.memory_space<hbm>>
        tpu.wait_dma2 semaphore(%run_scoped3A : memref<!tpu.dma_semaphore, #tpu.memory_space<semaphore_mem>>) src(%arg10 : memref<8192xf32, #tpu.memory_space<vmem>>) dst(%dma_wait3A_86 : memref<8192xf32, #tpu.memory_space<hbm>>)
        tpu.yield
      }) : () -> ()
      %mul3A_47 = arith.constant 4 : i32
      %mul3A_48 = arith.muli %select_n3A, %mul3A_47 : i32
      %add3A_49 = arith.constant 1 : i32
      %add3A_50 = arith.addi %mul3A_48, %add3A_49 : i32
      "tpu.region"() ({
        %run_scoped3A = tpu.sem_alloc : memref<!tpu.dma_semaphore, #tpu.memory_space<semaphore_mem>>
        %dma_start3A = arith.constant 0 : i32
        %dma_start3A_77 = tpu.memref_slice %arg5[%add3A_50, %dma_start3A] : memref<64x100000xf32, #tpu.memory_space<hbm>> -> memref<1x100000xf32, #tpu.memory_space<hbm>>
        %dma_start3A_78 = tpu.memref_squeeze %dma_start3A_77 : memref<1x100000xf32, #tpu.memory_space<hbm>> -> memref<100000xf32, #tpu.memory_space<hbm>>
        %dma_start3A_79 = arith.constant 0 : i32
        %dma_start3A_80 = tpu.memref_slice %arg5[%add3A_50, %dma_start3A_79] : memref<64x100000xf32, #tpu.memory_space<hbm>> -> memref<1x100000xf32, #tpu.memory_space<hbm>>
        %dma_start3A_81 = tpu.memref_squeeze %dma_start3A_80 : memref<1x100000xf32, #tpu.memory_space<hbm>> -> memref<100000xf32, #tpu.memory_space<hbm>>
        tpu.enqueue_dma source(%dma_start3A_81 : memref<100000xf32, #tpu.memory_space<hbm>>) target(%arg8 : memref<100000xf32, #tpu.memory_space<vmem>>) target_semaphore(%run_scoped3A : memref<!tpu.dma_semaphore, #tpu.memory_space<semaphore_mem>>)
        %dma_wait3A = arith.constant 0 : i32
        %dma_wait3A_82 = tpu.memref_slice %arg5[%add3A_50, %dma_wait3A] : memref<64x100000xf32, #tpu.memory_space<hbm>> -> memref<1x100000xf32, #tpu.memory_space<hbm>>
        %dma_wait3A_83 = tpu.memref_squeeze %dma_wait3A_82 : memref<1x100000xf32, #tpu.memory_space<hbm>> -> memref<100000xf32, #tpu.memory_space<hbm>>
        %dma_wait3A_84 = arith.constant 0 : i32
        %dma_wait3A_85 = tpu.memref_slice %arg5[%add3A_50, %dma_wait3A_84] : memref<64x100000xf32, #tpu.memory_space<hbm>> -> memref<1x100000xf32, #tpu.memory_space<hbm>>
        %dma_wait3A_86 = tpu.memref_squeeze %dma_wait3A_85 : memref<1x100000xf32, #tpu.memory_space<hbm>> -> memref<100000xf32, #tpu.memory_space<hbm>>
        tpu.wait_dma2 semaphore(%run_scoped3A : memref<!tpu.dma_semaphore, #tpu.memory_space<semaphore_mem>>) src(%dma_wait3A_86 : memref<100000xf32, #tpu.memory_space<hbm>>) dst(%arg8 : memref<100000xf32, #tpu.memory_space<vmem>>)
        tpu.yield
      }) : () -> ()
      %parallel_loop3A_51 = arith.constant 0 : i32
      %parallel_loop3A_52 = arith.constant 8192 : i32
      %parallel_loop3A_53 = arith.constant 16 : i32
      scf.for %parallel_loop3A_77 = %parallel_loop3A_51 to %parallel_loop3A_52 step %parallel_loop3A_53  : i32 {
        %parallel_loop3A_78 = arith.constant 0 : i32
        %parallel_loop3A_79 = arith.addi %parallel_loop3A_78, %parallel_loop3A_77 : i32
        %parallel_loop3A_80 = arith.index_cast %parallel_loop3A_79 : i32 to index
        %parallel_loop3A_81 = tpu.vector_load %arg9[%parallel_loop3A_80] {strides = array<i32>} : memref<16384xi32, #tpu.memory_space<vmem>>, vector<16xi32>,
        %parallel_loop3A_82 = tpu.vector_load_idx %arg8[%parallel_loop3A_81] : memref<100000xf32, #tpu.memory_space<vmem>>[vector<16xi32>], vector<16xf32>,
        %parallel_loop3A_83 = arith.index_cast %parallel_loop3A_77 : i32 to index
        %parallel_loop3A_84 = tpu.vector_load %arg10[%parallel_loop3A_83] {strides = array<i32>} : memref<8192xf32, #tpu.memory_space<vmem>>, vector<16xf32>,
        tpu.vector_store %arg10[%parallel_loop3A_83], %parallel_loop3A_82 {strides = array<i32>} : memref<8192xf32, #tpu.memory_space<vmem>>, vector<16xf32>,
      } {sc.loop_unroll_factor = 16 : i64, sc.parallel_access}
      "tpu.region"() ({
        %run_scoped3A = tpu.sem_alloc : memref<!tpu.dma_semaphore, #tpu.memory_space<semaphore_mem>>
        %dma_start3A = arith.constant 0 : i32
        %dma_start3A_77 = tpu.memref_slice %arg7[%add3A_50, %dma_start3A] : memref<64x16384xf32, #tpu.memory_space<hbm>> -> memref<1x8192xf32, #tpu.memory_space<hbm>>
        %dma_start3A_78 = tpu.memref_squeeze %dma_start3A_77 : memref<1x8192xf32, #tpu.memory_space<hbm>> -> memref<8192xf32, #tpu.memory_space<hbm>>
        %dma_start3A_79 = arith.constant 0 : i32
        %dma_start3A_80 = tpu.memref_slice %arg7[%add3A_50, %dma_start3A_79] : memref<64x16384xf32, #tpu.memory_space<hbm>> -> memref<1x8192xf32, #tpu.memory_space<hbm>>
        %dma_start3A_81 = tpu.memref_squeeze %dma_start3A_80 : memref<1x8192xf32, #tpu.memory_space<hbm>> -> memref<8192xf32, #tpu.memory_space<hbm>>
        tpu.enqueue_dma source(%arg10 : memref<8192xf32, #tpu.memory_space<vmem>>) target(%dma_start3A_81 : memref<8192xf32, #tpu.memory_space<hbm>>) target_semaphore(%run_scoped3A : memref<!tpu.dma_semaphore, #tpu.memory_space<semaphore_mem>>)
        %dma_wait3A = arith.constant 0 : i32
        %dma_wait3A_82 = tpu.memref_slice %arg7[%add3A_50, %dma_wait3A] : memref<64x16384xf32, #tpu.memory_space<hbm>> -> memref<1x8192xf32, #tpu.memory_space<hbm>>
        %dma_wait3A_83 = tpu.memref_squeeze %dma_wait3A_82 : memref<1x8192xf32, #tpu.memory_space<hbm>> -> memref<8192xf32, #tpu.memory_space<hbm>>
        %dma_wait3A_84 = arith.constant 0 : i32
        %dma_wait3A_85 = tpu.memref_slice %arg7[%add3A_50, %dma_wait3A_84] : memref<64x16384xf32, #tpu.memory_space<hbm>> -> memref<1x8192xf32, #tpu.memory_space<hbm>>
        %dma_wait3A_86 = tpu.memref_squeeze %dma_wait3A_85 : memref<1x8192xf32, #tpu.memory_space<hbm>> -> memref<8192xf32, #tpu.memory_space<hbm>>
        tpu.wait_dma2 semaphore(%run_scoped3A : memref<!tpu.dma_semaphore, #tpu.memory_space<semaphore_mem>>) src(%arg10 : memref<8192xf32, #tpu.memory_space<vmem>>) dst(%dma_wait3A_86 : memref<8192xf32, #tpu.memory_space<hbm>>)
        tpu.yield
      }) : () -> ()
      %parallel_loop3A_54 = arith.constant 0 : i32
      %parallel_loop3A_55 = arith.constant 8192 : i32
      %parallel_loop3A_56 = arith.constant 16 : i32
      scf.for %parallel_loop3A_77 = %parallel_loop3A_54 to %parallel_loop3A_55 step %parallel_loop3A_56  : i32 {
        %parallel_loop3A_78 = arith.constant 8192 : i32
        %parallel_loop3A_79 = arith.addi %parallel_loop3A_78, %parallel_loop3A_77 : i32
        %parallel_loop3A_80 = arith.index_cast %parallel_loop3A_79 : i32 to index
        %parallel_loop3A_81 = tpu.vector_load %arg9[%parallel_loop3A_80] {strides = array<i32>} : memref<16384xi32, #tpu.memory_space<vmem>>, vector<16xi32>,
        %parallel_loop3A_82 = tpu.vector_load_idx %arg8[%parallel_loop3A_81] : memref<100000xf32, #tpu.memory_space<vmem>>[vector<16xi32>], vector<16xf32>,
        %parallel_loop3A_83 = arith.index_cast %parallel_loop3A_77 : i32 to index
        %parallel_loop3A_84 = tpu.vector_load %arg10[%parallel_loop3A_83] {strides = array<i32>} : memref<8192xf32, #tpu.memory_space<vmem>>, vector<16xf32>,
        tpu.vector_store %arg10[%parallel_loop3A_83], %parallel_loop3A_82 {strides = array<i32>} : memref<8192xf32, #tpu.memory_space<vmem>>, vector<16xf32>,
      } {sc.loop_unroll_factor = 16 : i64, sc.parallel_access}
      "tpu.region"() ({
        %run_scoped3A = tpu.sem_alloc : memref<!tpu.dma_semaphore, #tpu.memory_space<semaphore_mem>>
        %dma_start3A = arith.constant 8192 : i32
        %dma_start3A_77 = tpu.memref_slice %arg7[%add3A_50, %dma_start3A] : memref<64x16384xf32, #tpu.memory_space<hbm>> -> memref<1x8192xf32, #tpu.memory_space<hbm>>
        %dma_start3A_78 = tpu.memref_squeeze %dma_start3A_77 : memref<1x8192xf32, #tpu.memory_space<hbm>> -> memref<8192xf32, #tpu.memory_space<hbm>>
        %dma_start3A_79 = arith.constant 8192 : i32
        %dma_start3A_80 = tpu.memref_slice %arg7[%add3A_50, %dma_start3A_79] : memref<64x16384xf32, #tpu.memory_space<hbm>> -> memref<1x8192xf32, #tpu.memory_space<hbm>>
        %dma_start3A_81 = tpu.memref_squeeze %dma_start3A_80 : memref<1x8192xf32, #tpu.memory_space<hbm>> -> memref<8192xf32, #tpu.memory_space<hbm>>
        tpu.enqueue_dma source(%arg10 : memref<8192xf32, #tpu.memory_space<vmem>>) target(%dma_start3A_81 : memref<8192xf32, #tpu.memory_space<hbm>>) target_semaphore(%run_scoped3A : memref<!tpu.dma_semaphore, #tpu.memory_space<semaphore_mem>>)
        %dma_wait3A = arith.constant 8192 : i32
        %dma_wait3A_82 = tpu.memref_slice %arg7[%add3A_50, %dma_wait3A] : memref<64x16384xf32, #tpu.memory_space<hbm>> -> memref<1x8192xf32, #tpu.memory_space<hbm>>
        %dma_wait3A_83 = tpu.memref_squeeze %dma_wait3A_82 : memref<1x8192xf32, #tpu.memory_space<hbm>> -> memref<8192xf32, #tpu.memory_space<hbm>>
        %dma_wait3A_84 = arith.constant 8192 : i32
        %dma_wait3A_85 = tpu.memref_slice %arg7[%add3A_50, %dma_wait3A_84] : memref<64x16384xf32, #tpu.memory_space<hbm>> -> memref<1x8192xf32, #tpu.memory_space<hbm>>
        %dma_wait3A_86 = tpu.memref_squeeze %dma_wait3A_85 : memref<1x8192xf32, #tpu.memory_space<hbm>> -> memref<8192xf32, #tpu.memory_space<hbm>>
        tpu.wait_dma2 semaphore(%run_scoped3A : memref<!tpu.dma_semaphore, #tpu.memory_space<semaphore_mem>>) src(%arg10 : memref<8192xf32, #tpu.memory_space<vmem>>) dst(%dma_wait3A_86 : memref<8192xf32, #tpu.memory_space<hbm>>)
        tpu.yield
      }) : () -> ()
      %mul3A_57 = arith.constant 4 : i32
      %mul3A_58 = arith.muli %select_n3A, %mul3A_57 : i32
      %add3A_59 = arith.constant 2 : i32
      %add3A_60 = arith.addi %mul3A_58, %add3A_59 : i32
      "tpu.region"() ({
        %run_scoped3A = tpu.sem_alloc : memref<!tpu.dma_semaphore, #tpu.memory_space<semaphore_mem>>
        %dma_start3A = arith.constant 0 : i32
        %dma_start3A_77 = tpu.memref_slice %arg5[%add3A_60, %dma_start3A] : memref<64x100000xf32, #tpu.memory_space<hbm>> -> memref<1x100000xf32, #tpu.memory_space<hbm>>
        %dma_start3A_78 = tpu.memref_squeeze %dma_start3A_77 : memref<1x100000xf32, #tpu.memory_space<hbm>> -> memref<100000xf32, #tpu.memory_space<hbm>>
        %dma_start3A_79 = arith.constant 0 : i32
        %dma_start3A_80 = tpu.memref_slice %arg5[%add3A_60, %dma_start3A_79] : memref<64x100000xf32, #tpu.memory_space<hbm>> -> memref<1x100000xf32, #tpu.memory_space<hbm>>
        %dma_start3A_81 = tpu.memref_squeeze %dma_start3A_80 : memref<1x100000xf32, #tpu.memory_space<hbm>> -> memref<100000xf32, #tpu.memory_space<hbm>>
        tpu.enqueue_dma source(%dma_start3A_81 : memref<100000xf32, #tpu.memory_space<hbm>>) target(%arg8 : memref<100000xf32, #tpu.memory_space<vmem>>) target_semaphore(%run_scoped3A : memref<!tpu.dma_semaphore, #tpu.memory_space<semaphore_mem>>)
        %dma_wait3A = arith.constant 0 : i32
        %dma_wait3A_82 = tpu.memref_slice %arg5[%add3A_60, %dma_wait3A] : memref<64x100000xf32, #tpu.memory_space<hbm>> -> memref<1x100000xf32, #tpu.memory_space<hbm>>
        %dma_wait3A_83 = tpu.memref_squeeze %dma_wait3A_82 : memref<1x100000xf32, #tpu.memory_space<hbm>> -> memref<100000xf32, #tpu.memory_space<hbm>>
        %dma_wait3A_84 = arith.constant 0 : i32
        %dma_wait3A_85 = tpu.memref_slice %arg5[%add3A_60, %dma_wait3A_84] : memref<64x100000xf32, #tpu.memory_space<hbm>> -> memref<1x100000xf32, #tpu.memory_space<hbm>>
        %dma_wait3A_86 = tpu.memref_squeeze %dma_wait3A_85 : memref<1x100000xf32, #tpu.memory_space<hbm>> -> memref<100000xf32, #tpu.memory_space<hbm>>
        tpu.wait_dma2 semaphore(%run_scoped3A : memref<!tpu.dma_semaphore, #tpu.memory_space<semaphore_mem>>) src(%dma_wait3A_86 : memref<100000xf32, #tpu.memory_space<hbm>>) dst(%arg8 : memref<100000xf32, #tpu.memory_space<vmem>>)
        tpu.yield
      }) : () -> ()
      %parallel_loop3A_61 = arith.constant 0 : i32
      %parallel_loop3A_62 = arith.constant 8192 : i32
      %parallel_loop3A_63 = arith.constant 16 : i32
      scf.for %parallel_loop3A_77 = %parallel_loop3A_61 to %parallel_loop3A_62 step %parallel_loop3A_63  : i32 {
        %parallel_loop3A_78 = arith.constant 0 : i32
        %parallel_loop3A_79 = arith.addi %parallel_loop3A_78, %parallel_loop3A_77 : i32
        %parallel_loop3A_80 = arith.index_cast %parallel_loop3A_79 : i32 to index
        %parallel_loop3A_81 = tpu.vector_load %arg9[%parallel_loop3A_80] {strides = array<i32>} : memref<16384xi32, #tpu.memory_space<vmem>>, vector<16xi32>,
        %parallel_loop3A_82 = tpu.vector_load_idx %arg8[%parallel_loop3A_81] : memref<100000xf32, #tpu.memory_space<vmem>>[vector<16xi32>], vector<16xf32>,
        %parallel_loop3A_83 = arith.index_cast %parallel_loop3A_77 : i32 to index
        %parallel_loop3A_84 = tpu.vector_load %arg10[%parallel_loop3A_83] {strides = array<i32>} : memref<8192xf32, #tpu.memory_space<vmem>>, vector<16xf32>,
        tpu.vector_store %arg10[%parallel_loop3A_83], %parallel_loop3A_82 {strides = array<i32>} : memref<8192xf32, #tpu.memory_space<vmem>>, vector<16xf32>,
      } {sc.loop_unroll_factor = 16 : i64, sc.parallel_access}
      "tpu.region"() ({
        %run_scoped3A = tpu.sem_alloc : memref<!tpu.dma_semaphore, #tpu.memory_space<semaphore_mem>>
        %dma_start3A = arith.constant 0 : i32
        %dma_start3A_77 = tpu.memref_slice %arg7[%add3A_60, %dma_start3A] : memref<64x16384xf32, #tpu.memory_space<hbm>> -> memref<1x8192xf32, #tpu.memory_space<hbm>>
        %dma_start3A_78 = tpu.memref_squeeze %dma_start3A_77 : memref<1x8192xf32, #tpu.memory_space<hbm>> -> memref<8192xf32, #tpu.memory_space<hbm>>
        %dma_start3A_79 = arith.constant 0 : i32
        %dma_start3A_80 = tpu.memref_slice %arg7[%add3A_60, %dma_start3A_79] : memref<64x16384xf32, #tpu.memory_space<hbm>> -> memref<1x8192xf32, #tpu.memory_space<hbm>>
        %dma_start3A_81 = tpu.memref_squeeze %dma_start3A_80 : memref<1x8192xf32, #tpu.memory_space<hbm>> -> memref<8192xf32, #tpu.memory_space<hbm>>
        tpu.enqueue_dma source(%arg10 : memref<8192xf32, #tpu.memory_space<vmem>>) target(%dma_start3A_81 : memref<8192xf32, #tpu.memory_space<hbm>>) target_semaphore(%run_scoped3A : memref<!tpu.dma_semaphore, #tpu.memory_space<semaphore_mem>>)
        %dma_wait3A = arith.constant 0 : i32
        %dma_wait3A_82 = tpu.memref_slice %arg7[%add3A_60, %dma_wait3A] : memref<64x16384xf32, #tpu.memory_space<hbm>> -> memref<1x8192xf32, #tpu.memory_space<hbm>>
        %dma_wait3A_83 = tpu.memref_squeeze %dma_wait3A_82 : memref<1x8192xf32, #tpu.memory_space<hbm>> -> memref<8192xf32, #tpu.memory_space<hbm>>
        %dma_wait3A_84 = arith.constant 0 : i32
        %dma_wait3A_85 = tpu.memref_slice %arg7[%add3A_60, %dma_wait3A_84] : memref<64x16384xf32, #tpu.memory_space<hbm>> -> memref<1x8192xf32, #tpu.memory_space<hbm>>
        %dma_wait3A_86 = tpu.memref_squeeze %dma_wait3A_85 : memref<1x8192xf32, #tpu.memory_space<hbm>> -> memref<8192xf32, #tpu.memory_space<hbm>>
        tpu.wait_dma2 semaphore(%run_scoped3A : memref<!tpu.dma_semaphore, #tpu.memory_space<semaphore_mem>>) src(%arg10 : memref<8192xf32, #tpu.memory_space<vmem>>) dst(%dma_wait3A_86 : memref<8192xf32, #tpu.memory_space<hbm>>)
        tpu.yield
      }) : () -> ()
      %parallel_loop3A_64 = arith.constant 0 : i32
      %parallel_loop3A_65 = arith.constant 8192 : i32
      %parallel_loop3A_66 = arith.constant 16 : i32
      scf.for %parallel_loop3A_77 = %parallel_loop3A_64 to %parallel_loop3A_65 step %parallel_loop3A_66  : i32 {
        %parallel_loop3A_78 = arith.constant 8192 : i32
        %parallel_loop3A_79 = arith.addi %parallel_loop3A_78, %parallel_loop3A_77 : i32
        %parallel_loop3A_80 = arith.index_cast %parallel_loop3A_79 : i32 to index
        %parallel_loop3A_81 = tpu.vector_load %arg9[%parallel_loop3A_80] {strides = array<i32>} : memref<16384xi32, #tpu.memory_space<vmem>>, vector<16xi32>,
        %parallel_loop3A_82 = tpu.vector_load_idx %arg8[%parallel_loop3A_81] : memref<100000xf32, #tpu.memory_space<vmem>>[vector<16xi32>], vector<16xf32>,
        %parallel_loop3A_83 = arith.index_cast %parallel_loop3A_77 : i32 to index
        %parallel_loop3A_84 = tpu.vector_load %arg10[%parallel_loop3A_83] {strides = array<i32>} : memref<8192xf32, #tpu.memory_space<vmem>>, vector<16xf32>,
        tpu.vector_store %arg10[%parallel_loop3A_83], %parallel_loop3A_82 {strides = array<i32>} : memref<8192xf32, #tpu.memory_space<vmem>>, vector<16xf32>,
      } {sc.loop_unroll_factor = 16 : i64, sc.parallel_access}
      "tpu.region"() ({
        %run_scoped3A = tpu.sem_alloc : memref<!tpu.dma_semaphore, #tpu.memory_space<semaphore_mem>>
        %dma_start3A = arith.constant 8192 : i32
        %dma_start3A_77 = tpu.memref_slice %arg7[%add3A_60, %dma_start3A] : memref<64x16384xf32, #tpu.memory_space<hbm>> -> memref<1x8192xf32, #tpu.memory_space<hbm>>
        %dma_start3A_78 = tpu.memref_squeeze %dma_start3A_77 : memref<1x8192xf32, #tpu.memory_space<hbm>> -> memref<8192xf32, #tpu.memory_space<hbm>>
        %dma_start3A_79 = arith.constant 8192 : i32
        %dma_start3A_80 = tpu.memref_slice %arg7[%add3A_60, %dma_start3A_79] : memref<64x16384xf32, #tpu.memory_space<hbm>> -> memref<1x8192xf32, #tpu.memory_space<hbm>>
        %dma_start3A_81 = tpu.memref_squeeze %dma_start3A_80 : memref<1x8192xf32, #tpu.memory_space<hbm>> -> memref<8192xf32, #tpu.memory_space<hbm>>
        tpu.enqueue_dma source(%arg10 : memref<8192xf32, #tpu.memory_space<vmem>>) target(%dma_start3A_81 : memref<8192xf32, #tpu.memory_space<hbm>>) target_semaphore(%run_scoped3A : memref<!tpu.dma_semaphore, #tpu.memory_space<semaphore_mem>>)
        %dma_wait3A = arith.constant 8192 : i32
        %dma_wait3A_82 = tpu.memref_slice %arg7[%add3A_60, %dma_wait3A] : memref<64x16384xf32, #tpu.memory_space<hbm>> -> memref<1x8192xf32, #tpu.memory_space<hbm>>
        %dma_wait3A_83 = tpu.memref_squeeze %dma_wait3A_82 : memref<1x8192xf32, #tpu.memory_space<hbm>> -> memref<8192xf32, #tpu.memory_space<hbm>>
        %dma_wait3A_84 = arith.constant 8192 : i32
        %dma_wait3A_85 = tpu.memref_slice %arg7[%add3A_60, %dma_wait3A_84] : memref<64x16384xf32, #tpu.memory_space<hbm>> -> memref<1x8192xf32, #tpu.memory_space<hbm>>
        %dma_wait3A_86 = tpu.memref_squeeze %dma_wait3A_85 : memref<1x8192xf32, #tpu.memory_space<hbm>> -> memref<8192xf32, #tpu.memory_space<hbm>>
        tpu.wait_dma2 semaphore(%run_scoped3A : memref<!tpu.dma_semaphore, #tpu.memory_space<semaphore_mem>>) src(%arg10 : memref<8192xf32, #tpu.memory_space<vmem>>) dst(%dma_wait3A_86 : memref<8192xf32, #tpu.memory_space<hbm>>)
        tpu.yield
      }) : () -> ()
      %mul3A_67 = arith.constant 4 : i32
      %mul3A_68 = arith.muli %select_n3A, %mul3A_67 : i32
      %add3A_69 = arith.constant 3 : i32
      %add3A_70 = arith.addi %mul3A_68, %add3A_69 : i32
      "tpu.region"() ({
        %run_scoped3A = tpu.sem_alloc : memref<!tpu.dma_semaphore, #tpu.memory_space<semaphore_mem>>
        %dma_start3A = arith.constant 0 : i32
        %dma_start3A_77 = tpu.memref_slice %arg5[%add3A_70, %dma_start3A] : memref<64x100000xf32, #tpu.memory_space<hbm>> -> memref<1x100000xf32, #tpu.memory_space<hbm>>
        %dma_start3A_78 = tpu.memref_squeeze %dma_start3A_77 : memref<1x100000xf32, #tpu.memory_space<hbm>> -> memref<100000xf32, #tpu.memory_space<hbm>>
        %dma_start3A_79 = arith.constant 0 : i32
        %dma_start3A_80 = tpu.memref_slice %arg5[%add3A_70, %dma_start3A_79] : memref<64x100000xf32, #tpu.memory_space<hbm>> -> memref<1x100000xf32, #tpu.memory_space<hbm>>
        %dma_start3A_81 = tpu.memref_squeeze %dma_start3A_80 : memref<1x100000xf32, #tpu.memory_space<hbm>> -> memref<100000xf32, #tpu.memory_space<hbm>>
        tpu.enqueue_dma source(%dma_start3A_81 : memref<100000xf32, #tpu.memory_space<hbm>>) target(%arg8 : memref<100000xf32, #tpu.memory_space<vmem>>) target_semaphore(%run_scoped3A : memref<!tpu.dma_semaphore, #tpu.memory_space<semaphore_mem>>)
        %dma_wait3A = arith.constant 0 : i32
        %dma_wait3A_82 = tpu.memref_slice %arg5[%add3A_70, %dma_wait3A] : memref<64x100000xf32, #tpu.memory_space<hbm>> -> memref<1x100000xf32, #tpu.memory_space<hbm>>
        %dma_wait3A_83 = tpu.memref_squeeze %dma_wait3A_82 : memref<1x100000xf32, #tpu.memory_space<hbm>> -> memref<100000xf32, #tpu.memory_space<hbm>>
        %dma_wait3A_84 = arith.constant 0 : i32
        %dma_wait3A_85 = tpu.memref_slice %arg5[%add3A_70, %dma_wait3A_84] : memref<64x100000xf32, #tpu.memory_space<hbm>> -> memref<1x100000xf32, #tpu.memory_space<hbm>>
        %dma_wait3A_86 = tpu.memref_squeeze %dma_wait3A_85 : memref<1x100000xf32, #tpu.memory_space<hbm>> -> memref<100000xf32, #tpu.memory_space<hbm>>
        tpu.wait_dma2 semaphore(%run_scoped3A : memref<!tpu.dma_semaphore, #tpu.memory_space<semaphore_mem>>) src(%dma_wait3A_86 : memref<100000xf32, #tpu.memory_space<hbm>>) dst(%arg8 : memref<100000xf32, #tpu.memory_space<vmem>>)
        tpu.yield
      }) : () -> ()
      %parallel_loop3A_71 = arith.constant 0 : i32
      %parallel_loop3A_72 = arith.constant 8192 : i32
      %parallel_loop3A_73 = arith.constant 16 : i32
      scf.for %parallel_loop3A_77 = %parallel_loop3A_71 to %parallel_loop3A_72 step %parallel_loop3A_73  : i32 {
        %parallel_loop3A_78 = arith.constant 0 : i32
        %parallel_loop3A_79 = arith.addi %parallel_loop3A_78, %parallel_loop3A_77 : i32
        %parallel_loop3A_80 = arith.index_cast %parallel_loop3A_79 : i32 to index
        %parallel_loop3A_81 = tpu.vector_load %arg9[%parallel_loop3A_80] {strides = array<i32>} : memref<16384xi32, #tpu.memory_space<vmem>>, vector<16xi32>,
        %parallel_loop3A_82 = tpu.vector_load_idx %arg8[%parallel_loop3A_81] : memref<100000xf32, #tpu.memory_space<vmem>>[vector<16xi32>], vector<16xf32>,
        %parallel_loop3A_83 = arith.index_cast %parallel_loop3A_77 : i32 to index
        %parallel_loop3A_84 = tpu.vector_load %arg10[%parallel_loop3A_83] {strides = array<i32>} : memref<8192xf32, #tpu.memory_space<vmem>>, vector<16xf32>,
        tpu.vector_store %arg10[%parallel_loop3A_83], %parallel_loop3A_82 {strides = array<i32>} : memref<8192xf32, #tpu.memory_space<vmem>>, vector<16xf32>,
      } {sc.loop_unroll_factor = 16 : i64, sc.parallel_access}
      "tpu.region"() ({
        %run_scoped3A = tpu.sem_alloc : memref<!tpu.dma_semaphore, #tpu.memory_space<semaphore_mem>>
        %dma_start3A = arith.constant 0 : i32
        %dma_start3A_77 = tpu.memref_slice %arg7[%add3A_70, %dma_start3A] : memref<64x16384xf32, #tpu.memory_space<hbm>> -> memref<1x8192xf32, #tpu.memory_space<hbm>>
        %dma_start3A_78 = tpu.memref_squeeze %dma_start3A_77 : memref<1x8192xf32, #tpu.memory_space<hbm>> -> memref<8192xf32, #tpu.memory_space<hbm>>
        %dma_start3A_79 = arith.constant 0 : i32
        %dma_start3A_80 = tpu.memref_slice %arg7[%add3A_70, %dma_start3A_79] : memref<64x16384xf32, #tpu.memory_space<hbm>> -> memref<1x8192xf32, #tpu.memory_space<hbm>>
        %dma_start3A_81 = tpu.memref_squeeze %dma_start3A_80 : memref<1x8192xf32, #tpu.memory_space<hbm>> -> memref<8192xf32, #tpu.memory_space<hbm>>
        tpu.enqueue_dma source(%arg10 : memref<8192xf32, #tpu.memory_space<vmem>>) target(%dma_start3A_81 : memref<8192xf32, #tpu.memory_space<hbm>>) target_semaphore(%run_scoped3A : memref<!tpu.dma_semaphore, #tpu.memory_space<semaphore_mem>>)
        %dma_wait3A = arith.constant 0 : i32
        %dma_wait3A_82 = tpu.memref_slice %arg7[%add3A_70, %dma_wait3A] : memref<64x16384xf32, #tpu.memory_space<hbm>> -> memref<1x8192xf32, #tpu.memory_space<hbm>>
        %dma_wait3A_83 = tpu.memref_squeeze %dma_wait3A_82 : memref<1x8192xf32, #tpu.memory_space<hbm>> -> memref<8192xf32, #tpu.memory_space<hbm>>
        %dma_wait3A_84 = arith.constant 0 : i32
        %dma_wait3A_85 = tpu.memref_slice %arg7[%add3A_70, %dma_wait3A_84] : memref<64x16384xf32, #tpu.memory_space<hbm>> -> memref<1x8192xf32, #tpu.memory_space<hbm>>
        %dma_wait3A_86 = tpu.memref_squeeze %dma_wait3A_85 : memref<1x8192xf32, #tpu.memory_space<hbm>> -> memref<8192xf32, #tpu.memory_space<hbm>>
        tpu.wait_dma2 semaphore(%run_scoped3A : memref<!tpu.dma_semaphore, #tpu.memory_space<semaphore_mem>>) src(%arg10 : memref<8192xf32, #tpu.memory_space<vmem>>) dst(%dma_wait3A_86 : memref<8192xf32, #tpu.memory_space<hbm>>)
        tpu.yield
      }) : () -> ()
      %parallel_loop3A_74 = arith.constant 0 : i32
      %parallel_loop3A_75 = arith.constant 8192 : i32
      %parallel_loop3A_76 = arith.constant 16 : i32
      scf.for %parallel_loop3A_77 = %parallel_loop3A_74 to %parallel_loop3A_75 step %parallel_loop3A_76  : i32 {
        %parallel_loop3A_78 = arith.constant 8192 : i32
        %parallel_loop3A_79 = arith.addi %parallel_loop3A_78, %parallel_loop3A_77 : i32
        %parallel_loop3A_80 = arith.index_cast %parallel_loop3A_79 : i32 to index
        %parallel_loop3A_81 = tpu.vector_load %arg9[%parallel_loop3A_80] {strides = array<i32>} : memref<16384xi32, #tpu.memory_space<vmem>>, vector<16xi32>,
        %parallel_loop3A_82 = tpu.vector_load_idx %arg8[%parallel_loop3A_81] : memref<100000xf32, #tpu.memory_space<vmem>>[vector<16xi32>], vector<16xf32>,
        %parallel_loop3A_83 = arith.index_cast %parallel_loop3A_77 : i32 to index
        %parallel_loop3A_84 = tpu.vector_load %arg10[%parallel_loop3A_83] {strides = array<i32>} : memref<8192xf32, #tpu.memory_space<vmem>>, vector<16xf32>,
        tpu.vector_store %arg10[%parallel_loop3A_83], %parallel_loop3A_82 {strides = array<i32>} : memref<8192xf32, #tpu.memory_space<vmem>>, vector<16xf32>,
      } {sc.loop_unroll_factor = 16 : i64, sc.parallel_access}
      "tpu.region"() ({
        %run_scoped3A = tpu.sem_alloc : memref<!tpu.dma_semaphore, #tpu.memory_space<semaphore_mem>>
        %dma_start3A = arith.constant 8192 : i32
        %dma_start3A_77 = tpu.memref_slice %arg7[%add3A_70, %dma_start3A] : memref<64x16384xf32, #tpu.memory_space<hbm>> -> memref<1x8192xf32, #tpu.memory_space<hbm>>
        %dma_start3A_78 = tpu.memref_squeeze %dma_start3A_77 : memref<1x8192xf32, #tpu.memory_space<hbm>> -> memref<8192xf32, #tpu.memory_space<hbm>>
        %dma_start3A_79 = arith.constant 8192 : i32
        %dma_start3A_80 = tpu.memref_slice %arg7[%add3A_70, %dma_start3A_79] : memref<64x16384xf32, #tpu.memory_space<hbm>> -> memref<1x8192xf32, #tpu.memory_space<hbm>>
        %dma_start3A_81 = tpu.memref_squeeze %dma_start3A_80 : memref<1x8192xf32, #tpu.memory_space<hbm>> -> memref<8192xf32, #tpu.memory_space<hbm>>
        tpu.enqueue_dma source(%arg10 : memref<8192xf32, #tpu.memory_space<vmem>>) target(%dma_start3A_81 : memref<8192xf32, #tpu.memory_space<hbm>>) target_semaphore(%run_scoped3A : memref<!tpu.dma_semaphore, #tpu.memory_space<semaphore_mem>>)
        %dma_wait3A = arith.constant 8192 : i32
        %dma_wait3A_82 = tpu.memref_slice %arg7[%add3A_70, %dma_wait3A] : memref<64x16384xf32, #tpu.memory_space<hbm>> -> memref<1x8192xf32, #tpu.memory_space<hbm>>
        %dma_wait3A_83 = tpu.memref_squeeze %dma_wait3A_82 : memref<1x8192xf32, #tpu.memory_space<hbm>> -> memref<8192xf32, #tpu.memory_space<hbm>>
        %dma_wait3A_84 = arith.constant 8192 : i32
        %dma_wait3A_85 = tpu.memref_slice %arg7[%add3A_70, %dma_wait3A_84] : memref<64x16384xf32, #tpu.memory_space<hbm>> -> memref<1x8192xf32, #tpu.memory_space<hbm>>
        %dma_wait3A_86 = tpu.memref_squeeze %dma_wait3A_85 : memref<1x8192xf32, #tpu.memory_space<hbm>> -> memref<8192xf32, #tpu.memory_space<hbm>>
        tpu.wait_dma2 semaphore(%run_scoped3A : memref<!tpu.dma_semaphore, #tpu.memory_space<semaphore_mem>>) src(%arg10 : memref<8192xf32, #tpu.memory_space<vmem>>) dst(%dma_wait3A_86 : memref<8192xf32, #tpu.memory_space<hbm>>)
        tpu.yield
      }) : () -> ()
    } else {
    }
    return
  }
}

module attributes {stable_mosaic.version = 14 : i64} {
  func.func @_mlp_body(%arg0: i32, %arg1: memref<64x4096xf32, #tpu.memory_space<vmem>>, %arg2: memref<64x4096xf32, #tpu.memory_space<vmem>>, %arg3: memref<256x128xf32, #tpu.memory_space<vmem>>, %arg4: memref<256x1xf32, #tpu.memory_space<vmem>>, %arg5: memref<1x256xf32, #tpu.memory_space<vmem>>, %arg6: memref<1x1xf32, #tpu.memory_space<vmem>>, %arg7: memref<4096xf32, #tpu.memory_space<vmem>>) attributes {dimension_semantics = [#tpu.dimension_semantics<parallel>], iteration_bounds = array<i64: 4>, scalar_prefetch = 0 : i64, scratch_operands = 0 : i64, tpu.core_type = #tpu.core_type<tc>, window_params = [{transform_indices = @transform_0, window_bounds = array<i64: 64, 4096>}, {transform_indices = @transform_1, window_bounds = array<i64: 64, 4096>}, {pipeline_mode = #tpu.pipeline_mode<synchronous>, transform_indices = @transform_2, window_bounds = array<i64: 256, 128>}, {pipeline_mode = #tpu.pipeline_mode<synchronous>, transform_indices = @transform_3, window_bounds = array<i64: 256, 1>}, {pipeline_mode = #tpu.pipeline_mode<synchronous>, transform_indices = @transform_4, window_bounds = array<i64: 1, 256>}, {pipeline_mode = #tpu.pipeline_mode<synchronous>, transform_indices = @transform_5, window_bounds = array<i64: 1, 1>}, {transform_indices = @transform_6, window_bounds = array<i64: 4096>}]} {
    %get3A = arith.constant 0 : index
    %get3A_0 = arith.constant 0 : index
    %get3A_1 = vector.load %arg3[%get3A, %get3A_0] : memref<256x128xf32, #tpu.memory_space<vmem>>, vector<256x64xf32>
    %get3A_2 = arith.constant 0 : index
    %get3A_3 = arith.constant 64 : index
    %get3A_4 = vector.load %arg3[%get3A_2, %get3A_3] : memref<256x128xf32, #tpu.memory_space<vmem>>, vector<256x64xf32>
    %get3A_5 = arith.constant 0 : index
    %get3A_6 = arith.constant 0 : index
    %get3A_7 = vector.load %arg1[%get3A_5, %get3A_6] : memref<64x4096xf32, #tpu.memory_space<vmem>>, vector<64x4096xf32>
    %dot_general3A = arith.constant dense<0.000000e+00> : vector<256x4096xf32>
    %dot_general3A_8 = tpu.matmul %get3A_1, %get3A_7, %dot_general3A {dimension_numbers = #tpu.dot_dimension_numbers<[1], [0], [0], [1], [0, 0, 1, 1], [], []>, transpose_lhs_hint = false} : vector<256x64xf32>, vector<64x4096xf32>, vector<256x4096xf32> -> vector<256x4096xf32>
    %get3A_9 = arith.constant 0 : index
    %get3A_10 = arith.constant 0 : index
    %get3A_11 = vector.load %arg2[%get3A_9, %get3A_10] : memref<64x4096xf32, #tpu.memory_space<vmem>>, vector<64x4096xf32>
    %dot_general3A_12 = arith.constant dense<0.000000e+00> : vector<256x4096xf32>
    %dot_general3A_13 = tpu.matmul %get3A_4, %get3A_11, %dot_general3A_12 {dimension_numbers = #tpu.dot_dimension_numbers<[1], [0], [0], [1], [0, 0, 1, 1], [], []>, transpose_lhs_hint = false} : vector<256x64xf32>, vector<64x4096xf32>, vector<256x4096xf32> -> vector<256x4096xf32>
    %add3A = arith.addf %dot_general3A_8, %dot_general3A_13 : vector<256x4096xf32>
    %get3A_14 = arith.constant 0 : index
    %get3A_15 = arith.constant 0 : index
    %get3A_16 = vector.load %arg4[%get3A_14, %get3A_15] : memref<256x1xf32, #tpu.memory_space<vmem>>, vector<256x1xf32>
    %add3A_17 = vector.broadcast %get3A_16 : vector<256x1xf32> to vector<256x4096xf32>
    %add3A_18 = arith.addf %add3A, %add3A_17 : vector<256x4096xf32>
    %max3A = arith.constant 0.000000e+00 : f32
    %max3A_19 = vector.broadcast %max3A : f32 to vector<256x4096xf32>
    %max3A_20 = arith.maximumf %add3A_18, %max3A_19 : vector<256x4096xf32>
    %get3A_21 = arith.constant 0 : index
    %get3A_22 = arith.constant 0 : index
    %get3A_23 = vector.load %arg5[%get3A_21, %get3A_22] : memref<1x256xf32, #tpu.memory_space<vmem>>, vector<1x256xf32>
    %dot_general3A_24 = arith.constant dense<0.000000e+00> : vector<1x4096xf32>
    %dot_general3A_25 = tpu.matmul %get3A_23, %max3A_20, %dot_general3A_24 {dimension_numbers = #tpu.dot_dimension_numbers<[1], [0], [0], [1], [0, 0, 1, 1], [], []>, transpose_lhs_hint = false} : vector<1x256xf32>, vector<256x4096xf32>, vector<1x4096xf32> -> vector<1x4096xf32>
    %squeeze3A = vector.shape_cast %dot_general3A_25 : vector<1x4096xf32> to vector<4096xf32>
    %get3A_26 = arith.constant 0 : index
    %get3A_27 = arith.constant 0 : index
    %get3A_28 = vector.load %arg6[%get3A_26, %get3A_27] : memref<1x1xf32, #tpu.memory_space<vmem>>, vector<1x1xf32>
    %get3A_29 = vector.extract %get3A_28[0, 0] : f32 from vector<1x1xf32>
    %add3A_30 = vector.broadcast %get3A_29 : f32 to vector<4096xf32>
    %add3A_31 = arith.addf %squeeze3A, %add3A_30 : vector<4096xf32>
    %swap3A = arith.constant 0 : index
    %swap3A_32 = vector.load %arg7[%swap3A] : memref<4096xf32, #tpu.memory_space<vmem>>, vector<4096xf32>
    tpu.vector_store %arg7[%swap3A], %add3A_31 {strides = array<i32>} : memref<4096xf32, #tpu.memory_space<vmem>>, vector<4096xf32>,
    return
  }
  func.func @transform_0(%arg0: i32) -> (i32, i32) {
    %c0_i32 = arith.constant 0 : i32
    %c0_i32_0 = arith.constant 0 : i32
    return %c0_i32, %arg0 : i32, i32
  }
  func.func @transform_1(%arg0: i32) -> (i32, i32) {
    %c0_i32 = arith.constant 0 : i32
    %c0_i32_0 = arith.constant 0 : i32
    return %c0_i32, %arg0 : i32, i32
  }
  func.func @transform_2(%arg0: i32) -> (i32, i32) {
    %c0_i32 = arith.constant 0 : i32
    %c0_i32_0 = arith.constant 0 : i32
    %c0_i32_1 = arith.constant 0 : i32
    return %c0_i32, %c0_i32_0 : i32, i32
  }
  func.func @transform_3(%arg0: i32) -> (i32, i32) {
    %c0_i32 = arith.constant 0 : i32
    %c0_i32_0 = arith.constant 0 : i32
    %c0_i32_1 = arith.constant 0 : i32
    return %c0_i32, %c0_i32_0 : i32, i32
  }
  func.func @transform_4(%arg0: i32) -> (i32, i32) {
    %c0_i32 = arith.constant 0 : i32
    %c0_i32_0 = arith.constant 0 : i32
    %c0_i32_1 = arith.constant 0 : i32
    return %c0_i32, %c0_i32_0 : i32, i32
  }
  func.func @transform_5(%arg0: i32) -> (i32, i32) {
    %c0_i32 = arith.constant 0 : i32
    %c0_i32_0 = arith.constant 0 : i32
    %c0_i32_1 = arith.constant 0 : i32
    return %c0_i32, %c0_i32_0 : i32, i32
  }
  func.func @transform_6(%arg0: i32) -> i32 {
    %c0_i32 = arith.constant 0 : i32
    return %arg0 : i32
  }
}

</mosaic_0001>

<sc_bundles>
// kernel: kernel.4.cloned.1.call-start
scs
__scs_entry_jumppad:
0x0: {  	(pc) =	sbr.rel $0x88, $3  }
0x1: {  	(tag) =	ssettag $0x0;
	lr =	simm.s32 $0x1  }
0x2: {  	[smem:$0x3F9A] =	sst lr;
	_ =	strace $0xD0000000  }
0x3: {  	_ = 	snop  }
0x4: {  	_ = 	snop  }
0x5: {  	_ = 	snop  }
0x6: {  	_ = 	snop  }
0x7: {  	_ = 	snop  }
__scs_overlays_trampoline_lowered:
0x8: {  	[smem:$0x3FA9] =	sst s0  }
0x9: {  	[smem:$0x3FAA] =	sst s1  }
0xa: {  	[smem:$0x3FAB] =	sst s2  }
0xb: {  	[smem:$0x3FAC] =	sst s3  }
0xc: {  	[smem:$0x3FAD] =	sst s4  }
0xd: {  	[smem:$0x3FAE] =	sst s5  }
0xe: {  	[smem:$0x3FAF] =	sst s6  }
0xf: {  	[smem:$0x3FB0] =	sst s7  }
0x10: {  	[smem:$0x3FB1] =	sst s8  }
0x11: {  	[smem:$0x3FB2] =	sst s9;
	s0 =	simm.s32 @!p0 $0x0  }
0x12: {  	s1 =	sld [smem:$0x3F98];
	s0 =	simm.s32 @p0 $0x1  }
0x13: {  	[smem:$0x3FB3] =	sst s0;
	s0 =	simm.s32 @!p1 $0x0  }
0x14: {  	s2 =	sld [smem:$0x3F97];
	s0 =	simm.s32 @p1 $0x1  }
0x15: {  	[smem:$0x3FB4] =	sst s0;
	s0 =	simm.s32 @!p2 $0x0  }
0x16: {  	s3 =	sld [smem:$0x3FDB];
	s0 =	simm.s32 @p2 $0x1  }
0x17: {  	s4 =	simm.s32 $0x1BF5;
	[smem:$0x3FB6] =	sst s0  }
0x18: {  	s0 =	sld [smem:$0x3F99];
	_ =	swait.ge [sflag:s4], $0x0  }
0x19: {  	s7 =	sld [smem:$0x3F9A]  }
0x1a: {  	s8 =	sadd.s32 $0xFFFFE003, lr  }
0x1b: {  	s9 =	sadd.s32 $0xFFFFFEF7, lr;
	s5 =	simm.s32 $0xFFFFFFFF;
	p2 =	slt.u32 s8, $0xFFFFF086  }
0x1c: {  	p1 =	slt.u32 s9, $0xF7A;
	s5 =	simm.s32 @!p2 $0x0  }
0x1d: {  	s5 =	simm.s32 @p1 $0x1;
	p0 =	seq.s32 s7, s2  }
0x1e: {  	s7 =	smul.u32 @!p0 $0xF7A, s2;
	p2 =	seq.s32 @!p0 s5, $0x0  }
0x1f: {  	s9 =	smul.u32 $0xF7A, s1;
	s8 =	simm.s32 @!p0 $0x1BF5;
	p2 =	por !p2, p0  }
0x20: {  	[sflag:s8] =	ssyncset.s32 @!p0 $0xFFFFF086;
	s6 =	sadd.s32 @!p0 s3, s7;
	s7 =	simm.s32 @!p0 $0x108  }
0x21: {  	s3 =	sadd.s32 s3, s9;
	s6 =	sadd.s32 @!p0 $0x88, s6;
	s7 =	simm.s32 @p2 $0x1082  }
0x22: {  	[simem:s7], [sflag:s8] =	dma.local @!p0 [hbm:s6], $0xF7A  }
0x23: {  	s9 =	sor.u32 $0xD0000000, s2;
	s6 =	simm.s32 $0x108;
	_ =	swait.ge @!p0 [sflag:s8], $0x0  }
0x24: {  	s3 =	sadd.s32 $0x88, s3;
	s6 =	simm.s32 @!p1 $0x1082;
	[sflag:s4] =	ssyncset.s32 $0xFFFFF086  }
0x25: {  	[simem:s6], [sflag:s4] =	dma.local [hbm:s3], $0xF7A  }
0x26: {  	[smem:$0x3F9A] =	sst s1;
	(tag) =	ssettag s2;
	_ =	strace s9  }
0x27: {  	s1 =	sld [smem:$0x3FAA]  }
0x28: {  	s2 =	sld [smem:$0x3FAB]  }
0x29: {  	s4 =	sld [smem:$0x3FAD]  }
0x2a: {  	p0 =	seq.s32 s5, $0x0;
	s5 =	sld [smem:$0x3FAE]  }
0x2b: {  	s6 =	sld [smem:$0x3FAF]  }
0x2c: {  	s7 =	sld [smem:$0x3FB0]  }
0x2d: {  	s3 =	simm.s32 $0x108;
	s8 =	sld [smem:$0x3FB1]  }
0x2e: {  	s3 =	simm.s32 @!p0 $0x1082;
	s9 =	sld [smem:$0x3FB2]  }
0x2f: {  	lr =	sadd.s32 s0, s3;
	s0 =	sld [smem:$0x3FA9]  }
0x30: {  	s3 =	sld [smem:$0x3FAC]  }
0x31: {  	[smem:$0x3FB5] =	sst s10  }
0x32: {  	s10 =	sld [smem:$0x3FB3];
	_ =	sdelay $0x3  }
0x33: {  	p0 =	seq.s32 s10, $0x1;
	s10 =	sld [smem:$0x3FB5];
	_ =	sdelay $0x3  }
0x34: {  	[smem:$0x3FB5] =	sst s10  }
0x35: {  	s10 =	sld [smem:$0x3FB4];
	_ =	sdelay $0x3  }
0x36: {  	p1 =	seq.s32 s10, $0x1;
	s10 =	sld [smem:$0x3FB5];
	_ =	sdelay $0x3  }
0x37: {  	[smem:$0x3FB5] =	sst s10  }
0x38: {  	s10 =	sld [smem:$0x3FB6]  }
0x39: {  	_ = 	snop;
	(pc) =	sbr.ind lr, $3  }
0x3a: {  	_ = 	snop  }
0x3b: {  	_ = 	snop  }
0x3c: {  	p2 =	seq.s32 s10, $0x1;
	s10 =	sld [smem:$0x3FB5]  }
0x3d: {  	_ =	shalt  }
0x3e: {  	_ =	shalt  }
0x3f: {  	_ =	shalt  }
0x40: {  	_ =	shalt  }
0x41: {  	_ =	shalt  }
0x42: {  	_ =	shalt  }
0x43: {  	_ =	shalt  }
0x44: {  	_ =	shalt  }
0x45: {  	_ =	shalt  }
0x46: {  	_ =	shalt  }
0x47: {  	_ =	shalt  }
0x48: {  	_ =	shalt  }
0x49: {  	_ =	shalt  }
0x4a: {  	_ =	shalt  }
0x4b: {  	_ =	shalt  }
0x4c: {  	_ =	shalt  }
0x4d: {  	_ =	shalt  }
0x4e: {  	_ =	shalt  }
0x4f: {  	_ =	shalt  }
0x50: {  	_ =	shalt  }
0x51: {  	_ =	shalt  }
0x52: {  	_ =	shalt  }
0x53: {  	_ =	shalt  }
0x54: {  	_ =	shalt  }
0x55: {  	_ =	shalt  }
0x56: {  	_ =	shalt  }
0x57: {  	_ =	shalt  }
0x58: {  	_ =	shalt  }
0x59: {  	_ =	shalt  }
0x5a: {  	_ =	shalt  }
0x5b: {  	_ =	shalt  }
0x5c: {  	_ =	shalt  }
0x5d: {  	_ =	shalt  }
0x5e: {  	_ =	shalt  }
0x5f: {  	_ =	shalt  }
0x60: {  	_ =	shalt  }
0x61: {  	_ =	shalt  }
0x62: {  	_ =	shalt  }
0x63: {  	_ =	shalt  }
0x64: {  	_ =	shalt  }
0x65: {  	_ =	shalt  }
0x66: {  	_ =	shalt  }
0x67: {  	_ =	shalt  }
0x68: {  	_ =	shalt  }
0x69: {  	_ =	shalt  }
0x6a: {  	_ =	shalt  }
0x6b: {  	_ =	shalt  }
0x6c: {  	_ =	shalt  }
0x6d: {  	_ =	shalt  }
0x6e: {  	_ =	shalt  }
0x6f: {  	_ =	shalt  }
0x70: {  	_ =	shalt  }
0x71: {  	_ =	shalt  }
0x72: {  	_ =	shalt  }
0x73: {  	_ =	shalt  }
0x74: {  	_ =	shalt  }
0x75: {  	_ =	shalt  }
0x76: {  	_ =	shalt  }
0x77: {  	_ =	shalt  }
0x78: {  	_ =	shalt  }
0x79: {  	_ =	shalt  }
0x7a: {  	_ =	shalt  }
0x7b: {  	_ =	shalt  }
0x7c: {  	_ =	shalt  }
0x7d: {  	_ =	shalt  }
0x7e: {  	_ =	shalt  }
0x7f: {  	_ =	shalt  }
0x80: {  	_ =	shalt  }
0x81: {  	_ =	shalt  }
0x82: {  	_ =	shalt  }
0x83: {  	_ =	shalt  }
0x84: {  	_ =	shalt  }
0x85: {  	_ =	shalt  }
0x86: {  	_ =	shalt  }
0x87: {  	_ =	shalt  }
.Lfunc_end0:
.L_simem_size_0:
called_computation_lowered:
.L_overlay_start_0:
0x88: {  	s2 =	sld [smem:$0x3FD9]  }
0x89: {  	s3 =	sld [smem:$0x3FFE];
	_ =	sdelay $0x1  }
0x8a: {  	s1 =	srdreg.scid  }
0x8b: {  	s0 =	sand.u32 $0x1, s1  }
0x8c: {  	s17 =	sshll.u32 s0, $0xA;
	s2 =	sadd.s32 s3, s2  }
0x8d: {  	s2 =	sadd.s32 s2, s17  }
0x8e: {  	[smem:$0x3FC1] =	sst s2  }
0x8f: {  	_ = 	snop  }
0x90: {  	s2 =	sld [smem:$0x3FC8]  }
0x91: {  	s18 =	sld [smem:$0x3FC7]  }
0x92: {  	s4 =	sld [smem:$0x3FD0];
	(tm) =	ssettm $0x1  }
0x93: {  	s5 =	sld [smem:$0x3FFB];
	_ =	sdelay $0x3  }
0x94: {  	_ =	strace s5  }
0x95: {  	s5 =	sld [smem:$0x3FFC];
	_ =	sdelay $0x3  }
0x96: {  	_ =	strace s5  }
0x97: {  	s5 =	sld [smem:$0x3FFD];
	_ =	sdelay $0x3  }
0x98: {  	_ =	strace s5  }
0x99: {  	_ =	strace $0x8FFFFFFF  }
0x9a: {  	s19 =	sld [smem:$0x3FDB];
	_ =	sdelay $0x1  }
0x9b: {  	s6 =	simm.s32 $_scs_section_size  }
0x9c: {  	s7 =	simm.s32 $_size__tile_overlayer_lowered;
	s8 =	simm.s32 $_tile_overlayer_lowered  }
0x9d: {  	s22 =	simm.s32 $0x1BFF;
	s21 =	sshll.u32 s8, $0x1;
	s5 =	sadd.s32 s6, s19  }
0x9e: {  	s9 =	simm.s32 $0x0;
	s20 =	sshll.u32 s7, $0x1;
	s7 =	sadd.s32 s21, s5  }
0x9f: {  	[timem:s9], [sflag:s22] =	dma.local [hbm:s7], s20  }
0xa0: {  	_ =	swait.ge [sflag:s22], s20  }
0xa1: {  	s6 =	ssub.s32 $0x0, s20;
	[sflag:s22] =	ssyncset.done $0x0  }
0xa2: {  	[sflag:s22] =	ssyncadd.s32 s6;
	_ =	sdelay $0x1  }
0xa3: {  	s23 =	simm.s32 $0x1B8B  }
0xa4: {  	_ =	swait.ge [sflag:s23], $0x1  }
0xa5: {  	[sflag:s23] =	ssyncset.done $0x0  }
0xa6: {  	s25 =	simm.s32 $0x1B8E;
	s24 =	sld [smem:$0x3FFE];
	[sflag:s23] =	ssyncadd.s32 $0xFFFFFFFF  }
0xa7: {  	s26 =	simm.s32 $execute0_lowered;
	[smem:$0x3FD2] =	sst s25  }
0xa8: {  	s7 =	sshll.u32 s26, $0x1;
	_ =	strace $0x80000046;
	[dreg:$0x1] =	wrdreg $0xFFFFFFFF  }
0xa9: {  	s28 =	simm.s32 $_size_execute0_lowered;
	s5 =	sadd.s32 s5, s7;
	[dreg:$0x0] =	wrdreg $0x0  }
0xaa: {  	s7 =	sshll.u32 s28, $0x1;
	[dreg:$0x2] =	wrdreg s5  }
0xab: {  	[dreg:$0x3] =	wrdreg s7  }
0xac: {  	[dreg:$0x4] =	wrdreg $0xC0  }
0xad: {  	_ =	task [dreg:s9], $0x5FFFF  }
0xae: {  	[dreg:$0x1] =	wrdreg $0xFFFFFFFF  }
0xaf: {  	[dreg:$0x0] =	wrdreg $0x60  }
0xb0: {  	[dreg:$0x2] =	wrdreg s24  }
0xb1: {  	[dreg:$0x3] =	wrdreg s4  }
0xb2: {  	[dreg:$0x4] =	wrdreg s2  }
0xb3: {  	[dreg:$0x5] =	wrdreg s18  }
0xb4: {  	[dreg:$0x6] =	wrdreg $0x9  }
0xb5: {  	_ =	task.clear_ibuf [dreg:s9], $0x7FFFF;
	_ =	strace $0x90000046  }
0xb6: {  	s29 =	simm.s32 $0x9;
	_ =	strace $0x80000048  }
0xb7: {  	_ =	swait.ge [sflag:s29], $0x1  }
0xb8: {  	[sflag:s29] =	ssyncadd.s32 $0xFFFFFFFF  }
0xb9: {  	_ =	strace $0x90000048  }
0xba: {  	_ =	sfence  }
0xbb: {  	s30 =	sld [smem:$0x0];
	_ =	sdelay $0x2  }
0xbc: {  	s31 =	sshll.u32 s1, $0xD;
	s1 =	sshrl.u32 s1, $0x2  }
0xbd: {  	s3 =	sand.u32 $0x4000, s31;
	s1 =	sadd.s32 s1, s30  }
0xbe: {  	s0 =	sor.u32 s3, s0;
	s1 =	sshll.u32 s1, $0x11  }
0xbf: {  	s0 =	sor.u32 s1, s0  }
0xc0: {  	s0 =	sadd.s32 $0x8F2B, s0  }
0xc1: {  	[sflag:s0] =	ssyncadd.remote.s32 $0x1  }
0xc2: {  	_ =	sfence.sel $0xFFFF  }
0xc3: {  	[dreg:$0x0] =	wrdreg $0xFFFFFFFF;
	(pc) =	sbr.abs _section_cstart, $3  }
0xc4: {  	[dreg:$0x1] =	wrdreg $0xFFFFFFFF  }
0xc5: {  	_ =	task.clear_ibuf [dreg:s9], $0x2FFFF;
	_ =	strace $0x9FFFFFFF  }
0xc6: {  	(tm) =	ssettm $0x7FFFFFFF  }
0xc7: {  	_ =	shalt  }
tec
execute0_lowered:
.L_overlay_start_1:
0x0: {  	(tag) =	ssettag $0x1  }
0x1: {  	s0 =	rddreg [dreg:$0x0]  }
0x2: {  	s1 =	rddreg [dreg:$0x2]  }
0x3: {  	s2 =	rddreg [dreg:$0x3];
	s3 =	simm.s32 $0x0;
	s4 =	srdreg.scid  }
0x4: {  	s7 =	stileid.u32;
	[smem:$0x7FF] =	sst s3  }
0x5: {  	s5 =	sadd.s32 $0x1400, s0;
	s4 =	sand.u32 $0x1, s4;
	s15 =	sshrl.u32 s7, $0x1  }
0x6: {  	s7 =	sshll.u32 s7, $0x9;
	s9 =	sadd.s32 $0x1C00, s0;
	s19 =	sadd.s32 $0x21C00, s0  }
0x7: {  	_ =	strace $0x80000047;
	[dreg:$0x5] =	wrdreg s5;
	s6 =	ssub.s32 $0x2, s4  }
0x8: {  	s8 =	smul.u32 $0xC3800, s15;
	s7 =	sand.u32 $0x200, s7;
	s5 =	sshll.u32 s15, $0x11  }
0x9: {  	p0 =	sne.s32 s4, $0x0;
	s4 =	simm.s32 $0x1C700;
	s10 =	sshrl.u32 s6, $0x1  }
0xa: {  	s17 =	sor.u32 $0x80, s7;
	s18 =	sor.u32 s7, s5;
	s24 =	sor.u32 $0x100, s7  }
0xb: {  	s31 =	ssub.s32 s6, s10;
	s16 =	sor.u32 s7, s8;
	s11 =	sor.u32 s8, s17  }
0xc: {  	s22 =	sshrl.u32 s18, $0x3;
	s10 =	sor.u32 s5, s17;
	s7 =	sor.u32 $0x180, s7  }
0xd: {  	s26 =	sor.u32 s8, s24;
	s17 =	sor.u32 s5, s24;
	s12 =	sshrl.u32 s16, $0x3  }
0xe: {  	s13 =	sshrl.u32 s11, $0x3;
	s20 =	sadd.s32 s19, s22;
	s25 =	sshrl.u32 s10, $0x3  }
0xf: {  	s8 =	sor.u32 s8, s7;
	s14 =	sshrl.u32 s26, $0x3;
	s5 =	sor.u32 s5, s7  }
0x10: {  	s31 =	smax.u32 s31, $0x1;
	s6 =	sadd.s32 s2, s12;
	[dreg:$0x7] =	wrdreg s20  }
0x11: {  	s23 =	sadd.s32 s2, s13;
	s8 =	sshrl.u32 s8, $0x3;
	s10 =	sadd.s32 s2, s14  }
0x12: {  	s12 =	sadd.s32 s1, s12;
	s13 =	sadd.s32 s1, s13;
	s14 =	sadd.s32 s1, s14  }
0x13: {  	s16 =	sadd.s32 s19, s25;
	s18 =	sshrl.u32 s5, $0x3;
	s20 =	sadd.s32 $0x3C00, s0  }
0x14: {  	s24 =	sadd.s32 s9, s25;
	s5 =	simm.s32 $0x0;
	[dreg:$0x6] =	wrdreg s6  }
0x15: {  	s6 =	sadd.s32 $0x23C00, s0;
	[dreg:$0x9] =	wrdreg s23;
	s11 =	sadd.s32 s2, s8  }
0x16: {  	s15 =	sadd.s32 s1, s8;
	s8 =	sshrl.u32 s17, $0x3;
	s30 =	sadd.s32 s9, s18  }
.Ltmp0:
0x17: {  	s2 =	simm.s32 $0x1;
	s1 =	simm.s32 $0x80;
	(pc) =	sbr.rel .LBB2_1-.Ltmp0, $4  }
0x18: {  	s0 =	simm.s32 $0x400;
	s21 =	sadd.s32 s22, s6;
	s17 =	sadd.s32 s19, s8  }
0x19: {  	s19 =	sadd.s32 s19, s18;
	s23 =	sadd.s32 s25, s6;
	s25 =	sadd.s32 s25, s20  }
0x1a: {  	s26 =	sadd.s32 s8, s6;
	s28 =	sadd.s32 s9, s8;
	s29 =	sadd.s32 s8, s20  }
0x1b: {  	[dreg:$0x8] =	wrdreg s21;
	s21 =	sadd.s32 s9, s22;
	s22 =	sadd.s32 s22, s20  }
.LBB2_35:
0x1c: {  	[tilespmem:s7+$0x10] =	vst v0  }
0x1d: {  	[tilespmem:s7+$0x20] =	vst v1  }
0x1e: {  	[tilespmem:s7+$0x30] =	vst v2  }
0x1f: {  	[tilespmem:s7+$0x40] =	vst v3  }
0x20: {  	[tilespmem:s7+$0x50] =	vst v4  }
0x21: {  	[tilespmem:s7+$0x60] =	vst v5;
	s7 =	smov.u32 s6  }
.LBB2_36:
0x22: {  	s5 =	sadd.s32 $0x1, s5  }
0x23: {  	p1 =	sne.s32 s5, s31  }
.Ltmp1:
0x24: {  	s7 =	sadd.s32 s18, s7;
	(pc) =	sbr.rel @!p1 .LBB2_37-.Ltmp1, $4  }
0x25: {  	[hbm4b:s7+s1] =	stream.strided.scatter [tilespmem:s4], [sflag:$0x1], $0x2000, s0, s1, $0x38;
	[tilespmem:$0x1E700] =	vst v63  }
0x26: {  	_ =	swait.ge [sflag:s2], $0x2000  }
0x27: {  	[sflag:s2] =	ssyncset.done $0x0  }
0x28: {  	[sflag:s2] =	ssyncadd.s32 $0xFFFFE000  }
.LBB2_1:
.Ltmp2:
0x29: {  	(pc) =	sbr.rel @p0 .LBB2_19-.Ltmp2, $1  }
0x2a: {  	_ =	sdelay $0x3  }
0x2b: {  	s7 =	rddreg [dreg:$0x5];
	s8 =	simm.s32 $0x18700  }
0x2c: {  	[tilespmem:s8], [sflag:$0x1] =	stream.linear.gather [hbm4b:s7+s3], $0x4000, $0x38;
	[tilespmem:$0x1E700] =	vst v63  }
0x2d: {  	_ =	swait.ge [sflag:s2], $0x4000  }
0x2e: {  	[sflag:s2] =	ssyncset.done $0x0  }
0x2f: {  	[sflag:s2] =	ssyncadd.s32 $0xFFFFC000  }
0x30: {  	[tilespmem:s3], [sflag:$0x1] =	stream.strided.gather [hbm4b:s12+s1], $0x18700, s0, s1, $0x38;
	[tilespmem:$0x1E700] =	vst v63  }
0x31: {  	_ =	swait.ge [sflag:s2], $0x18700  }
0x32: {  	[sflag:s2] =	ssyncset.done $0x0  }
0x33: {  	s9 =	simm.s32 $0x18780;
	[sflag:s2] =	ssyncadd.s32 $0xFFFE7900  }
0x34: {  	v0 =	vld [tilespmem:s9+$0x70]  }
0x35: {  	v1 =	vld [tilespmem:s9+$0xFFFFFF90]  }
0x36: {  	v2 =	vld [tilespmem:s9+$0xFFFFFFA0]  }
0x37: {  	v3 =	vld [tilespmem:s9+$0xFFFFFFB0]  }
0x38: {  	v4 =	vld [tilespmem:s9+$0xFFFFFFC0]  }
0x39: {  	v5 =	vld [tilespmem:s9+$0xFFFFFFD0]  }
0x3a: {  	v6 =	vld [tilespmem:s9+$0xFFFFFFE0]  }
0x3b: {  	v7 =	vld [tilespmem:s9+$0xFFFFFFF0]  }
0x3c: {  	v8 =	vld [tilespmem:s9+$0x0]  }
0x3d: {  	v9 =	vld [tilespmem:s9+$0x10]  }
0x3e: {  	v10 =	vld [tilespmem:s9+$0x20]  }
0x3f: {  	v11 =	vld [tilespmem:s9+$0x30]  }
0x40: {  	v12 =	vld [tilespmem:s9+$0x40]  }
0x41: {  	v13 =	vld [tilespmem:s9+$0x50]  }
0x42: {  	v14 =	vld [tilespmem:s9+$0x60]  }
0x43: {  	v15 =	vld [tilespmem:s9+$0xFFFFFF80]  }
0x44: {  	v0 =	vld.idx.msk [tilespmem:v0+s3+$0x0], $0xffff  }
0x45: {  	v1 =	vld.idx.msk [tilespmem:v1+s3+$0x0], $0xffff  }
0x46: {  	v2 =	vld.idx.msk [tilespmem:v2+s3+$0x0], $0xffff  }
0x47: {  	v3 =	vld.idx.msk [tilespmem:v3+s3+$0x0], $0xffff  }
0x48: {  	v4 =	vld.idx.msk [tilespmem:v4+s3+$0x0], $0xffff  }
0x49: {  	s7 =	simm.s32 $0x1C780;
	v5 =	vld.idx.msk [tilespmem:v5+s3+$0x0], $0xffff  }
0x4a: {  	v6 =	vld.idx.msk [tilespmem:v6+s3+$0x0], $0xffff;
	[tilespmem:s7+$0x70] =	vst v0  }
0x4b: {  	v7 =	vld.idx.msk [tilespmem:v7+s3+$0x0], $0xffff;
	[tilespmem:s7+$0xFFFFFF90] =	vst v1  }
0x4c: {  	v15 =	vld.idx.msk [tilespmem:v15+s3+$0x0], $0xffff;
	[tilespmem:s7+$0xFFFFFFA0] =	vst v2  }
0x4d: {  	v8 =	vld.idx.msk [tilespmem:v8+s3+$0x0], $0xffff;
	[tilespmem:s7+$0xFFFFFFB0] =	vst v3  }
0x4e: {  	[tilespmem:s7+$0xFFFFFFC0] =	vst v4;
	v0 =	vld.idx.msk [tilespmem:v9+s3+$0x0], $0xffff  }
0x4f: {  	[tilespmem:s7+$0xFFFFFFD0] =	vst v5;
	v1 =	vld.idx.msk [tilespmem:v10+s3+$0x0], $0xffff  }
0x50: {  	[tilespmem:s7+$0xFFFFFFE0] =	vst v6;
	v2 =	vld.idx.msk [tilespmem:v11+s3+$0x0], $0xffff  }
0x51: {  	[tilespmem:s7+$0xFFFFFFF0] =	vst v7;
	v3 =	vld.idx.msk [tilespmem:v12+s3+$0x0], $0xffff  }
0x52: {  	[tilespmem:s7+$0xFFFFFF80] =	vst v15;
	v4 =	vld.idx.msk [tilespmem:v13+s3+$0x0], $0xffff  }
0x53: {  	s8 =	simm.s32 $0x0;
	s9 =	simm.s32 $0x18880;
	[tilespmem:s7+$0x0] =	vst v8;
	v5 =	vld.idx.msk [tilespmem:v14+s3+$0x0], $0xffff  }
.LBB2_3:
0x54: {  	v6 =	vld [tilespmem:s9+$0x70];
	s8 =	sadd.s32 $0x100, s8;
	[tilespmem:s7+$0x10] =	vst v0  }
0x55: {  	v0 =	vld [tilespmem:s9+$0xFFFFFF90];
	p1 =	slt.u32 s8, $0x1F00;
	[tilespmem:s7+$0x20] =	vst v1  }
0x56: {  	v1 =	vld [tilespmem:s9+$0xFFFFFFA0];
	[tilespmem:s7+$0x30] =	vst v2  }
0x57: {  	v2 =	vld [tilespmem:s9+$0xFFFFFFB0];
	[tilespmem:s7+$0x40] =	vst v3  }
0x58: {  	v3 =	vld [tilespmem:s9+$0xFFFFFFC0];
	[tilespmem:s7+$0x50] =	vst v4  }
0x59: {  	v4 =	vld [tilespmem:s9+$0xFFFFFFD0];
	[tilespmem:s7+$0x60] =	vst v5  }
0x5a: {  	v5 =	vld [tilespmem:s9+$0xFFFFFFE0]  }
0x5b: {  	v7 =	vld [tilespmem:s9+$0xFFFFFFF0]  }
0x5c: {  	v6 =	vld.idx.msk [tilespmem:v6+s3+$0x0], $0xffff  }
0x5d: {  	v8 =	vld [tilespmem:s9+$0x0]  }
0x5e: {  	v9 =	vld [tilespmem:s9+$0x10]  }
0x5f: {  	v10 =	vld [tilespmem:s9+$0x20]  }
0x60: {  	v11 =	vld [tilespmem:s9+$0x30]  }
0x61: {  	s7 =	sadd.s32 $0x100, s7;
	v12 =	vld [tilespmem:s9+$0x40]  }
0x62: {  	v13 =	vld [tilespmem:s9+$0x50];
	[tilespmem:s7+$0x70] =	vst v6  }
0x63: {  	v6 =	vld [tilespmem:s9+$0x60]  }
0x64: {  	v14 =	vld [tilespmem:s9+$0xFFFFFF80]  }
0x65: {  	v0 =	vld.idx.msk [tilespmem:v0+s3+$0x0], $0xffff  }
0x66: {  	v1 =	vld.idx.msk [tilespmem:v1+s3+$0x0], $0xffff  }
0x67: {  	v2 =	vld.idx.msk [tilespmem:v2+s3+$0x0], $0xffff  }
0x68: {  	v3 =	vld.idx.msk [tilespmem:v3+s3+$0x0], $0xffff  }
0x69: {  	v4 =	vld.idx.msk [tilespmem:v4+s3+$0x0], $0xffff  }
0x6a: {  	v5 =	vld.idx.msk [tilespmem:v5+s3+$0x0], $0xffff  }
0x6b: {  	[tilespmem:s7+$0xFFFFFF90] =	vst v0;
	v7 =	vld.idx.msk [tilespmem:v7+s3+$0x0], $0xffff  }
0x6c: {  	v14 =	vld.idx.msk [tilespmem:v14+s3+$0x0], $0xffff;
	[tilespmem:s7+$0xFFFFFFA0] =	vst v1  }
0x6d: {  	[tilespmem:s7+$0xFFFFFFB0] =	vst v2;
	v8 =	vld.idx.msk [tilespmem:v8+s3+$0x0], $0xffff  }
0x6e: {  	[tilespmem:s7+$0xFFFFFFC0] =	vst v3;
	v0 =	vld.idx.msk [tilespmem:v9+s3+$0x0], $0xffff  }
.Ltmp3:
0x6f: {  	[tilespmem:s7+$0xFFFFFFD0] =	vst v4;
	v1 =	vld.idx.msk [tilespmem:v10+s3+$0x0], $0xffff;
	(pc) =	sbr.rel @p1 .LBB2_3-.Ltmp3, $4  }
0x70: {  	[tilespmem:s7+$0xFFFFFFE0] =	vst v5;
	v2 =	vld.idx.msk [tilespmem:v11+s3+$0x0], $0xffff  }
0x71: {  	[tilespmem:s7+$0xFFFFFFF0] =	vst v7;
	v3 =	vld.idx.msk [tilespmem:v12+s3+$0x0], $0xffff  }
0x72: {  	[tilespmem:s7+$0xFFFFFF80] =	vst v14;
	v4 =	vld.idx.msk [tilespmem:v13+s3+$0x0], $0xffff  }
0x73: {  	s9 =	sadd.s32 $0x100, s9;
	[tilespmem:s7+$0x0] =	vst v8;
	v5 =	vld.idx.msk [tilespmem:v6+s3+$0x0], $0xffff  }
0x74: {  	[tilespmem:s7+$0x10] =	vst v0  }
0x75: {  	[tilespmem:s7+$0x20] =	vst v1  }
0x76: {  	[tilespmem:s7+$0x30] =	vst v2  }
0x77: {  	[tilespmem:s7+$0x40] =	vst v3  }
0x78: {  	[tilespmem:s7+$0x50] =	vst v4  }
0x79: {  	[tilespmem:s7+$0x60] =	vst v5  }
0x7a: {  	[hbm4b:s21+s1] =	stream.strided.scatter [tilespmem:s4], [sflag:$0x1], $0x2000, s0, s1, $0x38;
	[tilespmem:$0x1E700] =	vst v63  }
0x7b: {  	_ =	swait.ge [sflag:s2], $0x2000  }
0x7c: {  	[sflag:s2] =	ssyncset.done $0x0  }
0x7d: {  	s9 =	simm.s32 $0x1A7F0;
	[sflag:s2] =	ssyncadd.s32 $0xFFFFE000  }
0x7e: {  	v0 =	vld [tilespmem:s9+$0x0]  }
0x7f: {  	v1 =	vld [tilespmem:s9+$0xFFFFFF20]  }
0x80: {  	v2 =	vld [tilespmem:s9+$0xFFFFFF30]  }
0x81: {  	v3 =	vld [tilespmem:s9+$0xFFFFFF40]  }
0x82: {  	v4 =	vld [tilespmem:s9+$0xFFFFFF50]  }
0x83: {  	v5 =	vld [tilespmem:s9+$0xFFFFFF60]  }
0x84: {  	v6 =	vld [tilespmem:s9+$0xFFFFFF70]  }
0x85: {  	v7 =	vld [tilespmem:s9+$0xFFFFFF80]  }
0x86: {  	v8 =	vld [tilespmem:s9+$0xFFFFFF90]  }
0x87: {  	v9 =	vld [tilespmem:s9+$0xFFFFFFA0]  }
0x88: {  	v10 =	vld [tilespmem:s9+$0xFFFFFFB0]  }
0x89: {  	v11 =	vld [tilespmem:s9+$0xFFFFFFC0]  }
0x8a: {  	v12 =	vld [tilespmem:s9+$0xFFFFFFD0]  }
0x8b: {  	v13 =	vld [tilespmem:s9+$0xFFFFFFE0]  }
0x8c: {  	v14 =	vld [tilespmem:s9+$0xFFFFFFF0]  }
0x8d: {  	v15 =	vld [tilespmem:s9+$0xFFFFFF10]  }
0x8e: {  	v0 =	vld.idx.msk [tilespmem:v0+s3+$0x0], $0xffff  }
0x8f: {  	v1 =	vld.idx.msk [tilespmem:v1+s3+$0x0], $0xffff  }
0x90: {  	v2 =	vld.idx.msk [tilespmem:v2+s3+$0x0], $0xffff  }
0x91: {  	v3 =	vld.idx.msk [tilespmem:v3+s3+$0x0], $0xffff  }
0x92: {  	v4 =	vld.idx.msk [tilespmem:v4+s3+$0x0], $0xffff  }
0x93: {  	s7 =	simm.s32 $0x1C780;
	v5 =	vld.idx.msk [tilespmem:v5+s3+$0x0], $0xffff  }
0x94: {  	v6 =	vld.idx.msk [tilespmem:v6+s3+$0x0], $0xffff;
	[tilespmem:s7+$0x70] =	vst v0  }
0x95: {  	v7 =	vld.idx.msk [tilespmem:v7+s3+$0x0], $0xffff;
	[tilespmem:s7+$0xFFFFFF90] =	vst v1  }
0x96: {  	v15 =	vld.idx.msk [tilespmem:v15+s3+$0x0], $0xffff;
	[tilespmem:s7+$0xFFFFFFA0] =	vst v2  }
0x97: {  	v8 =	vld.idx.msk [tilespmem:v8+s3+$0x0], $0xffff;
	[tilespmem:s7+$0xFFFFFFB0] =	vst v3  }
0x98: {  	[tilespmem:s7+$0xFFFFFFC0] =	vst v4;
	v0 =	vld.idx.msk [tilespmem:v9+s3+$0x0], $0xffff  }
0x99: {  	[tilespmem:s7+$0xFFFFFFD0] =	vst v5;
	v1 =	vld.idx.msk [tilespmem:v10+s3+$0x0], $0xffff  }
0x9a: {  	[tilespmem:s7+$0xFFFFFFE0] =	vst v6;
	v2 =	vld.idx.msk [tilespmem:v11+s3+$0x0], $0xffff  }
0x9b: {  	[tilespmem:s7+$0xFFFFFFF0] =	vst v7;
	v3 =	vld.idx.msk [tilespmem:v12+s3+$0x0], $0xffff  }
0x9c: {  	[tilespmem:s7+$0xFFFFFF80] =	vst v15;
	v4 =	vld.idx.msk [tilespmem:v13+s3+$0x0], $0xffff  }
0x9d: {  	s8 =	simm.s32 $0x0;
	s9 =	simm.s32 $0x1A8F0;
	[tilespmem:s7+$0x0] =	vst v8;
	v5 =	vld.idx.msk [tilespmem:v14+s3+$0x0], $0xffff  }
.LBB2_5:
0x9e: {  	v6 =	vld [tilespmem:s9+$0x0];
	s8 =	sadd.s32 $0x100, s8;
	[tilespmem:s7+$0x10] =	vst v0  }
0x9f: {  	v0 =	vld [tilespmem:s9+$0xFFFFFF20];
	p1 =	slt.u32 s8, $0x1F00;
	[tilespmem:s7+$0x20] =	vst v1  }
0xa0: {  	v1 =	vld [tilespmem:s9+$0xFFFFFF30];
	[tilespmem:s7+$0x30] =	vst v2  }
0xa1: {  	v2 =	vld [tilespmem:s9+$0xFFFFFF40];
	[tilespmem:s7+$0x40] =	vst v3  }
0xa2: {  	v3 =	vld [tilespmem:s9+$0xFFFFFF50];
	[tilespmem:s7+$0x50] =	vst v4  }
0xa3: {  	v4 =	vld [tilespmem:s9+$0xFFFFFF60];
	[tilespmem:s7+$0x60] =	vst v5  }
0xa4: {  	v5 =	vld [tilespmem:s9+$0xFFFFFF70]  }
0xa5: {  	v7 =	vld [tilespmem:s9+$0xFFFFFF80]  }
0xa6: {  	v6 =	vld.idx.msk [tilespmem:v6+s3+$0x0], $0xffff  }
0xa7: {  	v8 =	vld [tilespmem:s9+$0xFFFFFF90]  }
0xa8: {  	v9 =	vld [tilespmem:s9+$0xFFFFFFA0]  }
0xa9: {  	v10 =	vld [tilespmem:s9+$0xFFFFFFB0]  }
0xaa: {  	v11 =	vld [tilespmem:s9+$0xFFFFFFC0]  }
0xab: {  	s7 =	sadd.s32 $0x100, s7;
	v12 =	vld [tilespmem:s9+$0xFFFFFFD0]  }
0xac: {  	v13 =	vld [tilespmem:s9+$0xFFFFFFE0];
	[tilespmem:s7+$0x70] =	vst v6  }
0xad: {  	v6 =	vld [tilespmem:s9+$0xFFFFFFF0]  }
0xae: {  	v14 =	vld [tilespmem:s9+$0xFFFFFF10]  }
0xaf: {  	v0 =	vld.idx.msk [tilespmem:v0+s3+$0x0], $0xffff  }
0xb0: {  	v1 =	vld.idx.msk [tilespmem:v1+s3+$0x0], $0xffff  }
0xb1: {  	v2 =	vld.idx.msk [tilespmem:v2+s3+$0x0], $0xffff  }
0xb2: {  	v3 =	vld.idx.msk [tilespmem:v3+s3+$0x0], $0xffff  }
0xb3: {  	v4 =	vld.idx.msk [tilespmem:v4+s3+$0x0], $0xffff  }
0xb4: {  	v5 =	vld.idx.msk [tilespmem:v5+s3+$0x0], $0xffff  }
0xb5: {  	[tilespmem:s7+$0xFFFFFF90] =	vst v0;
	v7 =	vld.idx.msk [tilespmem:v7+s3+$0x0], $0xffff  }
0xb6: {  	v14 =	vld.idx.msk [tilespmem:v14+s3+$0x0], $0xffff;
	[tilespmem:s7+$0xFFFFFFA0] =	vst v1  }
0xb7: {  	[tilespmem:s7+$0xFFFFFFB0] =	vst v2;
	v8 =	vld.idx.msk [tilespmem:v8+s3+$0x0], $0xffff  }
0xb8: {  	[tilespmem:s7+$0xFFFFFFC0] =	vst v3;
	v0 =	vld.idx.msk [tilespmem:v9+s3+$0x0], $0xffff  }
.Ltmp4:
0xb9: {  	[tilespmem:s7+$0xFFFFFFD0] =	vst v4;
	v1 =	vld.idx.msk [tilespmem:v10+s3+$0x0], $0xffff;
	(pc) =	sbr.rel @p1 .LBB2_5-.Ltmp4, $4  }
0xba: {  	[tilespmem:s7+$0xFFFFFFE0] =	vst v5;
	v2 =	vld.idx.msk [tilespmem:v11+s3+$0x0], $0xffff  }
0xbb: {  	[tilespmem:s7+$0xFFFFFFF0] =	vst v7;
	v3 =	vld.idx.msk [tilespmem:v12+s3+$0x0], $0xffff  }
0xbc: {  	[tilespmem:s7+$0xFFFFFF80] =	vst v14;
	v4 =	vld.idx.msk [tilespmem:v13+s3+$0x0], $0xffff  }
0xbd: {  	s9 =	sadd.s32 $0x100, s9;
	[tilespmem:s7+$0x0] =	vst v8;
	v5 =	vld.idx.msk [tilespmem:v6+s3+$0x0], $0xffff  }
0xbe: {  	[tilespmem:s7+$0x10] =	vst v0  }
0xbf: {  	[tilespmem:s7+$0x20] =	vst v1  }
0xc0: {  	[tilespmem:s7+$0x30] =	vst v2  }
0xc1: {  	[tilespmem:s7+$0x40] =	vst v3  }
0xc2: {  	[tilespmem:s7+$0x50] =	vst v4  }
0xc3: {  	[tilespmem:s7+$0x60] =	vst v5  }
0xc4: {  	[hbm4b:s22+s1] =	stream.strided.scatter [tilespmem:s4], [sflag:$0x1], $0x2000, s0, s1, $0x38;
	[tilespmem:$0x1E700] =	vst v63  }
0xc5: {  	_ =	swait.ge [sflag:s2], $0x2000  }
0xc6: {  	[sflag:s2] =	ssyncset.done $0x0  }
0xc7: {  	[sflag:s2] =	ssyncadd.s32 $0xFFFFE000  }
0xc8: {  	[tilespmem:s3], [sflag:$0x1] =	stream.strided.gather [hbm4b:s13+s1], $0x18700, s0, s1, $0x38;
	[tilespmem:$0x1E700] =	vst v63  }
0xc9: {  	_ =	swait.ge [sflag:s2], $0x18700  }
0xca: {  	[sflag:s2] =	ssyncset.done $0x0  }
0xcb: {  	s9 =	simm.s32 $0x18780;
	[sflag:s2] =	ssyncadd.s32 $0xFFFE7900  }
0xcc: {  	v0 =	vld [tilespmem:s9+$0x70]  }
0xcd: {  	v1 =	vld [tilespmem:s9+$0xFFFFFF90]  }
0xce: {  	v2 =	vld [tilespmem:s9+$0xFFFFFFA0]  }
0xcf: {  	v3 =	vld [tilespmem:s9+$0xFFFFFFB0]  }
0xd0: {  	v4 =	vld [tilespmem:s9+$0xFFFFFFC0]  }
0xd1: {  	v5 =	vld [tilespmem:s9+$0xFFFFFFD0]  }
0xd2: {  	v6 =	vld [tilespmem:s9+$0xFFFFFFE0]  }
0xd3: {  	v7 =	vld [tilespmem:s9+$0xFFFFFFF0]  }
0xd4: {  	v8 =	vld [tilespmem:s9+$0x0]  }
0xd5: {  	v9 =	vld [tilespmem:s9+$0x10]  }
0xd6: {  	v10 =	vld [tilespmem:s9+$0x20]  }
0xd7: {  	v11 =	vld [tilespmem:s9+$0x30]  }
0xd8: {  	v12 =	vld [tilespmem:s9+$0x40]  }
0xd9: {  	v13 =	vld [tilespmem:s9+$0x50]  }
0xda: {  	v14 =	vld [tilespmem:s9+$0x60]  }
0xdb: {  	v15 =	vld [tilespmem:s9+$0xFFFFFF80]  }
0xdc: {  	v0 =	vld.idx.msk [tilespmem:v0+s3+$0x0], $0xffff  }
0xdd: {  	v1 =	vld.idx.msk [tilespmem:v1+s3+$0x0], $0xffff  }
0xde: {  	v2 =	vld.idx.msk [tilespmem:v2+s3+$0x0], $0xffff  }
0xdf: {  	v3 =	vld.idx.msk [tilespmem:v3+s3+$0x0], $0xffff  }
0xe0: {  	v4 =	vld.idx.msk [tilespmem:v4+s3+$0x0], $0xffff  }
0xe1: {  	s7 =	simm.s32 $0x1C780;
	v5 =	vld.idx.msk [tilespmem:v5+s3+$0x0], $0xffff  }
0xe2: {  	v6 =	vld.idx.msk [tilespmem:v6+s3+$0x0], $0xffff;
	[tilespmem:s7+$0x70] =	vst v0  }
0xe3: {  	v7 =	vld.idx.msk [tilespmem:v7+s3+$0x0], $0xffff;
	[tilespmem:s7+$0xFFFFFF90] =	vst v1  }
0xe4: {  	v15 =	vld.idx.msk [tilespmem:v15+s3+$0x0], $0xffff;
	[tilespmem:s7+$0xFFFFFFA0] =	vst v2  }
0xe5: {  	v8 =	vld.idx.msk [tilespmem:v8+s3+$0x0], $0xffff;
	[tilespmem:s7+$0xFFFFFFB0] =	vst v3  }
0xe6: {  	[tilespmem:s7+$0xFFFFFFC0] =	vst v4;
	v0 =	vld.idx.msk [tilespmem:v9+s3+$0x0], $0xffff  }
0xe7: {  	[tilespmem:s7+$0xFFFFFFD0] =	vst v5;
	v1 =	vld.idx.msk [tilespmem:v10+s3+$0x0], $0xffff  }
0xe8: {  	[tilespmem:s7+$0xFFFFFFE0] =	vst v6;
	v2 =	vld.idx.msk [tilespmem:v11+s3+$0x0], $0xffff  }
0xe9: {  	[tilespmem:s7+$0xFFFFFFF0] =	vst v7;
	v3 =	vld.idx.msk [tilespmem:v12+s3+$0x0], $0xffff  }
0xea: {  	[tilespmem:s7+$0xFFFFFF80] =	vst v15;
	v4 =	vld.idx.msk [tilespmem:v13+s3+$0x0], $0xffff  }
0xeb: {  	s8 =	simm.s32 $0x0;
	s9 =	simm.s32 $0x18880;
	[tilespmem:s7+$0x0] =	vst v8;
	v5 =	vld.idx.msk [tilespmem:v14+s3+$0x0], $0xffff  }
.LBB2_7:
0xec: {  	v6 =	vld [tilespmem:s9+$0x70];
	s8 =	sadd.s32 $0x100, s8;
	[tilespmem:s7+$0x10] =	vst v0  }
0xed: {  	v0 =	vld [tilespmem:s9+$0xFFFFFF90];
	p1 =	slt.u32 s8, $0x1F00;
	[tilespmem:s7+$0x20] =	vst v1  }
0xee: {  	v1 =	vld [tilespmem:s9+$0xFFFFFFA0];
	[tilespmem:s7+$0x30] =	vst v2  }
0xef: {  	v2 =	vld [tilespmem:s9+$0xFFFFFFB0];
	[tilespmem:s7+$0x40] =	vst v3  }
0xf0: {  	v3 =	vld [tilespmem:s9+$0xFFFFFFC0];
	[tilespmem:s7+$0x50] =	vst v4  }
0xf1: {  	v4 =	vld [tilespmem:s9+$0xFFFFFFD0];
	[tilespmem:s7+$0x60] =	vst v5  }
0xf2: {  	v5 =	vld [tilespmem:s9+$0xFFFFFFE0]  }
0xf3: {  	v7 =	vld [tilespmem:s9+$0xFFFFFFF0]  }
0xf4: {  	v6 =	vld.idx.msk [tilespmem:v6+s3+$0x0], $0xffff  }
0xf5: {  	v8 =	vld [tilespmem:s9+$0x0]  }
0xf6: {  	v9 =	vld [tilespmem:s9+$0x10]  }
0xf7: {  	v10 =	vld [tilespmem:s9+$0x20]  }
0xf8: {  	v11 =	vld [tilespmem:s9+$0x30]  }
0xf9: {  	s7 =	sadd.s32 $0x100, s7;
	v12 =	vld [tilespmem:s9+$0x40]  }
0xfa: {  	v13 =	vld [tilespmem:s9+$0x50];
	[tilespmem:s7+$0x70] =	vst v6  }
0xfb: {  	v6 =	vld [tilespmem:s9+$0x60]  }
0xfc: {  	v14 =	vld [tilespmem:s9+$0xFFFFFF80]  }
0xfd: {  	v0 =	vld.idx.msk [tilespmem:v0+s3+$0x0], $0xffff  }
0xfe: {  	v1 =	vld.idx.msk [tilespmem:v1+s3+$0x0], $0xffff  }
0xff: {  	v2 =	vld.idx.msk [tilespmem:v2+s3+$0x0], $0xffff  }
0x100: {  	v3 =	vld.idx.msk [tilespmem:v3+s3+$0x0], $0xffff  }
0x101: {  	v4 =	vld.idx.msk [tilespmem:v4+s3+$0x0], $0xffff  }
0x102: {  	v5 =	vld.idx.msk [tilespmem:v5+s3+$0x0], $0xffff  }
0x103: {  	[tilespmem:s7+$0xFFFFFF90] =	vst v0;
	v7 =	vld.idx.msk [tilespmem:v7+s3+$0x0], $0xffff  }
0x104: {  	v14 =	vld.idx.msk [tilespmem:v14+s3+$0x0], $0xffff;
	[tilespmem:s7+$0xFFFFFFA0] =	vst v1  }
0x105: {  	[tilespmem:s7+$0xFFFFFFB0] =	vst v2;
	v8 =	vld.idx.msk [tilespmem:v8+s3+$0x0], $0xffff  }
0x106: {  	[tilespmem:s7+$0xFFFFFFC0] =	vst v3;
	v0 =	vld.idx.msk [tilespmem:v9+s3+$0x0], $0xffff  }
.Ltmp5:
0x107: {  	[tilespmem:s7+$0xFFFFFFD0] =	vst v4;
	v1 =	vld.idx.msk [tilespmem:v10+s3+$0x0], $0xffff;
	(pc) =	sbr.rel @p1 .LBB2_7-.Ltmp5, $4  }
0x108: {  	[tilespmem:s7+$0xFFFFFFE0] =	vst v5;
	v2 =	vld.idx.msk [tilespmem:v11+s3+$0x0], $0xffff  }
0x109: {  	[tilespmem:s7+$0xFFFFFFF0] =	vst v7;
	v3 =	vld.idx.msk [tilespmem:v12+s3+$0x0], $0xffff  }
0x10a: {  	[tilespmem:s7+$0xFFFFFF80] =	vst v14;
	v4 =	vld.idx.msk [tilespmem:v13+s3+$0x0], $0xffff  }
0x10b: {  	s9 =	sadd.s32 $0x100, s9;
	[tilespmem:s7+$0x0] =	vst v8;
	v5 =	vld.idx.msk [tilespmem:v6+s3+$0x0], $0xffff  }
0x10c: {  	[tilespmem:s7+$0x10] =	vst v0  }
0x10d: {  	[tilespmem:s7+$0x20] =	vst v1  }
0x10e: {  	[tilespmem:s7+$0x30] =	vst v2  }
0x10f: {  	[tilespmem:s7+$0x40] =	vst v3  }
0x110: {  	[tilespmem:s7+$0x50] =	vst v4  }
0x111: {  	[tilespmem:s7+$0x60] =	vst v5  }
0x112: {  	[hbm4b:s24+s1] =	stream.strided.scatter [tilespmem:s4], [sflag:$0x1], $0x2000, s0, s1, $0x38;
	[tilespmem:$0x1E700] =	vst v63  }
0x113: {  	_ =	swait.ge [sflag:s2], $0x2000  }
0x114: {  	[sflag:s2] =	ssyncset.done $0x0  }
0x115: {  	s9 =	simm.s32 $0x1A7F0;
	[sflag:s2] =	ssyncadd.s32 $0xFFFFE000  }
0x116: {  	v0 =	vld [tilespmem:s9+$0x0]  }
0x117: {  	v1 =	vld [tilespmem:s9+$0xFFFFFF20]  }
0x118: {  	v2 =	vld [tilespmem:s9+$0xFFFFFF30]  }
0x119: {  	v3 =	vld [tilespmem:s9+$0xFFFFFF40]  }
0x11a: {  	v4 =	vld [tilespmem:s9+$0xFFFFFF50]  }
0x11b: {  	v5 =	vld [tilespmem:s9+$0xFFFFFF60]  }
0x11c: {  	v6 =	vld [tilespmem:s9+$0xFFFFFF70]  }
0x11d: {  	v7 =	vld [tilespmem:s9+$0xFFFFFF80]  }
0x11e: {  	v8 =	vld [tilespmem:s9+$0xFFFFFF90]  }
0x11f: {  	v9 =	vld [tilespmem:s9+$0xFFFFFFA0]  }
0x120: {  	v10 =	vld [tilespmem:s9+$0xFFFFFFB0]  }
0x121: {  	v11 =	vld [tilespmem:s9+$0xFFFFFFC0]  }
0x122: {  	v12 =	vld [tilespmem:s9+$0xFFFFFFD0]  }
0x123: {  	v13 =	vld [tilespmem:s9+$0xFFFFFFE0]  }
0x124: {  	v14 =	vld [tilespmem:s9+$0xFFFFFFF0]  }
0x125: {  	v15 =	vld [tilespmem:s9+$0xFFFFFF10]  }
0x126: {  	v0 =	vld.idx.msk [tilespmem:v0+s3+$0x0], $0xffff  }
0x127: {  	v1 =	vld.idx.msk [tilespmem:v1+s3+$0x0], $0xffff  }
0x128: {  	v2 =	vld.idx.msk [tilespmem:v2+s3+$0x0], $0xffff  }
0x129: {  	v3 =	vld.idx.msk [tilespmem:v3+s3+$0x0], $0xffff  }
0x12a: {  	v4 =	vld.idx.msk [tilespmem:v4+s3+$0x0], $0xffff  }
0x12b: {  	s7 =	simm.s32 $0x1C780;
	v5 =	vld.idx.msk [tilespmem:v5+s3+$0x0], $0xffff  }
0x12c: {  	v6 =	vld.idx.msk [tilespmem:v6+s3+$0x0], $0xffff;
	[tilespmem:s7+$0x70] =	vst v0  }
0x12d: {  	v7 =	vld.idx.msk [tilespmem:v7+s3+$0x0], $0xffff;
	[tilespmem:s7+$0xFFFFFF90] =	vst v1  }
0x12e: {  	v15 =	vld.idx.msk [tilespmem:v15+s3+$0x0], $0xffff;
	[tilespmem:s7+$0xFFFFFFA0] =	vst v2  }
0x12f: {  	v8 =	vld.idx.msk [tilespmem:v8+s3+$0x0], $0xffff;
	[tilespmem:s7+$0xFFFFFFB0] =	vst v3  }
0x130: {  	[tilespmem:s7+$0xFFFFFFC0] =	vst v4;
	v0 =	vld.idx.msk [tilespmem:v9+s3+$0x0], $0xffff  }
0x131: {  	[tilespmem:s7+$0xFFFFFFD0] =	vst v5;
	v1 =	vld.idx.msk [tilespmem:v10+s3+$0x0], $0xffff  }
0x132: {  	[tilespmem:s7+$0xFFFFFFE0] =	vst v6;
	v2 =	vld.idx.msk [tilespmem:v11+s3+$0x0], $0xffff  }
0x133: {  	[tilespmem:s7+$0xFFFFFFF0] =	vst v7;
	v3 =	vld.idx.msk [tilespmem:v12+s3+$0x0], $0xffff  }
0x134: {  	[tilespmem:s7+$0xFFFFFF80] =	vst v15;
	v4 =	vld.idx.msk [tilespmem:v13+s3+$0x0], $0xffff  }
0x135: {  	s8 =	simm.s32 $0x0;
	s9 =	simm.s32 $0x1A8F0;
	[tilespmem:s7+$0x0] =	vst v8;
	v5 =	vld.idx.msk [tilespmem:v14+s3+$0x0], $0xffff  }
.LBB2_9:
0x136: {  	v6 =	vld [tilespmem:s9+$0x0];
	s8 =	sadd.s32 $0x100, s8;
	[tilespmem:s7+$0x10] =	vst v0  }
0x137: {  	v0 =	vld [tilespmem:s9+$0xFFFFFF20];
	p1 =	slt.u32 s8, $0x1F00;
	[tilespmem:s7+$0x20] =	vst v1  }
0x138: {  	v1 =	vld [tilespmem:s9+$0xFFFFFF30];
	[tilespmem:s7+$0x30] =	vst v2  }
0x139: {  	v2 =	vld [tilespmem:s9+$0xFFFFFF40];
	[tilespmem:s7+$0x40] =	vst v3  }
0x13a: {  	v3 =	vld [tilespmem:s9+$0xFFFFFF50];
	[tilespmem:s7+$0x50] =	vst v4  }
0x13b: {  	v4 =	vld [tilespmem:s9+$0xFFFFFF60];
	[tilespmem:s7+$0x60] =	vst v5  }
0x13c: {  	v5 =	vld [tilespmem:s9+$0xFFFFFF70]  }
0x13d: {  	v7 =	vld [tilespmem:s9+$0xFFFFFF80]  }
0x13e: {  	v6 =	vld.idx.msk [tilespmem:v6+s3+$0x0], $0xffff  }
0x13f: {  	v8 =	vld [tilespmem:s9+$0xFFFFFF90]  }
0x140: {  	v9 =	vld [tilespmem:s9+$0xFFFFFFA0]  }
0x141: {  	v10 =	vld [tilespmem:s9+$0xFFFFFFB0]  }
0x142: {  	v11 =	vld [tilespmem:s9+$0xFFFFFFC0]  }
0x143: {  	s7 =	sadd.s32 $0x100, s7;
	v12 =	vld [tilespmem:s9+$0xFFFFFFD0]  }
0x144: {  	v13 =	vld [tilespmem:s9+$0xFFFFFFE0];
	[tilespmem:s7+$0x70] =	vst v6  }
0x145: {  	v6 =	vld [tilespmem:s9+$0xFFFFFFF0]  }
0x146: {  	v14 =	vld [tilespmem:s9+$0xFFFFFF10]  }
0x147: {  	v0 =	vld.idx.msk [tilespmem:v0+s3+$0x0], $0xffff  }
0x148: {  	v1 =	vld.idx.msk [tilespmem:v1+s3+$0x0], $0xffff  }
0x149: {  	v2 =	vld.idx.msk [tilespmem:v2+s3+$0x0], $0xffff  }
0x14a: {  	v3 =	vld.idx.msk [tilespmem:v3+s3+$0x0], $0xffff  }
0x14b: {  	v4 =	vld.idx.msk [tilespmem:v4+s3+$0x0], $0xffff  }
0x14c: {  	v5 =	vld.idx.msk [tilespmem:v5+s3+$0x0], $0xffff  }
0x14d: {  	[tilespmem:s7+$0xFFFFFF90] =	vst v0;
	v7 =	vld.idx.msk [tilespmem:v7+s3+$0x0], $0xffff  }
0x14e: {  	v14 =	vld.idx.msk [tilespmem:v14+s3+$0x0], $0xffff;
	[tilespmem:s7+$0xFFFFFFA0] =	vst v1  }
0x14f: {  	[tilespmem:s7+$0xFFFFFFB0] =	vst v2;
	v8 =	vld.idx.msk [tilespmem:v8+s3+$0x0], $0xffff  }
0x150: {  	[tilespmem:s7+$0xFFFFFFC0] =	vst v3;
	v0 =	vld.idx.msk [tilespmem:v9+s3+$0x0], $0xffff  }
.Ltmp6:
0x151: {  	[tilespmem:s7+$0xFFFFFFD0] =	vst v4;
	v1 =	vld.idx.msk [tilespmem:v10+s3+$0x0], $0xffff;
	(pc) =	sbr.rel @p1 .LBB2_9-.Ltmp6, $4  }
0x152: {  	[tilespmem:s7+$0xFFFFFFE0] =	vst v5;
	v2 =	vld.idx.msk [tilespmem:v11+s3+$0x0], $0xffff  }
0x153: {  	[tilespmem:s7+$0xFFFFFFF0] =	vst v7;
	v3 =	vld.idx.msk [tilespmem:v12+s3+$0x0], $0xffff  }
0x154: {  	[tilespmem:s7+$0xFFFFFF80] =	vst v14;
	v4 =	vld.idx.msk [tilespmem:v13+s3+$0x0], $0xffff  }
0x155: {  	s9 =	sadd.s32 $0x100, s9;
	[tilespmem:s7+$0x0] =	vst v8;
	v5 =	vld.idx.msk [tilespmem:v6+s3+$0x0], $0xffff  }
0x156: {  	[tilespmem:s7+$0x10] =	vst v0  }
0x157: {  	[tilespmem:s7+$0x20] =	vst v1  }
0x158: {  	[tilespmem:s7+$0x30] =	vst v2  }
0x159: {  	[tilespmem:s7+$0x40] =	vst v3  }
0x15a: {  	[tilespmem:s7+$0x50] =	vst v4  }
0x15b: {  	[tilespmem:s7+$0x60] =	vst v5  }
0x15c: {  	[hbm4b:s25+s1] =	stream.strided.scatter [tilespmem:s4], [sflag:$0x1], $0x2000, s0, s1, $0x38;
	[tilespmem:$0x1E700] =	vst v63  }
0x15d: {  	_ =	swait.ge [sflag:s2], $0x2000  }
0x15e: {  	[sflag:s2] =	ssyncset.done $0x0  }
0x15f: {  	[sflag:s2] =	ssyncadd.s32 $0xFFFFE000  }
0x160: {  	[tilespmem:s3], [sflag:$0x1] =	stream.strided.gather [hbm4b:s14+s1], $0x18700, s0, s1, $0x38;
	[tilespmem:$0x1E700] =	vst v63  }
0x161: {  	_ =	swait.ge [sflag:s2], $0x18700  }
0x162: {  	[sflag:s2] =	ssyncset.done $0x0  }
0x163: {  	s9 =	simm.s32 $0x18780;
	[sflag:s2] =	ssyncadd.s32 $0xFFFE7900  }
0x164: {  	v0 =	vld [tilespmem:s9+$0x70]  }
0x165: {  	v1 =	vld [tilespmem:s9+$0xFFFFFF90]  }
0x166: {  	v2 =	vld [tilespmem:s9+$0xFFFFFFA0]  }
0x167: {  	v3 =	vld [tilespmem:s9+$0xFFFFFFB0]  }
0x168: {  	v4 =	vld [tilespmem:s9+$0xFFFFFFC0]  }
0x169: {  	v5 =	vld [tilespmem:s9+$0xFFFFFFD0]  }
0x16a: {  	v6 =	vld [tilespmem:s9+$0xFFFFFFE0]  }
0x16b: {  	v7 =	vld [tilespmem:s9+$0xFFFFFFF0]  }
0x16c: {  	v8 =	vld [tilespmem:s9+$0x0]  }
0x16d: {  	v9 =	vld [tilespmem:s9+$0x10]  }
0x16e: {  	v10 =	vld [tilespmem:s9+$0x20]  }
0x16f: {  	v11 =	vld [tilespmem:s9+$0x30]  }
0x170: {  	v12 =	vld [tilespmem:s9+$0x40]  }
0x171: {  	v13 =	vld [tilespmem:s9+$0x50]  }
0x172: {  	v14 =	vld [tilespmem:s9+$0x60]  }
0x173: {  	v15 =	vld [tilespmem:s9+$0xFFFFFF80]  }
0x174: {  	v0 =	vld.idx.msk [tilespmem:v0+s3+$0x0], $0xffff  }
0x175: {  	v1 =	vld.idx.msk [tilespmem:v1+s3+$0x0], $0xffff  }
0x176: {  	v2 =	vld.idx.msk [tilespmem:v2+s3+$0x0], $0xffff  }
0x177: {  	v3 =	vld.idx.msk [tilespmem:v3+s3+$0x0], $0xffff  }
0x178: {  	v4 =	vld.idx.msk [tilespmem:v4+s3+$0x0], $0xffff  }
0x179: {  	s7 =	simm.s32 $0x1C780;
	v5 =	vld.idx.msk [tilespmem:v5+s3+$0x0], $0xffff  }
0x17a: {  	v6 =	vld.idx.msk [tilespmem:v6+s3+$0x0], $0xffff;
	[tilespmem:s7+$0x70] =	vst v0  }
0x17b: {  	v7 =	vld.idx.msk [tilespmem:v7+s3+$0x0], $0xffff;
	[tilespmem:s7+$0xFFFFFF90] =	vst v1  }
0x17c: {  	v15 =	vld.idx.msk [tilespmem:v15+s3+$0x0], $0xffff;
	[tilespmem:s7+$0xFFFFFFA0] =	vst v2  }
0x17d: {  	v8 =	vld.idx.msk [tilespmem:v8+s3+$0x0], $0xffff;
	[tilespmem:s7+$0xFFFFFFB0] =	vst v3  }
0x17e: {  	[tilespmem:s7+$0xFFFFFFC0] =	vst v4;
	v0 =	vld.idx.msk [tilespmem:v9+s3+$0x0], $0xffff  }
0x17f: {  	[tilespmem:s7+$0xFFFFFFD0] =	vst v5;
	v1 =	vld.idx.msk [tilespmem:v10+s3+$0x0], $0xffff  }
0x180: {  	[tilespmem:s7+$0xFFFFFFE0] =	vst v6;
	v2 =	vld.idx.msk [tilespmem:v11+s3+$0x0], $0xffff  }
0x181: {  	[tilespmem:s7+$0xFFFFFFF0] =	vst v7;
	v3 =	vld.idx.msk [tilespmem:v12+s3+$0x0], $0xffff  }
0x182: {  	[tilespmem:s7+$0xFFFFFF80] =	vst v15;
	v4 =	vld.idx.msk [tilespmem:v13+s3+$0x0], $0xffff  }
0x183: {  	s8 =	simm.s32 $0x0;
	s9 =	simm.s32 $0x18880;
	[tilespmem:s7+$0x0] =	vst v8;
	v5 =	vld.idx.msk [tilespmem:v14+s3+$0x0], $0xffff  }
.LBB2_11:
0x184: {  	v6 =	vld [tilespmem:s9+$0x70];
	s8 =	sadd.s32 $0x100, s8;
	[tilespmem:s7+$0x10] =	vst v0  }
0x185: {  	v0 =	vld [tilespmem:s9+$0xFFFFFF90];
	p1 =	slt.u32 s8, $0x1F00;
	[tilespmem:s7+$0x20] =	vst v1  }
0x186: {  	v1 =	vld [tilespmem:s9+$0xFFFFFFA0];
	[tilespmem:s7+$0x30] =	vst v2  }
0x187: {  	v2 =	vld [tilespmem:s9+$0xFFFFFFB0];
	[tilespmem:s7+$0x40] =	vst v3  }
0x188: {  	v3 =	vld [tilespmem:s9+$0xFFFFFFC0];
	[tilespmem:s7+$0x50] =	vst v4  }
0x189: {  	v4 =	vld [tilespmem:s9+$0xFFFFFFD0];
	[tilespmem:s7+$0x60] =	vst v5  }
0x18a: {  	v5 =	vld [tilespmem:s9+$0xFFFFFFE0]  }
0x18b: {  	v7 =	vld [tilespmem:s9+$0xFFFFFFF0]  }
0x18c: {  	v6 =	vld.idx.msk [tilespmem:v6+s3+$0x0], $0xffff  }
0x18d: {  	v8 =	vld [tilespmem:s9+$0x0]  }
0x18e: {  	v9 =	vld [tilespmem:s9+$0x10]  }
0x18f: {  	v10 =	vld [tilespmem:s9+$0x20]  }
0x190: {  	v11 =	vld [tilespmem:s9+$0x30]  }
0x191: {  	s7 =	sadd.s32 $0x100, s7;
	v12 =	vld [tilespmem:s9+$0x40]  }
0x192: {  	v13 =	vld [tilespmem:s9+$0x50];
	[tilespmem:s7+$0x70] =	vst v6  }
0x193: {  	v6 =	vld [tilespmem:s9+$0x60]  }
0x194: {  	v14 =	vld [tilespmem:s9+$0xFFFFFF80]  }
0x195: {  	v0 =	vld.idx.msk [tilespmem:v0+s3+$0x0], $0xffff  }
0x196: {  	v1 =	vld.idx.msk [tilespmem:v1+s3+$0x0], $0xffff  }
0x197: {  	v2 =	vld.idx.msk [tilespmem:v2+s3+$0x0], $0xffff  }
0x198: {  	v3 =	vld.idx.msk [tilespmem:v3+s3+$0x0], $0xffff  }
0x199: {  	v4 =	vld.idx.msk [tilespmem:v4+s3+$0x0], $0xffff  }
0x19a: {  	v5 =	vld.idx.msk [tilespmem:v5+s3+$0x0], $0xffff  }
0x19b: {  	[tilespmem:s7+$0xFFFFFF90] =	vst v0;
	v7 =	vld.idx.msk [tilespmem:v7+s3+$0x0], $0xffff  }
0x19c: {  	v14 =	vld.idx.msk [tilespmem:v14+s3+$0x0], $0xffff;
	[tilespmem:s7+$0xFFFFFFA0] =	vst v1  }
0x19d: {  	[tilespmem:s7+$0xFFFFFFB0] =	vst v2;
	v8 =	vld.idx.msk [tilespmem:v8+s3+$0x0], $0xffff  }
0x19e: {  	[tilespmem:s7+$0xFFFFFFC0] =	vst v3;
	v0 =	vld.idx.msk [tilespmem:v9+s3+$0x0], $0xffff  }
.Ltmp7:
0x19f: {  	[tilespmem:s7+$0xFFFFFFD0] =	vst v4;
	v1 =	vld.idx.msk [tilespmem:v10+s3+$0x0], $0xffff;
	(pc) =	sbr.rel @p1 .LBB2_11-.Ltmp7, $4  }
0x1a0: {  	[tilespmem:s7+$0xFFFFFFE0] =	vst v5;
	v2 =	vld.idx.msk [tilespmem:v11+s3+$0x0], $0xffff  }
0x1a1: {  	[tilespmem:s7+$0xFFFFFFF0] =	vst v7;
	v3 =	vld.idx.msk [tilespmem:v12+s3+$0x0], $0xffff  }
0x1a2: {  	[tilespmem:s7+$0xFFFFFF80] =	vst v14;
	v4 =	vld.idx.msk [tilespmem:v13+s3+$0x0], $0xffff  }
0x1a3: {  	s9 =	sadd.s32 $0x100, s9;
	[tilespmem:s7+$0x0] =	vst v8;
	v5 =	vld.idx.msk [tilespmem:v6+s3+$0x0], $0xffff  }
0x1a4: {  	[tilespmem:s7+$0x10] =	vst v0  }
0x1a5: {  	[tilespmem:s7+$0x20] =	vst v1  }
0x1a6: {  	[tilespmem:s7+$0x30] =	vst v2  }
0x1a7: {  	[tilespmem:s7+$0x40] =	vst v3  }
0x1a8: {  	[tilespmem:s7+$0x50] =	vst v4  }
0x1a9: {  	[tilespmem:s7+$0x60] =	vst v5  }
0x1aa: {  	[hbm4b:s28+s1] =	stream.strided.scatter [tilespmem:s4], [sflag:$0x1], $0x2000, s0, s1, $0x38;
	[tilespmem:$0x1E700] =	vst v63  }
0x1ab: {  	_ =	swait.ge [sflag:s2], $0x2000  }
0x1ac: {  	[sflag:s2] =	ssyncset.done $0x0  }
0x1ad: {  	s9 =	simm.s32 $0x1A7F0;
	[sflag:s2] =	ssyncadd.s32 $0xFFFFE000  }
0x1ae: {  	v0 =	vld [tilespmem:s9+$0x0]  }
0x1af: {  	v1 =	vld [tilespmem:s9+$0xFFFFFF20]  }
0x1b0: {  	v2 =	vld [tilespmem:s9+$0xFFFFFF30]  }
0x1b1: {  	v3 =	vld [tilespmem:s9+$0xFFFFFF40]  }
0x1b2: {  	v4 =	vld [tilespmem:s9+$0xFFFFFF50]  }
0x1b3: {  	v5 =	vld [tilespmem:s9+$0xFFFFFF60]  }
0x1b4: {  	v6 =	vld [tilespmem:s9+$0xFFFFFF70]  }
0x1b5: {  	v7 =	vld [tilespmem:s9+$0xFFFFFF80]  }
0x1b6: {  	v8 =	vld [tilespmem:s9+$0xFFFFFF90]  }
0x1b7: {  	v9 =	vld [tilespmem:s9+$0xFFFFFFA0]  }
0x1b8: {  	v10 =	vld [tilespmem:s9+$0xFFFFFFB0]  }
0x1b9: {  	v11 =	vld [tilespmem:s9+$0xFFFFFFC0]  }
0x1ba: {  	v12 =	vld [tilespmem:s9+$0xFFFFFFD0]  }
0x1bb: {  	v13 =	vld [tilespmem:s9+$0xFFFFFFE0]  }
0x1bc: {  	v14 =	vld [tilespmem:s9+$0xFFFFFFF0]  }
0x1bd: {  	v15 =	vld [tilespmem:s9+$0xFFFFFF10]  }
0x1be: {  	v0 =	vld.idx.msk [tilespmem:v0+s3+$0x0], $0xffff  }
0x1bf: {  	v1 =	vld.idx.msk [tilespmem:v1+s3+$0x0], $0xffff  }
0x1c0: {  	v2 =	vld.idx.msk [tilespmem:v2+s3+$0x0], $0xffff  }
0x1c1: {  	v3 =	vld.idx.msk [tilespmem:v3+s3+$0x0], $0xffff  }
0x1c2: {  	v4 =	vld.idx.msk [tilespmem:v4+s3+$0x0], $0xffff  }
0x1c3: {  	s7 =	simm.s32 $0x1C780;
	v5 =	vld.idx.msk [tilespmem:v5+s3+$0x0], $0xffff  }
0x1c4: {  	v6 =	vld.idx.msk [tilespmem:v6+s3+$0x0], $0xffff;
	[tilespmem:s7+$0x70] =	vst v0  }
0x1c5: {  	v7 =	vld.idx.msk [tilespmem:v7+s3+$0x0], $0xffff;
	[tilespmem:s7+$0xFFFFFF90] =	vst v1  }
0x1c6: {  	v15 =	vld.idx.msk [tilespmem:v15+s3+$0x0], $0xffff;
	[tilespmem:s7+$0xFFFFFFA0] =	vst v2  }
0x1c7: {  	v8 =	vld.idx.msk [tilespmem:v8+s3+$0x0], $0xffff;
	[tilespmem:s7+$0xFFFFFFB0] =	vst v3  }
0x1c8: {  	[tilespmem:s7+$0xFFFFFFC0] =	vst v4;
	v0 =	vld.idx.msk [tilespmem:v9+s3+$0x0], $0xffff  }
0x1c9: {  	[tilespmem:s7+$0xFFFFFFD0] =	vst v5;
	v1 =	vld.idx.msk [tilespmem:v10+s3+$0x0], $0xffff  }
0x1ca: {  	[tilespmem:s7+$0xFFFFFFE0] =	vst v6;
	v2 =	vld.idx.msk [tilespmem:v11+s3+$0x0], $0xffff  }
0x1cb: {  	[tilespmem:s7+$0xFFFFFFF0] =	vst v7;
	v3 =	vld.idx.msk [tilespmem:v12+s3+$0x0], $0xffff  }
0x1cc: {  	[tilespmem:s7+$0xFFFFFF80] =	vst v15;
	v4 =	vld.idx.msk [tilespmem:v13+s3+$0x0], $0xffff  }
0x1cd: {  	s8 =	simm.s32 $0x0;
	s9 =	simm.s32 $0x1A8F0;
	[tilespmem:s7+$0x0] =	vst v8;
	v5 =	vld.idx.msk [tilespmem:v14+s3+$0x0], $0xffff  }
.LBB2_13:
0x1ce: {  	v6 =	vld [tilespmem:s9+$0x0];
	s8 =	sadd.s32 $0x100, s8;
	[tilespmem:s7+$0x10] =	vst v0  }
0x1cf: {  	v0 =	vld [tilespmem:s9+$0xFFFFFF20];
	p1 =	slt.u32 s8, $0x1F00;
	[tilespmem:s7+$0x20] =	vst v1  }
0x1d0: {  	v1 =	vld [tilespmem:s9+$0xFFFFFF30];
	[tilespmem:s7+$0x30] =	vst v2  }
0x1d1: {  	v2 =	vld [tilespmem:s9+$0xFFFFFF40];
	[tilespmem:s7+$0x40] =	vst v3  }
0x1d2: {  	v3 =	vld [tilespmem:s9+$0xFFFFFF50];
	[tilespmem:s7+$0x50] =	vst v4  }
0x1d3: {  	v4 =	vld [tilespmem:s9+$0xFFFFFF60];
	[tilespmem:s7+$0x60] =	vst v5  }
0x1d4: {  	v5 =	vld [tilespmem:s9+$0xFFFFFF70]  }
0x1d5: {  	v7 =	vld [tilespmem:s9+$0xFFFFFF80]  }
0x1d6: {  	v6 =	vld.idx.msk [tilespmem:v6+s3+$0x0], $0xffff  }
0x1d7: {  	v8 =	vld [tilespmem:s9+$0xFFFFFF90]  }
0x1d8: {  	v9 =	vld [tilespmem:s9+$0xFFFFFFA0]  }
0x1d9: {  	v10 =	vld [tilespmem:s9+$0xFFFFFFB0]  }
0x1da: {  	v11 =	vld [tilespmem:s9+$0xFFFFFFC0]  }
0x1db: {  	s7 =	sadd.s32 $0x100, s7;
	v12 =	vld [tilespmem:s9+$0xFFFFFFD0]  }
0x1dc: {  	v13 =	vld [tilespmem:s9+$0xFFFFFFE0];
	[tilespmem:s7+$0x70] =	vst v6  }
0x1dd: {  	v6 =	vld [tilespmem:s9+$0xFFFFFFF0]  }
0x1de: {  	v14 =	vld [tilespmem:s9+$0xFFFFFF10]  }
0x1df: {  	v0 =	vld.idx.msk [tilespmem:v0+s3+$0x0], $0xffff  }
0x1e0: {  	v1 =	vld.idx.msk [tilespmem:v1+s3+$0x0], $0xffff  }
0x1e1: {  	v2 =	vld.idx.msk [tilespmem:v2+s3+$0x0], $0xffff  }
0x1e2: {  	v3 =	vld.idx.msk [tilespmem:v3+s3+$0x0], $0xffff  }
0x1e3: {  	v4 =	vld.idx.msk [tilespmem:v4+s3+$0x0], $0xffff  }
0x1e4: {  	v5 =	vld.idx.msk [tilespmem:v5+s3+$0x0], $0xffff  }
0x1e5: {  	[tilespmem:s7+$0xFFFFFF90] =	vst v0;
	v7 =	vld.idx.msk [tilespmem:v7+s3+$0x0], $0xffff  }
0x1e6: {  	v14 =	vld.idx.msk [tilespmem:v14+s3+$0x0], $0xffff;
	[tilespmem:s7+$0xFFFFFFA0] =	vst v1  }
0x1e7: {  	[tilespmem:s7+$0xFFFFFFB0] =	vst v2;
	v8 =	vld.idx.msk [tilespmem:v8+s3+$0x0], $0xffff  }
0x1e8: {  	[tilespmem:s7+$0xFFFFFFC0] =	vst v3;
	v0 =	vld.idx.msk [tilespmem:v9+s3+$0x0], $0xffff  }
.Ltmp8:
0x1e9: {  	[tilespmem:s7+$0xFFFFFFD0] =	vst v4;
	v1 =	vld.idx.msk [tilespmem:v10+s3+$0x0], $0xffff;
	(pc) =	sbr.rel @p1 .LBB2_13-.Ltmp8, $4  }
0x1ea: {  	[tilespmem:s7+$0xFFFFFFE0] =	vst v5;
	v2 =	vld.idx.msk [tilespmem:v11+s3+$0x0], $0xffff  }
0x1eb: {  	[tilespmem:s7+$0xFFFFFFF0] =	vst v7;
	v3 =	vld.idx.msk [tilespmem:v12+s3+$0x0], $0xffff  }
0x1ec: {  	[tilespmem:s7+$0xFFFFFF80] =	vst v14;
	v4 =	vld.idx.msk [tilespmem:v13+s3+$0x0], $0xffff  }
0x1ed: {  	s9 =	sadd.s32 $0x100, s9;
	[tilespmem:s7+$0x0] =	vst v8;
	v5 =	vld.idx.msk [tilespmem:v6+s3+$0x0], $0xffff  }
0x1ee: {  	[tilespmem:s7+$0x10] =	vst v0  }
0x1ef: {  	[tilespmem:s7+$0x20] =	vst v1  }
0x1f0: {  	[tilespmem:s7+$0x30] =	vst v2  }
0x1f1: {  	[tilespmem:s7+$0x40] =	vst v3  }
0x1f2: {  	[tilespmem:s7+$0x50] =	vst v4  }
0x1f3: {  	[tilespmem:s7+$0x60] =	vst v5  }
0x1f4: {  	[hbm4b:s29+s1] =	stream.strided.scatter [tilespmem:s4], [sflag:$0x1], $0x2000, s0, s1, $0x38;
	[tilespmem:$0x1E700] =	vst v63  }
0x1f5: {  	_ =	swait.ge [sflag:s2], $0x2000  }
0x1f6: {  	[sflag:s2] =	ssyncset.done $0x0  }
0x1f7: {  	[sflag:s2] =	ssyncadd.s32 $0xFFFFE000  }
0x1f8: {  	[tilespmem:s3], [sflag:$0x1] =	stream.strided.gather [hbm4b:s15+s1], $0x18700, s0, s1, $0x38;
	[tilespmem:$0x1E700] =	vst v63  }
0x1f9: {  	_ =	swait.ge [sflag:s2], $0x18700  }
0x1fa: {  	[sflag:s2] =	ssyncset.done $0x0  }
0x1fb: {  	s9 =	simm.s32 $0x18780;
	[sflag:s2] =	ssyncadd.s32 $0xFFFE7900  }
0x1fc: {  	v0 =	vld [tilespmem:s9+$0x70]  }
0x1fd: {  	v1 =	vld [tilespmem:s9+$0xFFFFFF90]  }
0x1fe: {  	v2 =	vld [tilespmem:s9+$0xFFFFFFA0]  }
0x1ff: {  	v3 =	vld [tilespmem:s9+$0xFFFFFFB0]  }
0x200: {  	v4 =	vld [tilespmem:s9+$0xFFFFFFC0]  }
0x201: {  	v5 =	vld [tilespmem:s9+$0xFFFFFFD0]  }
0x202: {  	v6 =	vld [tilespmem:s9+$0xFFFFFFE0]  }
0x203: {  	v7 =	vld [tilespmem:s9+$0xFFFFFFF0]  }
0x204: {  	v8 =	vld [tilespmem:s9+$0x0]  }
0x205: {  	v9 =	vld [tilespmem:s9+$0x10]  }
0x206: {  	v10 =	vld [tilespmem:s9+$0x20]  }
0x207: {  	v11 =	vld [tilespmem:s9+$0x30]  }
0x208: {  	v12 =	vld [tilespmem:s9+$0x40]  }
0x209: {  	v13 =	vld [tilespmem:s9+$0x50]  }
0x20a: {  	v14 =	vld [tilespmem:s9+$0x60]  }
0x20b: {  	v15 =	vld [tilespmem:s9+$0xFFFFFF80]  }
0x20c: {  	v0 =	vld.idx.msk [tilespmem:v0+s3+$0x0], $0xffff  }
0x20d: {  	v1 =	vld.idx.msk [tilespmem:v1+s3+$0x0], $0xffff  }
0x20e: {  	v2 =	vld.idx.msk [tilespmem:v2+s3+$0x0], $0xffff  }
0x20f: {  	v3 =	vld.idx.msk [tilespmem:v3+s3+$0x0], $0xffff  }
0x210: {  	v4 =	vld.idx.msk [tilespmem:v4+s3+$0x0], $0xffff  }
0x211: {  	s7 =	simm.s32 $0x1C780;
	v5 =	vld.idx.msk [tilespmem:v5+s3+$0x0], $0xffff  }
0x212: {  	v6 =	vld.idx.msk [tilespmem:v6+s3+$0x0], $0xffff;
	[tilespmem:s7+$0x70] =	vst v0  }
0x213: {  	v7 =	vld.idx.msk [tilespmem:v7+s3+$0x0], $0xffff;
	[tilespmem:s7+$0xFFFFFF90] =	vst v1  }
0x214: {  	v15 =	vld.idx.msk [tilespmem:v15+s3+$0x0], $0xffff;
	[tilespmem:s7+$0xFFFFFFA0] =	vst v2  }
0x215: {  	v8 =	vld.idx.msk [tilespmem:v8+s3+$0x0], $0xffff;
	[tilespmem:s7+$0xFFFFFFB0] =	vst v3  }
0x216: {  	[tilespmem:s7+$0xFFFFFFC0] =	vst v4;
	v0 =	vld.idx.msk [tilespmem:v9+s3+$0x0], $0xffff  }
0x217: {  	[tilespmem:s7+$0xFFFFFFD0] =	vst v5;
	v1 =	vld.idx.msk [tilespmem:v10+s3+$0x0], $0xffff  }
0x218: {  	[tilespmem:s7+$0xFFFFFFE0] =	vst v6;
	v2 =	vld.idx.msk [tilespmem:v11+s3+$0x0], $0xffff  }
0x219: {  	[tilespmem:s7+$0xFFFFFFF0] =	vst v7;
	v3 =	vld.idx.msk [tilespmem:v12+s3+$0x0], $0xffff  }
0x21a: {  	[tilespmem:s7+$0xFFFFFF80] =	vst v15;
	v4 =	vld.idx.msk [tilespmem:v13+s3+$0x0], $0xffff  }
0x21b: {  	s8 =	simm.s32 $0x0;
	s9 =	simm.s32 $0x18880;
	[tilespmem:s7+$0x0] =	vst v8;
	v5 =	vld.idx.msk [tilespmem:v14+s3+$0x0], $0xffff  }
.LBB2_15:
0x21c: {  	v6 =	vld [tilespmem:s9+$0x70];
	s8 =	sadd.s32 $0x100, s8;
	[tilespmem:s7+$0x10] =	vst v0  }
0x21d: {  	v0 =	vld [tilespmem:s9+$0xFFFFFF90];
	p1 =	slt.u32 s8, $0x1F00;
	[tilespmem:s7+$0x20] =	vst v1  }
0x21e: {  	v1 =	vld [tilespmem:s9+$0xFFFFFFA0];
	[tilespmem:s7+$0x30] =	vst v2  }
0x21f: {  	v2 =	vld [tilespmem:s9+$0xFFFFFFB0];
	[tilespmem:s7+$0x40] =	vst v3  }
0x220: {  	v3 =	vld [tilespmem:s9+$0xFFFFFFC0];
	[tilespmem:s7+$0x50] =	vst v4  }
0x221: {  	v4 =	vld [tilespmem:s9+$0xFFFFFFD0];
	[tilespmem:s7+$0x60] =	vst v5  }
0x222: {  	v5 =	vld [tilespmem:s9+$0xFFFFFFE0]  }
0x223: {  	v7 =	vld [tilespmem:s9+$0xFFFFFFF0]  }
0x224: {  	v6 =	vld.idx.msk [tilespmem:v6+s3+$0x0], $0xffff  }
0x225: {  	v8 =	vld [tilespmem:s9+$0x0]  }
0x226: {  	v9 =	vld [tilespmem:s9+$0x10]  }
0x227: {  	v10 =	vld [tilespmem:s9+$0x20]  }
0x228: {  	v11 =	vld [tilespmem:s9+$0x30]  }
0x229: {  	s7 =	sadd.s32 $0x100, s7;
	v12 =	vld [tilespmem:s9+$0x40]  }
0x22a: {  	v13 =	vld [tilespmem:s9+$0x50];
	[tilespmem:s7+$0x70] =	vst v6  }
0x22b: {  	v6 =	vld [tilespmem:s9+$0x60]  }
0x22c: {  	v14 =	vld [tilespmem:s9+$0xFFFFFF80]  }
0x22d: {  	v0 =	vld.idx.msk [tilespmem:v0+s3+$0x0], $0xffff  }
0x22e: {  	v1 =	vld.idx.msk [tilespmem:v1+s3+$0x0], $0xffff  }
0x22f: {  	v2 =	vld.idx.msk [tilespmem:v2+s3+$0x0], $0xffff  }
0x230: {  	v3 =	vld.idx.msk [tilespmem:v3+s3+$0x0], $0xffff  }
0x231: {  	v4 =	vld.idx.msk [tilespmem:v4+s3+$0x0], $0xffff  }
0x232: {  	v5 =	vld.idx.msk [tilespmem:v5+s3+$0x0], $0xffff  }
0x233: {  	[tilespmem:s7+$0xFFFFFF90] =	vst v0;
	v7 =	vld.idx.msk [tilespmem:v7+s3+$0x0], $0xffff  }
0x234: {  	v14 =	vld.idx.msk [tilespmem:v14+s3+$0x0], $0xffff;
	[tilespmem:s7+$0xFFFFFFA0] =	vst v1  }
0x235: {  	[tilespmem:s7+$0xFFFFFFB0] =	vst v2;
	v8 =	vld.idx.msk [tilespmem:v8+s3+$0x0], $0xffff  }
0x236: {  	[tilespmem:s7+$0xFFFFFFC0] =	vst v3;
	v0 =	vld.idx.msk [tilespmem:v9+s3+$0x0], $0xffff  }
.Ltmp9:
0x237: {  	[tilespmem:s7+$0xFFFFFFD0] =	vst v4;
	v1 =	vld.idx.msk [tilespmem:v10+s3+$0x0], $0xffff;
	(pc) =	sbr.rel @p1 .LBB2_15-.Ltmp9, $4  }
0x238: {  	[tilespmem:s7+$0xFFFFFFE0] =	vst v5;
	v2 =	vld.idx.msk [tilespmem:v11+s3+$0x0], $0xffff  }
0x239: {  	[tilespmem:s7+$0xFFFFFFF0] =	vst v7;
	v3 =	vld.idx.msk [tilespmem:v12+s3+$0x0], $0xffff  }
0x23a: {  	[tilespmem:s7+$0xFFFFFF80] =	vst v14;
	v4 =	vld.idx.msk [tilespmem:v13+s3+$0x0], $0xffff  }
0x23b: {  	s9 =	sadd.s32 $0x100, s9;
	[tilespmem:s7+$0x0] =	vst v8;
	v5 =	vld.idx.msk [tilespmem:v6+s3+$0x0], $0xffff  }
0x23c: {  	[tilespmem:s7+$0x10] =	vst v0  }
0x23d: {  	[tilespmem:s7+$0x20] =	vst v1  }
0x23e: {  	[tilespmem:s7+$0x30] =	vst v2  }
0x23f: {  	[tilespmem:s7+$0x40] =	vst v3  }
0x240: {  	[tilespmem:s7+$0x50] =	vst v4  }
0x241: {  	[tilespmem:s7+$0x60] =	vst v5  }
0x242: {  	[hbm4b:s30+s1] =	stream.strided.scatter [tilespmem:s4], [sflag:$0x1], $0x2000, s0, s1, $0x38;
	[tilespmem:$0x1E700] =	vst v63  }
0x243: {  	_ =	swait.ge [sflag:s2], $0x2000  }
0x244: {  	[sflag:s2] =	ssyncset.done $0x0  }
0x245: {  	s9 =	simm.s32 $0x1A7F0;
	[sflag:s2] =	ssyncadd.s32 $0xFFFFE000  }
0x246: {  	v0 =	vld [tilespmem:s9+$0x0]  }
0x247: {  	v1 =	vld [tilespmem:s9+$0xFFFFFF20]  }
0x248: {  	v2 =	vld [tilespmem:s9+$0xFFFFFF30]  }
0x249: {  	v3 =	vld [tilespmem:s9+$0xFFFFFF40]  }
0x24a: {  	v4 =	vld [tilespmem:s9+$0xFFFFFF50]  }
0x24b: {  	v5 =	vld [tilespmem:s9+$0xFFFFFF60]  }
0x24c: {  	v6 =	vld [tilespmem:s9+$0xFFFFFF70]  }
0x24d: {  	v7 =	vld [tilespmem:s9+$0xFFFFFF80]  }
0x24e: {  	v8 =	vld [tilespmem:s9+$0xFFFFFF90]  }
0x24f: {  	v9 =	vld [tilespmem:s9+$0xFFFFFFA0]  }
0x250: {  	v10 =	vld [tilespmem:s9+$0xFFFFFFB0]  }
0x251: {  	v11 =	vld [tilespmem:s9+$0xFFFFFFC0]  }
0x252: {  	v12 =	vld [tilespmem:s9+$0xFFFFFFD0]  }
0x253: {  	v13 =	vld [tilespmem:s9+$0xFFFFFFE0]  }
0x254: {  	v14 =	vld [tilespmem:s9+$0xFFFFFFF0]  }
0x255: {  	v15 =	vld [tilespmem:s9+$0xFFFFFF10]  }
0x256: {  	v0 =	vld.idx.msk [tilespmem:v0+s3+$0x0], $0xffff  }
0x257: {  	v1 =	vld.idx.msk [tilespmem:v1+s3+$0x0], $0xffff  }
0x258: {  	v2 =	vld.idx.msk [tilespmem:v2+s3+$0x0], $0xffff  }
0x259: {  	v3 =	vld.idx.msk [tilespmem:v3+s3+$0x0], $0xffff  }
0x25a: {  	v4 =	vld.idx.msk [tilespmem:v4+s3+$0x0], $0xffff  }
0x25b: {  	s7 =	simm.s32 $0x1C780;
	v5 =	vld.idx.msk [tilespmem:v5+s3+$0x0], $0xffff  }
0x25c: {  	v6 =	vld.idx.msk [tilespmem:v6+s3+$0x0], $0xffff;
	[tilespmem:s7+$0x70] =	vst v0  }
0x25d: {  	v7 =	vld.idx.msk [tilespmem:v7+s3+$0x0], $0xffff;
	[tilespmem:s7+$0xFFFFFF90] =	vst v1  }
0x25e: {  	v15 =	vld.idx.msk [tilespmem:v15+s3+$0x0], $0xffff;
	[tilespmem:s7+$0xFFFFFFA0] =	vst v2  }
0x25f: {  	v8 =	vld.idx.msk [tilespmem:v8+s3+$0x0], $0xffff;
	[tilespmem:s7+$0xFFFFFFB0] =	vst v3  }
0x260: {  	[tilespmem:s7+$0xFFFFFFC0] =	vst v4;
	v0 =	vld.idx.msk [tilespmem:v9+s3+$0x0], $0xffff  }
0x261: {  	[tilespmem:s7+$0xFFFFFFD0] =	vst v5;
	v1 =	vld.idx.msk [tilespmem:v10+s3+$0x0], $0xffff  }
0x262: {  	[tilespmem:s7+$0xFFFFFFE0] =	vst v6;
	v2 =	vld.idx.msk [tilespmem:v11+s3+$0x0], $0xffff  }
0x263: {  	[tilespmem:s7+$0xFFFFFFF0] =	vst v7;
	v3 =	vld.idx.msk [tilespmem:v12+s3+$0x0], $0xffff  }
0x264: {  	[tilespmem:s7+$0xFFFFFF80] =	vst v15;
	v4 =	vld.idx.msk [tilespmem:v13+s3+$0x0], $0xffff  }
0x265: {  	s8 =	simm.s32 $0x0;
	s9 =	simm.s32 $0x1A8F0;
	[tilespmem:s7+$0x0] =	vst v8;
	v5 =	vld.idx.msk [tilespmem:v14+s3+$0x0], $0xffff  }
.LBB2_17:
0x266: {  	v6 =	vld [tilespmem:s9+$0x0];
	s8 =	sadd.s32 $0x100, s8;
	[tilespmem:s7+$0x10] =	vst v0  }
0x267: {  	v0 =	vld [tilespmem:s9+$0xFFFFFF20];
	p1 =	slt.u32 s8, $0x1F00;
	[tilespmem:s7+$0x20] =	vst v1  }
0x268: {  	v1 =	vld [tilespmem:s9+$0xFFFFFF30];
	[tilespmem:s7+$0x30] =	vst v2  }
0x269: {  	v2 =	vld [tilespmem:s9+$0xFFFFFF40];
	[tilespmem:s7+$0x40] =	vst v3  }
0x26a: {  	v3 =	vld [tilespmem:s9+$0xFFFFFF50];
	[tilespmem:s7+$0x50] =	vst v4  }
0x26b: {  	v4 =	vld [tilespmem:s9+$0xFFFFFF60];
	[tilespmem:s7+$0x60] =	vst v5  }
0x26c: {  	v5 =	vld [tilespmem:s9+$0xFFFFFF70]  }
0x26d: {  	v7 =	vld [tilespmem:s9+$0xFFFFFF80]  }
0x26e: {  	v6 =	vld.idx.msk [tilespmem:v6+s3+$0x0], $0xffff  }
0x26f: {  	v8 =	vld [tilespmem:s9+$0xFFFFFF90]  }
0x270: {  	v9 =	vld [tilespmem:s9+$0xFFFFFFA0]  }
0x271: {  	v10 =	vld [tilespmem:s9+$0xFFFFFFB0]  }
0x272: {  	v11 =	vld [tilespmem:s9+$0xFFFFFFC0]  }
0x273: {  	s7 =	sadd.s32 $0x100, s7;
	v12 =	vld [tilespmem:s9+$0xFFFFFFD0]  }
0x274: {  	v13 =	vld [tilespmem:s9+$0xFFFFFFE0];
	[tilespmem:s7+$0x70] =	vst v6  }
0x275: {  	v6 =	vld [tilespmem:s9+$0xFFFFFFF0]  }
0x276: {  	v14 =	vld [tilespmem:s9+$0xFFFFFF10]  }
0x277: {  	v0 =	vld.idx.msk [tilespmem:v0+s3+$0x0], $0xffff  }
0x278: {  	v1 =	vld.idx.msk [tilespmem:v1+s3+$0x0], $0xffff  }
0x279: {  	v2 =	vld.idx.msk [tilespmem:v2+s3+$0x0], $0xffff  }
0x27a: {  	v3 =	vld.idx.msk [tilespmem:v3+s3+$0x0], $0xffff  }
0x27b: {  	v4 =	vld.idx.msk [tilespmem:v4+s3+$0x0], $0xffff  }
0x27c: {  	v5 =	vld.idx.msk [tilespmem:v5+s3+$0x0], $0xffff  }
0x27d: {  	[tilespmem:s7+$0xFFFFFF90] =	vst v0;
	v7 =	vld.idx.msk [tilespmem:v7+s3+$0x0], $0xffff  }
0x27e: {  	v14 =	vld.idx.msk [tilespmem:v14+s3+$0x0], $0xffff;
	[tilespmem:s7+$0xFFFFFFA0] =	vst v1  }
0x27f: {  	[tilespmem:s7+$0xFFFFFFB0] =	vst v2;
	v8 =	vld.idx.msk [tilespmem:v8+s3+$0x0], $0xffff  }
0x280: {  	[tilespmem:s7+$0xFFFFFFC0] =	vst v3;
	v0 =	vld.idx.msk [tilespmem:v9+s3+$0x0], $0xffff  }
.Ltmp10:
0x281: {  	[tilespmem:s7+$0xFFFFFFD0] =	vst v4;
	v1 =	vld.idx.msk [tilespmem:v10+s3+$0x0], $0xffff;
	(pc) =	sbr.rel @p1 .LBB2_17-.Ltmp10, $4  }
0x282: {  	[tilespmem:s7+$0xFFFFFFE0] =	vst v5;
	v2 =	vld.idx.msk [tilespmem:v11+s3+$0x0], $0xffff  }
0x283: {  	[tilespmem:s7+$0xFFFFFFF0] =	vst v7;
	v3 =	vld.idx.msk [tilespmem:v12+s3+$0x0], $0xffff  }
0x284: {  	[tilespmem:s7+$0xFFFFFF80] =	vst v14;
	v4 =	vld.idx.msk [tilespmem:v13+s3+$0x0], $0xffff  }
0x285: {  	s9 =	sadd.s32 $0x100, s9;
	[tilespmem:s7+$0x0] =	vst v8;
	v5 =	vld.idx.msk [tilespmem:v6+s3+$0x0], $0xffff  }
0x286: {  	[tilespmem:s7+$0x10] =	vst v0  }
.Ltmp11:
0x287: {  	[tilespmem:s7+$0x20] =	vst v1;
	(pc) =	sbr.rel .LBB2_36-.Ltmp11, $4  }
0x288: {  	[tilespmem:s7+$0x30] =	vst v2  }
0x289: {  	[tilespmem:s7+$0x40] =	vst v3  }
0x28a: {  	[tilespmem:s7+$0x50] =	vst v4  }
0x28b: {  	[tilespmem:s7+$0x60] =	vst v5;
	s7 =	smov.u32 s20  }
.LBB2_19:
0x28c: {  	s7 =	rddreg [dreg:$0x1];
	s8 =	simm.s32 $0x18700  }
0x28d: {  	[tilespmem:s8], [sflag:$0x1] =	stream.linear.gather [hbm4b:s7+s3], $0x4000, $0x38;
	[tilespmem:$0x1E700] =	vst v63  }
0x28e: {  	_ =	swait.ge [sflag:s2], $0x4000  }
0x28f: {  	[sflag:s2] =	ssyncset.done $0x0  }
0x290: {  	s8 =	rddreg [dreg:$0x6];
	[sflag:s2] =	ssyncadd.s32 $0xFFFFC000  }
0x291: {  	[tilespmem:s3], [sflag:$0x1] =	stream.strided.gather [hbm4b:s8+s1], $0x18700, s0, s1, $0x38;
	[tilespmem:$0x1E700] =	vst v63  }
0x292: {  	_ =	swait.ge [sflag:s2], $0x18700  }
0x293: {  	[sflag:s2] =	ssyncset.done $0x0  }
0x294: {  	s9 =	simm.s32 $0x18780;
	[sflag:s2] =	ssyncadd.s32 $0xFFFE7900  }
0x295: {  	v0 =	vld [tilespmem:s9+$0x70]  }
0x296: {  	v1 =	vld [tilespmem:s9+$0xFFFFFF90]  }
0x297: {  	v2 =	vld [tilespmem:s9+$0xFFFFFFA0]  }
0x298: {  	v3 =	vld [tilespmem:s9+$0xFFFFFFB0]  }
0x299: {  	v4 =	vld [tilespmem:s9+$0xFFFFFFC0]  }
0x29a: {  	v5 =	vld [tilespmem:s9+$0xFFFFFFD0]  }
0x29b: {  	v6 =	vld [tilespmem:s9+$0xFFFFFFE0]  }
0x29c: {  	v7 =	vld [tilespmem:s9+$0xFFFFFFF0]  }
0x29d: {  	v8 =	vld [tilespmem:s9+$0x0]  }
0x29e: {  	v9 =	vld [tilespmem:s9+$0x10]  }
0x29f: {  	v10 =	vld [tilespmem:s9+$0x20]  }
0x2a0: {  	v11 =	vld [tilespmem:s9+$0x30]  }
0x2a1: {  	v12 =	vld [tilespmem:s9+$0x40]  }
0x2a2: {  	v13 =	vld [tilespmem:s9+$0x50]  }
0x2a3: {  	v14 =	vld [tilespmem:s9+$0x60]  }
0x2a4: {  	v15 =	vld [tilespmem:s9+$0xFFFFFF80]  }
0x2a5: {  	v0 =	vld.idx.msk [tilespmem:v0+s3+$0x0], $0xffff  }
0x2a6: {  	v1 =	vld.idx.msk [tilespmem:v1+s3+$0x0], $0xffff  }
0x2a7: {  	v2 =	vld.idx.msk [tilespmem:v2+s3+$0x0], $0xffff  }
0x2a8: {  	v3 =	vld.idx.msk [tilespmem:v3+s3+$0x0], $0xffff  }
0x2a9: {  	v4 =	vld.idx.msk [tilespmem:v4+s3+$0x0], $0xffff  }
0x2aa: {  	s7 =	simm.s32 $0x1C780;
	v5 =	vld.idx.msk [tilespmem:v5+s3+$0x0], $0xffff  }
0x2ab: {  	v6 =	vld.idx.msk [tilespmem:v6+s3+$0x0], $0xffff;
	[tilespmem:s7+$0x70] =	vst v0  }
0x2ac: {  	v7 =	vld.idx.msk [tilespmem:v7+s3+$0x0], $0xffff;
	[tilespmem:s7+$0xFFFFFF90] =	vst v1  }
0x2ad: {  	v15 =	vld.idx.msk [tilespmem:v15+s3+$0x0], $0xffff;
	[tilespmem:s7+$0xFFFFFFA0] =	vst v2  }
0x2ae: {  	v8 =	vld.idx.msk [tilespmem:v8+s3+$0x0], $0xffff;
	[tilespmem:s7+$0xFFFFFFB0] =	vst v3  }
0x2af: {  	[tilespmem:s7+$0xFFFFFFC0] =	vst v4;
	v0 =	vld.idx.msk [tilespmem:v9+s3+$0x0], $0xffff  }
0x2b0: {  	[tilespmem:s7+$0xFFFFFFD0] =	vst v5;
	v1 =	vld.idx.msk [tilespmem:v10+s3+$0x0], $0xffff  }
0x2b1: {  	[tilespmem:s7+$0xFFFFFFE0] =	vst v6;
	v2 =	vld.idx.msk [tilespmem:v11+s3+$0x0], $0xffff  }
0x2b2: {  	[tilespmem:s7+$0xFFFFFFF0] =	vst v7;
	v3 =	vld.idx.msk [tilespmem:v12+s3+$0x0], $0xffff  }
0x2b3: {  	[tilespmem:s7+$0xFFFFFF80] =	vst v15;
	v4 =	vld.idx.msk [tilespmem:v13+s3+$0x0], $0xffff  }
0x2b4: {  	s8 =	simm.s32 $0x0;
	s9 =	simm.s32 $0x18880;
	[tilespmem:s7+$0x0] =	vst v8;
	v5 =	vld.idx.msk [tilespmem:v14+s3+$0x0], $0xffff  }
.LBB2_20:
0x2b5: {  	v6 =	vld [tilespmem:s9+$0x70];
	s8 =	sadd.s32 $0x100, s8;
	[tilespmem:s7+$0x10] =	vst v0  }
0x2b6: {  	v0 =	vld [tilespmem:s9+$0xFFFFFF90];
	p1 =	slt.u32 s8, $0x1F00;
	[tilespmem:s7+$0x20] =	vst v1  }
0x2b7: {  	v1 =	vld [tilespmem:s9+$0xFFFFFFA0];
	[tilespmem:s7+$0x30] =	vst v2  }
0x2b8: {  	v2 =	vld [tilespmem:s9+$0xFFFFFFB0];
	[tilespmem:s7+$0x40] =	vst v3  }
0x2b9: {  	v3 =	vld [tilespmem:s9+$0xFFFFFFC0];
	[tilespmem:s7+$0x50] =	vst v4  }
0x2ba: {  	v4 =	vld [tilespmem:s9+$0xFFFFFFD0];
	[tilespmem:s7+$0x60] =	vst v5  }
0x2bb: {  	v5 =	vld [tilespmem:s9+$0xFFFFFFE0]  }
0x2bc: {  	v7 =	vld [tilespmem:s9+$0xFFFFFFF0]  }
0x2bd: {  	v6 =	vld.idx.msk [tilespmem:v6+s3+$0x0], $0xffff  }
0x2be: {  	v8 =	vld [tilespmem:s9+$0x0]  }
0x2bf: {  	v9 =	vld [tilespmem:s9+$0x10]  }
0x2c0: {  	v10 =	vld [tilespmem:s9+$0x20]  }
0x2c1: {  	v11 =	vld [tilespmem:s9+$0x30]  }
0x2c2: {  	s7 =	sadd.s32 $0x100, s7;
	v12 =	vld [tilespmem:s9+$0x40]  }
0x2c3: {  	v13 =	vld [tilespmem:s9+$0x50];
	[tilespmem:s7+$0x70] =	vst v6  }
0x2c4: {  	v6 =	vld [tilespmem:s9+$0x60]  }
0x2c5: {  	v14 =	vld [tilespmem:s9+$0xFFFFFF80]  }
0x2c6: {  	v0 =	vld.idx.msk [tilespmem:v0+s3+$0x0], $0xffff  }
0x2c7: {  	v1 =	vld.idx.msk [tilespmem:v1+s3+$0x0], $0xffff  }
0x2c8: {  	v2 =	vld.idx.msk [tilespmem:v2+s3+$0x0], $0xffff  }
0x2c9: {  	v3 =	vld.idx.msk [tilespmem:v3+s3+$0x0], $0xffff  }
0x2ca: {  	v4 =	vld.idx.msk [tilespmem:v4+s3+$0x0], $0xffff  }
0x2cb: {  	v5 =	vld.idx.msk [tilespmem:v5+s3+$0x0], $0xffff  }
0x2cc: {  	[tilespmem:s7+$0xFFFFFF90] =	vst v0;
	v7 =	vld.idx.msk [tilespmem:v7+s3+$0x0], $0xffff  }
0x2cd: {  	v14 =	vld.idx.msk [tilespmem:v14+s3+$0x0], $0xffff;
	[tilespmem:s7+$0xFFFFFFA0] =	vst v1  }
0x2ce: {  	[tilespmem:s7+$0xFFFFFFB0] =	vst v2;
	v8 =	vld.idx.msk [tilespmem:v8+s3+$0x0], $0xffff  }
0x2cf: {  	[tilespmem:s7+$0xFFFFFFC0] =	vst v3;
	v0 =	vld.idx.msk [tilespmem:v9+s3+$0x0], $0xffff  }
.Ltmp12:
0x2d0: {  	[tilespmem:s7+$0xFFFFFFD0] =	vst v4;
	v1 =	vld.idx.msk [tilespmem:v10+s3+$0x0], $0xffff;
	(pc) =	sbr.rel @p1 .LBB2_20-.Ltmp12, $4  }
0x2d1: {  	[tilespmem:s7+$0xFFFFFFE0] =	vst v5;
	v2 =	vld.idx.msk [tilespmem:v11+s3+$0x0], $0xffff  }
0x2d2: {  	[tilespmem:s7+$0xFFFFFFF0] =	vst v7;
	v3 =	vld.idx.msk [tilespmem:v12+s3+$0x0], $0xffff  }
0x2d3: {  	[tilespmem:s7+$0xFFFFFF80] =	vst v14;
	v4 =	vld.idx.msk [tilespmem:v13+s3+$0x0], $0xffff  }
0x2d4: {  	s9 =	sadd.s32 $0x100, s9;
	[tilespmem:s7+$0x0] =	vst v8;
	v5 =	vld.idx.msk [tilespmem:v6+s3+$0x0], $0xffff  }
0x2d5: {  	[tilespmem:s7+$0x10] =	vst v0  }
0x2d6: {  	[tilespmem:s7+$0x20] =	vst v1  }
0x2d7: {  	[tilespmem:s7+$0x30] =	vst v2  }
0x2d8: {  	[tilespmem:s7+$0x40] =	vst v3  }
0x2d9: {  	[tilespmem:s7+$0x50] =	vst v4  }
0x2da: {  	[tilespmem:s7+$0x60] =	vst v5  }
0x2db: {  	s7 =	rddreg [dreg:$0x7]  }
0x2dc: {  	[hbm4b:s7+s1] =	stream.strided.scatter [tilespmem:s4], [sflag:$0x1], $0x2000, s0, s1, $0x38;
	[tilespmem:$0x1E700] =	vst v63  }
0x2dd: {  	_ =	swait.ge [sflag:s2], $0x2000  }
0x2de: {  	[sflag:s2] =	ssyncset.done $0x0  }
0x2df: {  	s9 =	simm.s32 $0x1A7F0;
	[sflag:s2] =	ssyncadd.s32 $0xFFFFE000  }
0x2e0: {  	v0 =	vld [tilespmem:s9+$0x0]  }
0x2e1: {  	v1 =	vld [tilespmem:s9+$0xFFFFFF20]  }
0x2e2: {  	v2 =	vld [tilespmem:s9+$0xFFFFFF30]  }
0x2e3: {  	v3 =	vld [tilespmem:s9+$0xFFFFFF40]  }
0x2e4: {  	v4 =	vld [tilespmem:s9+$0xFFFFFF50]  }
0x2e5: {  	v5 =	vld [tilespmem:s9+$0xFFFFFF60]  }
0x2e6: {  	v6 =	vld [tilespmem:s9+$0xFFFFFF70]  }
0x2e7: {  	v7 =	vld [tilespmem:s9+$0xFFFFFF80]  }
0x2e8: {  	v8 =	vld [tilespmem:s9+$0xFFFFFF90]  }
0x2e9: {  	v9 =	vld [tilespmem:s9+$0xFFFFFFA0]  }
0x2ea: {  	v10 =	vld [tilespmem:s9+$0xFFFFFFB0]  }
0x2eb: {  	v11 =	vld [tilespmem:s9+$0xFFFFFFC0]  }
0x2ec: {  	v12 =	vld [tilespmem:s9+$0xFFFFFFD0]  }
0x2ed: {  	v13 =	vld [tilespmem:s9+$0xFFFFFFE0]  }
0x2ee: {  	v14 =	vld [tilespmem:s9+$0xFFFFFFF0]  }
0x2ef: {  	v15 =	vld [tilespmem:s9+$0xFFFFFF10]  }
0x2f0: {  	v0 =	vld.idx.msk [tilespmem:v0+s3+$0x0], $0xffff  }
0x2f1: {  	v1 =	vld.idx.msk [tilespmem:v1+s3+$0x0], $0xffff  }
0x2f2: {  	v2 =	vld.idx.msk [tilespmem:v2+s3+$0x0], $0xffff  }
0x2f3: {  	v3 =	vld.idx.msk [tilespmem:v3+s3+$0x0], $0xffff  }
0x2f4: {  	v4 =	vld.idx.msk [tilespmem:v4+s3+$0x0], $0xffff  }
0x2f5: {  	s7 =	simm.s32 $0x1C780;
	v5 =	vld.idx.msk [tilespmem:v5+s3+$0x0], $0xffff  }
0x2f6: {  	v6 =	vld.idx.msk [tilespmem:v6+s3+$0x0], $0xffff;
	[tilespmem:s7+$0x70] =	vst v0  }
0x2f7: {  	v7 =	vld.idx.msk [tilespmem:v7+s3+$0x0], $0xffff;
	[tilespmem:s7+$0xFFFFFF90] =	vst v1  }
0x2f8: {  	v15 =	vld.idx.msk [tilespmem:v15+s3+$0x0], $0xffff;
	[tilespmem:s7+$0xFFFFFFA0] =	vst v2  }
0x2f9: {  	v8 =	vld.idx.msk [tilespmem:v8+s3+$0x0], $0xffff;
	[tilespmem:s7+$0xFFFFFFB0] =	vst v3  }
0x2fa: {  	[tilespmem:s7+$0xFFFFFFC0] =	vst v4;
	v0 =	vld.idx.msk [tilespmem:v9+s3+$0x0], $0xffff  }
0x2fb: {  	[tilespmem:s7+$0xFFFFFFD0] =	vst v5;
	v1 =	vld.idx.msk [tilespmem:v10+s3+$0x0], $0xffff  }
0x2fc: {  	[tilespmem:s7+$0xFFFFFFE0] =	vst v6;
	v2 =	vld.idx.msk [tilespmem:v11+s3+$0x0], $0xffff  }
0x2fd: {  	[tilespmem:s7+$0xFFFFFFF0] =	vst v7;
	v3 =	vld.idx.msk [tilespmem:v12+s3+$0x0], $0xffff  }
0x2fe: {  	[tilespmem:s7+$0xFFFFFF80] =	vst v15;
	v4 =	vld.idx.msk [tilespmem:v13+s3+$0x0], $0xffff  }
0x2ff: {  	s8 =	simm.s32 $0x0;
	s9 =	simm.s32 $0x1A8F0;
	[tilespmem:s7+$0x0] =	vst v8;
	v5 =	vld.idx.msk [tilespmem:v14+s3+$0x0], $0xffff  }
.LBB2_22:
0x300: {  	v6 =	vld [tilespmem:s9+$0x0];
	s8 =	sadd.s32 $0x100, s8;
	[tilespmem:s7+$0x10] =	vst v0  }
0x301: {  	v0 =	vld [tilespmem:s9+$0xFFFFFF20];
	p1 =	slt.u32 s8, $0x1F00;
	[tilespmem:s7+$0x20] =	vst v1  }
0x302: {  	v1 =	vld [tilespmem:s9+$0xFFFFFF30];
	[tilespmem:s7+$0x30] =	vst v2  }
0x303: {  	v2 =	vld [tilespmem:s9+$0xFFFFFF40];
	[tilespmem:s7+$0x40] =	vst v3  }
0x304: {  	v3 =	vld [tilespmem:s9+$0xFFFFFF50];
	[tilespmem:s7+$0x50] =	vst v4  }
0x305: {  	v4 =	vld [tilespmem:s9+$0xFFFFFF60];
	[tilespmem:s7+$0x60] =	vst v5  }
0x306: {  	v5 =	vld [tilespmem:s9+$0xFFFFFF70]  }
0x307: {  	v7 =	vld [tilespmem:s9+$0xFFFFFF80]  }
0x308: {  	v6 =	vld.idx.msk [tilespmem:v6+s3+$0x0], $0xffff  }
0x309: {  	v8 =	vld [tilespmem:s9+$0xFFFFFF90]  }
0x30a: {  	v9 =	vld [tilespmem:s9+$0xFFFFFFA0]  }
0x30b: {  	v10 =	vld [tilespmem:s9+$0xFFFFFFB0]  }
0x30c: {  	v11 =	vld [tilespmem:s9+$0xFFFFFFC0]  }
0x30d: {  	s7 =	sadd.s32 $0x100, s7;
	v12 =	vld [tilespmem:s9+$0xFFFFFFD0]  }
0x30e: {  	v13 =	vld [tilespmem:s9+$0xFFFFFFE0];
	[tilespmem:s7+$0x70] =	vst v6  }
0x30f: {  	v6 =	vld [tilespmem:s9+$0xFFFFFFF0]  }
0x310: {  	v14 =	vld [tilespmem:s9+$0xFFFFFF10]  }
0x311: {  	v0 =	vld.idx.msk [tilespmem:v0+s3+$0x0], $0xffff  }
0x312: {  	v1 =	vld.idx.msk [tilespmem:v1+s3+$0x0], $0xffff  }
0x313: {  	v2 =	vld.idx.msk [tilespmem:v2+s3+$0x0], $0xffff  }
0x314: {  	v3 =	vld.idx.msk [tilespmem:v3+s3+$0x0], $0xffff  }
0x315: {  	v4 =	vld.idx.msk [tilespmem:v4+s3+$0x0], $0xffff  }
0x316: {  	v5 =	vld.idx.msk [tilespmem:v5+s3+$0x0], $0xffff  }
0x317: {  	[tilespmem:s7+$0xFFFFFF90] =	vst v0;
	v7 =	vld.idx.msk [tilespmem:v7+s3+$0x0], $0xffff  }
0x318: {  	v14 =	vld.idx.msk [tilespmem:v14+s3+$0x0], $0xffff;
	[tilespmem:s7+$0xFFFFFFA0] =	vst v1  }
0x319: {  	[tilespmem:s7+$0xFFFFFFB0] =	vst v2;
	v8 =	vld.idx.msk [tilespmem:v8+s3+$0x0], $0xffff  }
0x31a: {  	[tilespmem:s7+$0xFFFFFFC0] =	vst v3;
	v0 =	vld.idx.msk [tilespmem:v9+s3+$0x0], $0xffff  }
.Ltmp13:
0x31b: {  	[tilespmem:s7+$0xFFFFFFD0] =	vst v4;
	v1 =	vld.idx.msk [tilespmem:v10+s3+$0x0], $0xffff;
	(pc) =	sbr.rel @p1 .LBB2_22-.Ltmp13, $4  }
0x31c: {  	[tilespmem:s7+$0xFFFFFFE0] =	vst v5;
	v2 =	vld.idx.msk [tilespmem:v11+s3+$0x0], $0xffff  }
0x31d: {  	[tilespmem:s7+$0xFFFFFFF0] =	vst v7;
	v3 =	vld.idx.msk [tilespmem:v12+s3+$0x0], $0xffff  }
0x31e: {  	[tilespmem:s7+$0xFFFFFF80] =	vst v14;
	v4 =	vld.idx.msk [tilespmem:v13+s3+$0x0], $0xffff  }
0x31f: {  	s9 =	sadd.s32 $0x100, s9;
	[tilespmem:s7+$0x0] =	vst v8;
	v5 =	vld.idx.msk [tilespmem:v6+s3+$0x0], $0xffff  }
0x320: {  	[tilespmem:s7+$0x10] =	vst v0  }
0x321: {  	[tilespmem:s7+$0x20] =	vst v1  }
0x322: {  	[tilespmem:s7+$0x30] =	vst v2  }
0x323: {  	[tilespmem:s7+$0x40] =	vst v3  }
0x324: {  	[tilespmem:s7+$0x50] =	vst v4  }
0x325: {  	[tilespmem:s7+$0x60] =	vst v5  }
0x326: {  	s7 =	rddreg [dreg:$0x8]  }
0x327: {  	[hbm4b:s7+s1] =	stream.strided.scatter [tilespmem:s4], [sflag:$0x1], $0x2000, s0, s1, $0x38;
	[tilespmem:$0x1E700] =	vst v63  }
0x328: {  	_ =	swait.ge [sflag:s2], $0x2000  }
0x329: {  	[sflag:s2] =	ssyncset.done $0x0  }
0x32a: {  	s8 =	rddreg [dreg:$0x9];
	[sflag:s2] =	ssyncadd.s32 $0xFFFFE000  }
0x32b: {  	[tilespmem:s3], [sflag:$0x1] =	stream.strided.gather [hbm4b:s8+s1], $0x18700, s0, s1, $0x38;
	[tilespmem:$0x1E700] =	vst v63  }
0x32c: {  	_ =	swait.ge [sflag:s2], $0x18700  }
0x32d: {  	[sflag:s2] =	ssyncset.done $0x0  }
0x32e: {  	s9 =	simm.s32 $0x18780;
	[sflag:s2] =	ssyncadd.s32 $0xFFFE7900  }
0x32f: {  	v0 =	vld [tilespmem:s9+$0x70]  }
0x330: {  	v1 =	vld [tilespmem:s9+$0xFFFFFF90]  }
0x331: {  	v2 =	vld [tilespmem:s9+$0xFFFFFFA0]  }
0x332: {  	v3 =	vld [tilespmem:s9+$0xFFFFFFB0]  }
0x333: {  	v4 =	vld [tilespmem:s9+$0xFFFFFFC0]  }
0x334: {  	v5 =	vld [tilespmem:s9+$0xFFFFFFD0]  }
0x335: {  	v6 =	vld [tilespmem:s9+$0xFFFFFFE0]  }
0x336: {  	v7 =	vld [tilespmem:s9+$0xFFFFFFF0]  }
0x337: {  	v8 =	vld [tilespmem:s9+$0x0]  }
0x338: {  	v9 =	vld [tilespmem:s9+$0x10]  }
0x339: {  	v10 =	vld [tilespmem:s9+$0x20]  }
0x33a: {  	v11 =	vld [tilespmem:s9+$0x30]  }
0x33b: {  	v12 =	vld [tilespmem:s9+$0x40]  }
0x33c: {  	v13 =	vld [tilespmem:s9+$0x50]  }
0x33d: {  	v14 =	vld [tilespmem:s9+$0x60]  }
0x33e: {  	v15 =	vld [tilespmem:s9+$0xFFFFFF80]  }
0x33f: {  	v0 =	vld.idx.msk [tilespmem:v0+s3+$0x0], $0xffff  }
0x340: {  	v1 =	vld.idx.msk [tilespmem:v1+s3+$0x0], $0xffff  }
0x341: {  	v2 =	vld.idx.msk [tilespmem:v2+s3+$0x0], $0xffff  }
0x342: {  	v3 =	vld.idx.msk [tilespmem:v3+s3+$0x0], $0xffff  }
0x343: {  	v4 =	vld.idx.msk [tilespmem:v4+s3+$0x0], $0xffff  }
0x344: {  	s7 =	simm.s32 $0x1C780;
	v5 =	vld.idx.msk [tilespmem:v5+s3+$0x0], $0xffff  }
0x345: {  	v6 =	vld.idx.msk [tilespmem:v6+s3+$0x0], $0xffff;
	[tilespmem:s7+$0x70] =	vst v0  }
0x346: {  	v7 =	vld.idx.msk [tilespmem:v7+s3+$0x0], $0xffff;
	[tilespmem:s7+$0xFFFFFF90] =	vst v1  }
0x347: {  	v15 =	vld.idx.msk [tilespmem:v15+s3+$0x0], $0xffff;
	[tilespmem:s7+$0xFFFFFFA0] =	vst v2  }
0x348: {  	v8 =	vld.idx.msk [tilespmem:v8+s3+$0x0], $0xffff;
	[tilespmem:s7+$0xFFFFFFB0] =	vst v3  }
0x349: {  	[tilespmem:s7+$0xFFFFFFC0] =	vst v4;
	v0 =	vld.idx.msk [tilespmem:v9+s3+$0x0], $0xffff  }
0x34a: {  	[tilespmem:s7+$0xFFFFFFD0] =	vst v5;
	v1 =	vld.idx.msk [tilespmem:v10+s3+$0x0], $0xffff  }
0x34b: {  	[tilespmem:s7+$0xFFFFFFE0] =	vst v6;
	v2 =	vld.idx.msk [tilespmem:v11+s3+$0x0], $0xffff  }
0x34c: {  	[tilespmem:s7+$0xFFFFFFF0] =	vst v7;
	v3 =	vld.idx.msk [tilespmem:v12+s3+$0x0], $0xffff  }
0x34d: {  	[tilespmem:s7+$0xFFFFFF80] =	vst v15;
	v4 =	vld.idx.msk [tilespmem:v13+s3+$0x0], $0xffff  }
0x34e: {  	s8 =	simm.s32 $0x0;
	s9 =	simm.s32 $0x18880;
	[tilespmem:s7+$0x0] =	vst v8;
	v5 =	vld.idx.msk [tilespmem:v14+s3+$0x0], $0xffff  }
.LBB2_24:
0x34f: {  	v6 =	vld [tilespmem:s9+$0x70];
	s8 =	sadd.s32 $0x100, s8;
	[tilespmem:s7+$0x10] =	vst v0  }
0x350: {  	v0 =	vld [tilespmem:s9+$0xFFFFFF90];
	p1 =	slt.u32 s8, $0x1F00;
	[tilespmem:s7+$0x20] =	vst v1  }
0x351: {  	v1 =	vld [tilespmem:s9+$0xFFFFFFA0];
	[tilespmem:s7+$0x30] =	vst v2  }
0x352: {  	v2 =	vld [tilespmem:s9+$0xFFFFFFB0];
	[tilespmem:s7+$0x40] =	vst v3  }
0x353: {  	v3 =	vld [tilespmem:s9+$0xFFFFFFC0];
	[tilespmem:s7+$0x50] =	vst v4  }
0x354: {  	v4 =	vld [tilespmem:s9+$0xFFFFFFD0];
	[tilespmem:s7+$0x60] =	vst v5  }
0x355: {  	v5 =	vld [tilespmem:s9+$0xFFFFFFE0]  }
0x356: {  	v7 =	vld [tilespmem:s9+$0xFFFFFFF0]  }
0x357: {  	v6 =	vld.idx.msk [tilespmem:v6+s3+$0x0], $0xffff  }
0x358: {  	v8 =	vld [tilespmem:s9+$0x0]  }
0x359: {  	v9 =	vld [tilespmem:s9+$0x10]  }
0x35a: {  	v10 =	vld [tilespmem:s9+$0x20]  }
0x35b: {  	v11 =	vld [tilespmem:s9+$0x30]  }
0x35c: {  	s7 =	sadd.s32 $0x100, s7;
	v12 =	vld [tilespmem:s9+$0x40]  }
0x35d: {  	v13 =	vld [tilespmem:s9+$0x50];
	[tilespmem:s7+$0x70] =	vst v6  }
0x35e: {  	v6 =	vld [tilespmem:s9+$0x60]  }
0x35f: {  	v14 =	vld [tilespmem:s9+$0xFFFFFF80]  }
0x360: {  	v0 =	vld.idx.msk [tilespmem:v0+s3+$0x0], $0xffff  }
0x361: {  	v1 =	vld.idx.msk [tilespmem:v1+s3+$0x0], $0xffff  }
0x362: {  	v2 =	vld.idx.msk [tilespmem:v2+s3+$0x0], $0xffff  }
0x363: {  	v3 =	vld.idx.msk [tilespmem:v3+s3+$0x0], $0xffff  }
0x364: {  	v4 =	vld.idx.msk [tilespmem:v4+s3+$0x0], $0xffff  }
0x365: {  	v5 =	vld.idx.msk [tilespmem:v5+s3+$0x0], $0xffff  }
0x366: {  	[tilespmem:s7+$0xFFFFFF90] =	vst v0;
	v7 =	vld.idx.msk [tilespmem:v7+s3+$0x0], $0xffff  }
0x367: {  	v14 =	vld.idx.msk [tilespmem:v14+s3+$0x0], $0xffff;
	[tilespmem:s7+$0xFFFFFFA0] =	vst v1  }
0x368: {  	[tilespmem:s7+$0xFFFFFFB0] =	vst v2;
	v8 =	vld.idx.msk [tilespmem:v8+s3+$0x0], $0xffff  }
0x369: {  	[tilespmem:s7+$0xFFFFFFC0] =	vst v3;
	v0 =	vld.idx.msk [tilespmem:v9+s3+$0x0], $0xffff  }
.Ltmp14:
0x36a: {  	[tilespmem:s7+$0xFFFFFFD0] =	vst v4;
	v1 =	vld.idx.msk [tilespmem:v10+s3+$0x0], $0xffff;
	(pc) =	sbr.rel @p1 .LBB2_24-.Ltmp14, $4  }
0x36b: {  	[tilespmem:s7+$0xFFFFFFE0] =	vst v5;
	v2 =	vld.idx.msk [tilespmem:v11+s3+$0x0], $0xffff  }
0x36c: {  	[tilespmem:s7+$0xFFFFFFF0] =	vst v7;
	v3 =	vld.idx.msk [tilespmem:v12+s3+$0x0], $0xffff  }
0x36d: {  	[tilespmem:s7+$0xFFFFFF80] =	vst v14;
	v4 =	vld.idx.msk [tilespmem:v13+s3+$0x0], $0xffff  }
0x36e: {  	s9 =	sadd.s32 $0x100, s9;
	[tilespmem:s7+$0x0] =	vst v8;
	v5 =	vld.idx.msk [tilespmem:v6+s3+$0x0], $0xffff  }
0x36f: {  	[tilespmem:s7+$0x10] =	vst v0  }
0x370: {  	[tilespmem:s7+$0x20] =	vst v1  }
0x371: {  	[tilespmem:s7+$0x30] =	vst v2  }
0x372: {  	[tilespmem:s7+$0x40] =	vst v3  }
0x373: {  	[tilespmem:s7+$0x50] =	vst v4  }
0x374: {  	[tilespmem:s7+$0x60] =	vst v5  }
0x375: {  	[hbm4b:s16+s1] =	stream.strided.scatter [tilespmem:s4], [sflag:$0x1], $0x2000, s0, s1, $0x38;
	[tilespmem:$0x1E700] =	vst v63  }
0x376: {  	_ =	swait.ge [sflag:s2], $0x2000  }
0x377: {  	[sflag:s2] =	ssyncset.done $0x0  }
0x378: {  	s9 =	simm.s32 $0x1A7F0;
	[sflag:s2] =	ssyncadd.s32 $0xFFFFE000  }
0x379: {  	v0 =	vld [tilespmem:s9+$0x0]  }
0x37a: {  	v1 =	vld [tilespmem:s9+$0xFFFFFF20]  }
0x37b: {  	v2 =	vld [tilespmem:s9+$0xFFFFFF30]  }
0x37c: {  	v3 =	vld [tilespmem:s9+$0xFFFFFF40]  }
0x37d: {  	v4 =	vld [tilespmem:s9+$0xFFFFFF50]  }
0x37e: {  	v5 =	vld [tilespmem:s9+$0xFFFFFF60]  }
0x37f: {  	v6 =	vld [tilespmem:s9+$0xFFFFFF70]  }
0x380: {  	v7 =	vld [tilespmem:s9+$0xFFFFFF80]  }
0x381: {  	v8 =	vld [tilespmem:s9+$0xFFFFFF90]  }
0x382: {  	v9 =	vld [tilespmem:s9+$0xFFFFFFA0]  }
0x383: {  	v10 =	vld [tilespmem:s9+$0xFFFFFFB0]  }
0x384: {  	v11 =	vld [tilespmem:s9+$0xFFFFFFC0]  }
0x385: {  	v12 =	vld [tilespmem:s9+$0xFFFFFFD0]  }
0x386: {  	v13 =	vld [tilespmem:s9+$0xFFFFFFE0]  }
0x387: {  	v14 =	vld [tilespmem:s9+$0xFFFFFFF0]  }
0x388: {  	v15 =	vld [tilespmem:s9+$0xFFFFFF10]  }
0x389: {  	v0 =	vld.idx.msk [tilespmem:v0+s3+$0x0], $0xffff  }
0x38a: {  	v1 =	vld.idx.msk [tilespmem:v1+s3+$0x0], $0xffff  }
0x38b: {  	v2 =	vld.idx.msk [tilespmem:v2+s3+$0x0], $0xffff  }
0x38c: {  	v3 =	vld.idx.msk [tilespmem:v3+s3+$0x0], $0xffff  }
0x38d: {  	v4 =	vld.idx.msk [tilespmem:v4+s3+$0x0], $0xffff  }
0x38e: {  	s7 =	simm.s32 $0x1C780;
	v5 =	vld.idx.msk [tilespmem:v5+s3+$0x0], $0xffff  }
0x38f: {  	v6 =	vld.idx.msk [tilespmem:v6+s3+$0x0], $0xffff;
	[tilespmem:s7+$0x70] =	vst v0  }
0x390: {  	v7 =	vld.idx.msk [tilespmem:v7+s3+$0x0], $0xffff;
	[tilespmem:s7+$0xFFFFFF90] =	vst v1  }
0x391: {  	v15 =	vld.idx.msk [tilespmem:v15+s3+$0x0], $0xffff;
	[tilespmem:s7+$0xFFFFFFA0] =	vst v2  }
0x392: {  	v8 =	vld.idx.msk [tilespmem:v8+s3+$0x0], $0xffff;
	[tilespmem:s7+$0xFFFFFFB0] =	vst v3  }
0x393: {  	[tilespmem:s7+$0xFFFFFFC0] =	vst v4;
	v0 =	vld.idx.msk [tilespmem:v9+s3+$0x0], $0xffff  }
0x394: {  	[tilespmem:s7+$0xFFFFFFD0] =	vst v5;
	v1 =	vld.idx.msk [tilespmem:v10+s3+$0x0], $0xffff  }
0x395: {  	[tilespmem:s7+$0xFFFFFFE0] =	vst v6;
	v2 =	vld.idx.msk [tilespmem:v11+s3+$0x0], $0xffff  }
0x396: {  	[tilespmem:s7+$0xFFFFFFF0] =	vst v7;
	v3 =	vld.idx.msk [tilespmem:v12+s3+$0x0], $0xffff  }
0x397: {  	[tilespmem:s7+$0xFFFFFF80] =	vst v15;
	v4 =	vld.idx.msk [tilespmem:v13+s3+$0x0], $0xffff  }
0x398: {  	s8 =	simm.s32 $0x0;
	s9 =	simm.s32 $0x1A8F0;
	[tilespmem:s7+$0x0] =	vst v8;
	v5 =	vld.idx.msk [tilespmem:v14+s3+$0x0], $0xffff  }
.LBB2_26:
0x399: {  	v6 =	vld [tilespmem:s9+$0x0];
	s8 =	sadd.s32 $0x100, s8;
	[tilespmem:s7+$0x10] =	vst v0  }
0x39a: {  	v0 =	vld [tilespmem:s9+$0xFFFFFF20];
	p1 =	slt.u32 s8, $0x1F00;
	[tilespmem:s7+$0x20] =	vst v1  }
0x39b: {  	v1 =	vld [tilespmem:s9+$0xFFFFFF30];
	[tilespmem:s7+$0x30] =	vst v2  }
0x39c: {  	v2 =	vld [tilespmem:s9+$0xFFFFFF40];
	[tilespmem:s7+$0x40] =	vst v3  }
0x39d: {  	v3 =	vld [tilespmem:s9+$0xFFFFFF50];
	[tilespmem:s7+$0x50] =	vst v4  }
0x39e: {  	v4 =	vld [tilespmem:s9+$0xFFFFFF60];
	[tilespmem:s7+$0x60] =	vst v5  }
0x39f: {  	v5 =	vld [tilespmem:s9+$0xFFFFFF70]  }
0x3a0: {  	v7 =	vld [tilespmem:s9+$0xFFFFFF80]  }
0x3a1: {  	v6 =	vld.idx.msk [tilespmem:v6+s3+$0x0], $0xffff  }
0x3a2: {  	v8 =	vld [tilespmem:s9+$0xFFFFFF90]  }
0x3a3: {  	v9 =	vld [tilespmem:s9+$0xFFFFFFA0]  }
0x3a4: {  	v10 =	vld [tilespmem:s9+$0xFFFFFFB0]  }
0x3a5: {  	v11 =	vld [tilespmem:s9+$0xFFFFFFC0]  }
0x3a6: {  	s7 =	sadd.s32 $0x100, s7;
	v12 =	vld [tilespmem:s9+$0xFFFFFFD0]  }
0x3a7: {  	v13 =	vld [tilespmem:s9+$0xFFFFFFE0];
	[tilespmem:s7+$0x70] =	vst v6  }
0x3a8: {  	v6 =	vld [tilespmem:s9+$0xFFFFFFF0]  }
0x3a9: {  	v14 =	vld [tilespmem:s9+$0xFFFFFF10]  }
0x3aa: {  	v0 =	vld.idx.msk [tilespmem:v0+s3+$0x0], $0xffff  }
0x3ab: {  	v1 =	vld.idx.msk [tilespmem:v1+s3+$0x0], $0xffff  }
0x3ac: {  	v2 =	vld.idx.msk [tilespmem:v2+s3+$0x0], $0xffff  }
0x3ad: {  	v3 =	vld.idx.msk [tilespmem:v3+s3+$0x0], $0xffff  }
0x3ae: {  	v4 =	vld.idx.msk [tilespmem:v4+s3+$0x0], $0xffff  }
0x3af: {  	v5 =	vld.idx.msk [tilespmem:v5+s3+$0x0], $0xffff  }
0x3b0: {  	[tilespmem:s7+$0xFFFFFF90] =	vst v0;
	v7 =	vld.idx.msk [tilespmem:v7+s3+$0x0], $0xffff  }
0x3b1: {  	v14 =	vld.idx.msk [tilespmem:v14+s3+$0x0], $0xffff;
	[tilespmem:s7+$0xFFFFFFA0] =	vst v1  }
0x3b2: {  	[tilespmem:s7+$0xFFFFFFB0] =	vst v2;
	v8 =	vld.idx.msk [tilespmem:v8+s3+$0x0], $0xffff  }
0x3b3: {  	[tilespmem:s7+$0xFFFFFFC0] =	vst v3;
	v0 =	vld.idx.msk [tilespmem:v9+s3+$0x0], $0xffff  }
.Ltmp15:
0x3b4: {  	[tilespmem:s7+$0xFFFFFFD0] =	vst v4;
	v1 =	vld.idx.msk [tilespmem:v10+s3+$0x0], $0xffff;
	(pc) =	sbr.rel @p1 .LBB2_26-.Ltmp15, $4  }
0x3b5: {  	[tilespmem:s7+$0xFFFFFFE0] =	vst v5;
	v2 =	vld.idx.msk [tilespmem:v11+s3+$0x0], $0xffff  }
0x3b6: {  	[tilespmem:s7+$0xFFFFFFF0] =	vst v7;
	v3 =	vld.idx.msk [tilespmem:v12+s3+$0x0], $0xffff  }
0x3b7: {  	[tilespmem:s7+$0xFFFFFF80] =	vst v14;
	v4 =	vld.idx.msk [tilespmem:v13+s3+$0x0], $0xffff  }
0x3b8: {  	s9 =	sadd.s32 $0x100, s9;
	[tilespmem:s7+$0x0] =	vst v8;
	v5 =	vld.idx.msk [tilespmem:v6+s3+$0x0], $0xffff  }
0x3b9: {  	[tilespmem:s7+$0x10] =	vst v0  }
0x3ba: {  	[tilespmem:s7+$0x20] =	vst v1  }
0x3bb: {  	[tilespmem:s7+$0x30] =	vst v2  }
0x3bc: {  	[tilespmem:s7+$0x40] =	vst v3  }
0x3bd: {  	[tilespmem:s7+$0x50] =	vst v4  }
0x3be: {  	[tilespmem:s7+$0x60] =	vst v5  }
0x3bf: {  	[hbm4b:s23+s1] =	stream.strided.scatter [tilespmem:s4], [sflag:$0x1], $0x2000, s0, s1, $0x38;
	[tilespmem:$0x1E700] =	vst v63  }
0x3c0: {  	_ =	swait.ge [sflag:s2], $0x2000  }
0x3c1: {  	[sflag:s2] =	ssyncset.done $0x0  }
0x3c2: {  	[sflag:s2] =	ssyncadd.s32 $0xFFFFE000  }
0x3c3: {  	[tilespmem:s3], [sflag:$0x1] =	stream.strided.gather [hbm4b:s10+s1], $0x18700, s0, s1, $0x38;
	[tilespmem:$0x1E700] =	vst v63  }
0x3c4: {  	_ =	swait.ge [sflag:s2], $0x18700  }
0x3c5: {  	[sflag:s2] =	ssyncset.done $0x0  }
0x3c6: {  	s9 =	simm.s32 $0x18780;
	[sflag:s2] =	ssyncadd.s32 $0xFFFE7900  }
0x3c7: {  	v0 =	vld [tilespmem:s9+$0x70]  }
0x3c8: {  	v1 =	vld [tilespmem:s9+$0xFFFFFF90]  }
0x3c9: {  	v2 =	vld [tilespmem:s9+$0xFFFFFFA0]  }
0x3ca: {  	v3 =	vld [tilespmem:s9+$0xFFFFFFB0]  }
0x3cb: {  	v4 =	vld [tilespmem:s9+$0xFFFFFFC0]  }
0x3cc: {  	v5 =	vld [tilespmem:s9+$0xFFFFFFD0]  }
0x3cd: {  	v6 =	vld [tilespmem:s9+$0xFFFFFFE0]  }
0x3ce: {  	v7 =	vld [tilespmem:s9+$0xFFFFFFF0]  }
0x3cf: {  	v8 =	vld [tilespmem:s9+$0x0]  }
0x3d0: {  	v9 =	vld [tilespmem:s9+$0x10]  }
0x3d1: {  	v10 =	vld [tilespmem:s9+$0x20]  }
0x3d2: {  	v11 =	vld [tilespmem:s9+$0x30]  }
0x3d3: {  	v12 =	vld [tilespmem:s9+$0x40]  }
0x3d4: {  	v13 =	vld [tilespmem:s9+$0x50]  }
0x3d5: {  	v14 =	vld [tilespmem:s9+$0x60]  }
0x3d6: {  	v15 =	vld [tilespmem:s9+$0xFFFFFF80]  }
0x3d7: {  	v0 =	vld.idx.msk [tilespmem:v0+s3+$0x0], $0xffff  }
0x3d8: {  	v1 =	vld.idx.msk [tilespmem:v1+s3+$0x0], $0xffff  }
0x3d9: {  	v2 =	vld.idx.msk [tilespmem:v2+s3+$0x0], $0xffff  }
0x3da: {  	v3 =	vld.idx.msk [tilespmem:v3+s3+$0x0], $0xffff  }
0x3db: {  	v4 =	vld.idx.msk [tilespmem:v4+s3+$0x0], $0xffff  }
0x3dc: {  	s7 =	simm.s32 $0x1C780;
	v5 =	vld.idx.msk [tilespmem:v5+s3+$0x0], $0xffff  }
0x3dd: {  	v6 =	vld.idx.msk [tilespmem:v6+s3+$0x0], $0xffff;
	[tilespmem:s7+$0x70] =	vst v0  }
0x3de: {  	v7 =	vld.idx.msk [tilespmem:v7+s3+$0x0], $0xffff;
	[tilespmem:s7+$0xFFFFFF90] =	vst v1  }
0x3df: {  	v15 =	vld.idx.msk [tilespmem:v15+s3+$0x0], $0xffff;
	[tilespmem:s7+$0xFFFFFFA0] =	vst v2  }
0x3e0: {  	v8 =	vld.idx.msk [tilespmem:v8+s3+$0x0], $0xffff;
	[tilespmem:s7+$0xFFFFFFB0] =	vst v3  }
0x3e1: {  	[tilespmem:s7+$0xFFFFFFC0] =	vst v4;
	v0 =	vld.idx.msk [tilespmem:v9+s3+$0x0], $0xffff  }
0x3e2: {  	[tilespmem:s7+$0xFFFFFFD0] =	vst v5;
	v1 =	vld.idx.msk [tilespmem:v10+s3+$0x0], $0xffff  }
0x3e3: {  	[tilespmem:s7+$0xFFFFFFE0] =	vst v6;
	v2 =	vld.idx.msk [tilespmem:v11+s3+$0x0], $0xffff  }
0x3e4: {  	[tilespmem:s7+$0xFFFFFFF0] =	vst v7;
	v3 =	vld.idx.msk [tilespmem:v12+s3+$0x0], $0xffff  }
0x3e5: {  	[tilespmem:s7+$0xFFFFFF80] =	vst v15;
	v4 =	vld.idx.msk [tilespmem:v13+s3+$0x0], $0xffff  }
0x3e6: {  	s8 =	simm.s32 $0x0;
	s9 =	simm.s32 $0x18880;
	[tilespmem:s7+$0x0] =	vst v8;
	v5 =	vld.idx.msk [tilespmem:v14+s3+$0x0], $0xffff  }
.LBB2_28:
0x3e7: {  	v6 =	vld [tilespmem:s9+$0x70];
	s8 =	sadd.s32 $0x100, s8;
	[tilespmem:s7+$0x10] =	vst v0  }
0x3e8: {  	v0 =	vld [tilespmem:s9+$0xFFFFFF90];
	p1 =	slt.u32 s8, $0x1F00;
	[tilespmem:s7+$0x20] =	vst v1  }
0x3e9: {  	v1 =	vld [tilespmem:s9+$0xFFFFFFA0];
	[tilespmem:s7+$0x30] =	vst v2  }
0x3ea: {  	v2 =	vld [tilespmem:s9+$0xFFFFFFB0];
	[tilespmem:s7+$0x40] =	vst v3  }
0x3eb: {  	v3 =	vld [tilespmem:s9+$0xFFFFFFC0];
	[tilespmem:s7+$0x50] =	vst v4  }
0x3ec: {  	v4 =	vld [tilespmem:s9+$0xFFFFFFD0];
	[tilespmem:s7+$0x60] =	vst v5  }
0x3ed: {  	v5 =	vld [tilespmem:s9+$0xFFFFFFE0]  }
0x3ee: {  	v7 =	vld [tilespmem:s9+$0xFFFFFFF0]  }
0x3ef: {  	v6 =	vld.idx.msk [tilespmem:v6+s3+$0x0], $0xffff  }
0x3f0: {  	v8 =	vld [tilespmem:s9+$0x0]  }
0x3f1: {  	v9 =	vld [tilespmem:s9+$0x10]  }
0x3f2: {  	v10 =	vld [tilespmem:s9+$0x20]  }
0x3f3: {  	v11 =	vld [tilespmem:s9+$0x30]  }
0x3f4: {  	s7 =	sadd.s32 $0x100, s7;
	v12 =	vld [tilespmem:s9+$0x40]  }
0x3f5: {  	v13 =	vld [tilespmem:s9+$0x50];
	[tilespmem:s7+$0x70] =	vst v6  }
0x3f6: {  	v6 =	vld [tilespmem:s9+$0x60]  }
0x3f7: {  	v14 =	vld [tilespmem:s9+$0xFFFFFF80]  }
0x3f8: {  	v0 =	vld.idx.msk [tilespmem:v0+s3+$0x0], $0xffff  }
0x3f9: {  	v1 =	vld.idx.msk [tilespmem:v1+s3+$0x0], $0xffff  }
0x3fa: {  	v2 =	vld.idx.msk [tilespmem:v2+s3+$0x0], $0xffff  }
0x3fb: {  	v3 =	vld.idx.msk [tilespmem:v3+s3+$0x0], $0xffff  }
0x3fc: {  	v4 =	vld.idx.msk [tilespmem:v4+s3+$0x0], $0xffff  }
0x3fd: {  	v5 =	vld.idx.msk [tilespmem:v5+s3+$0x0], $0xffff  }
0x3fe: {  	[tilespmem:s7+$0xFFFFFF90] =	vst v0;
	v7 =	vld.idx.msk [tilespmem:v7+s3+$0x0], $0xffff  }
0x3ff: {  	v14 =	vld.idx.msk [tilespmem:v14+s3+$0x0], $0xffff;
	[tilespmem:s7+$0xFFFFFFA0] =	vst v1  }
0x400: {  	[tilespmem:s7+$0xFFFFFFB0] =	vst v2;
	v8 =	vld.idx.msk [tilespmem:v8+s3+$0x0], $0xffff  }
0x401: {  	[tilespmem:s7+$0xFFFFFFC0] =	vst v3;
	v0 =	vld.idx.msk [tilespmem:v9+s3+$0x0], $0xffff  }
.Ltmp16:
0x402: {  	[tilespmem:s7+$0xFFFFFFD0] =	vst v4;
	v1 =	vld.idx.msk [tilespmem:v10+s3+$0x0], $0xffff;
	(pc) =	sbr.rel @p1 .LBB2_28-.Ltmp16, $4  }
0x403: {  	[tilespmem:s7+$0xFFFFFFE0] =	vst v5;
	v2 =	vld.idx.msk [tilespmem:v11+s3+$0x0], $0xffff  }
0x404: {  	[tilespmem:s7+$0xFFFFFFF0] =	vst v7;
	v3 =	vld.idx.msk [tilespmem:v12+s3+$0x0], $0xffff  }
0x405: {  	[tilespmem:s7+$0xFFFFFF80] =	vst v14;
	v4 =	vld.idx.msk [tilespmem:v13+s3+$0x0], $0xffff  }
0x406: {  	s9 =	sadd.s32 $0x100, s9;
	[tilespmem:s7+$0x0] =	vst v8;
	v5 =	vld.idx.msk [tilespmem:v6+s3+$0x0], $0xffff  }
0x407: {  	[tilespmem:s7+$0x10] =	vst v0  }
0x408: {  	[tilespmem:s7+$0x20] =	vst v1  }
0x409: {  	[tilespmem:s7+$0x30] =	vst v2  }
0x40a: {  	[tilespmem:s7+$0x40] =	vst v3  }
0x40b: {  	[tilespmem:s7+$0x50] =	vst v4  }
0x40c: {  	[tilespmem:s7+$0x60] =	vst v5  }
0x40d: {  	[hbm4b:s17+s1] =	stream.strided.scatter [tilespmem:s4], [sflag:$0x1], $0x2000, s0, s1, $0x38;
	[tilespmem:$0x1E700] =	vst v63  }
0x40e: {  	_ =	swait.ge [sflag:s2], $0x2000  }
0x40f: {  	[sflag:s2] =	ssyncset.done $0x0  }
0x410: {  	s9 =	simm.s32 $0x1A7F0;
	[sflag:s2] =	ssyncadd.s32 $0xFFFFE000  }
0x411: {  	v0 =	vld [tilespmem:s9+$0x0]  }
0x412: {  	v1 =	vld [tilespmem:s9+$0xFFFFFF20]  }
0x413: {  	v2 =	vld [tilespmem:s9+$0xFFFFFF30]  }
0x414: {  	v3 =	vld [tilespmem:s9+$0xFFFFFF40]  }
0x415: {  	v4 =	vld [tilespmem:s9+$0xFFFFFF50]  }
0x416: {  	v5 =	vld [tilespmem:s9+$0xFFFFFF60]  }
0x417: {  	v6 =	vld [tilespmem:s9+$0xFFFFFF70]  }
0x418: {  	v7 =	vld [tilespmem:s9+$0xFFFFFF80]  }
0x419: {  	v8 =	vld [tilespmem:s9+$0xFFFFFF90]  }
0x41a: {  	v9 =	vld [tilespmem:s9+$0xFFFFFFA0]  }
0x41b: {  	v10 =	vld [tilespmem:s9+$0xFFFFFFB0]  }
0x41c: {  	v11 =	vld [tilespmem:s9+$0xFFFFFFC0]  }
0x41d: {  	v12 =	vld [tilespmem:s9+$0xFFFFFFD0]  }
0x41e: {  	v13 =	vld [tilespmem:s9+$0xFFFFFFE0]  }
0x41f: {  	v14 =	vld [tilespmem:s9+$0xFFFFFFF0]  }
0x420: {  	v15 =	vld [tilespmem:s9+$0xFFFFFF10]  }
0x421: {  	v0 =	vld.idx.msk [tilespmem:v0+s3+$0x0], $0xffff  }
0x422: {  	v1 =	vld.idx.msk [tilespmem:v1+s3+$0x0], $0xffff  }
0x423: {  	v2 =	vld.idx.msk [tilespmem:v2+s3+$0x0], $0xffff  }
0x424: {  	v3 =	vld.idx.msk [tilespmem:v3+s3+$0x0], $0xffff  }
0x425: {  	v4 =	vld.idx.msk [tilespmem:v4+s3+$0x0], $0xffff  }
0x426: {  	s7 =	simm.s32 $0x1C780;
	v5 =	vld.idx.msk [tilespmem:v5+s3+$0x0], $0xffff  }
0x427: {  	v6 =	vld.idx.msk [tilespmem:v6+s3+$0x0], $0xffff;
	[tilespmem:s7+$0x70] =	vst v0  }
0x428: {  	v7 =	vld.idx.msk [tilespmem:v7+s3+$0x0], $0xffff;
	[tilespmem:s7+$0xFFFFFF90] =	vst v1  }
0x429: {  	v15 =	vld.idx.msk [tilespmem:v15+s3+$0x0], $0xffff;
	[tilespmem:s7+$0xFFFFFFA0] =	vst v2  }
0x42a: {  	v8 =	vld.idx.msk [tilespmem:v8+s3+$0x0], $0xffff;
	[tilespmem:s7+$0xFFFFFFB0] =	vst v3  }
0x42b: {  	[tilespmem:s7+$0xFFFFFFC0] =	vst v4;
	v0 =	vld.idx.msk [tilespmem:v9+s3+$0x0], $0xffff  }
0x42c: {  	[tilespmem:s7+$0xFFFFFFD0] =	vst v5;
	v1 =	vld.idx.msk [tilespmem:v10+s3+$0x0], $0xffff  }
0x42d: {  	[tilespmem:s7+$0xFFFFFFE0] =	vst v6;
	v2 =	vld.idx.msk [tilespmem:v11+s3+$0x0], $0xffff  }
0x42e: {  	[tilespmem:s7+$0xFFFFFFF0] =	vst v7;
	v3 =	vld.idx.msk [tilespmem:v12+s3+$0x0], $0xffff  }
0x42f: {  	[tilespmem:s7+$0xFFFFFF80] =	vst v15;
	v4 =	vld.idx.msk [tilespmem:v13+s3+$0x0], $0xffff  }
0x430: {  	s8 =	simm.s32 $0x0;
	s9 =	simm.s32 $0x1A8F0;
	[tilespmem:s7+$0x0] =	vst v8;
	v5 =	vld.idx.msk [tilespmem:v14+s3+$0x0], $0xffff  }
.LBB2_30:
0x431: {  	v6 =	vld [tilespmem:s9+$0x0];
	s8 =	sadd.s32 $0x100, s8;
	[tilespmem:s7+$0x10] =	vst v0  }
0x432: {  	v0 =	vld [tilespmem:s9+$0xFFFFFF20];
	p1 =	slt.u32 s8, $0x1F00;
	[tilespmem:s7+$0x20] =	vst v1  }
0x433: {  	v1 =	vld [tilespmem:s9+$0xFFFFFF30];
	[tilespmem:s7+$0x30] =	vst v2  }
0x434: {  	v2 =	vld [tilespmem:s9+$0xFFFFFF40];
	[tilespmem:s7+$0x40] =	vst v3  }
0x435: {  	v3 =	vld [tilespmem:s9+$0xFFFFFF50];
	[tilespmem:s7+$0x50] =	vst v4  }
0x436: {  	v4 =	vld [tilespmem:s9+$0xFFFFFF60];
	[tilespmem:s7+$0x60] =	vst v5  }
0x437: {  	v5 =	vld [tilespmem:s9+$0xFFFFFF70]  }
0x438: {  	v7 =	vld [tilespmem:s9+$0xFFFFFF80]  }
0x439: {  	v6 =	vld.idx.msk [tilespmem:v6+s3+$0x0], $0xffff  }
0x43a: {  	v8 =	vld [tilespmem:s9+$0xFFFFFF90]  }
0x43b: {  	v9 =	vld [tilespmem:s9+$0xFFFFFFA0]  }
0x43c: {  	v10 =	vld [tilespmem:s9+$0xFFFFFFB0]  }
0x43d: {  	v11 =	vld [tilespmem:s9+$0xFFFFFFC0]  }
0x43e: {  	s7 =	sadd.s32 $0x100, s7;
	v12 =	vld [tilespmem:s9+$0xFFFFFFD0]  }
0x43f: {  	v13 =	vld [tilespmem:s9+$0xFFFFFFE0];
	[tilespmem:s7+$0x70] =	vst v6  }
0x440: {  	v6 =	vld [tilespmem:s9+$0xFFFFFFF0]  }
0x441: {  	v14 =	vld [tilespmem:s9+$0xFFFFFF10]  }
0x442: {  	v0 =	vld.idx.msk [tilespmem:v0+s3+$0x0], $0xffff  }
0x443: {  	v1 =	vld.idx.msk [tilespmem:v1+s3+$0x0], $0xffff  }
0x444: {  	v2 =	vld.idx.msk [tilespmem:v2+s3+$0x0], $0xffff  }
0x445: {  	v3 =	vld.idx.msk [tilespmem:v3+s3+$0x0], $0xffff  }
0x446: {  	v4 =	vld.idx.msk [tilespmem:v4+s3+$0x0], $0xffff  }
0x447: {  	v5 =	vld.idx.msk [tilespmem:v5+s3+$0x0], $0xffff  }
0x448: {  	[tilespmem:s7+$0xFFFFFF90] =	vst v0;
	v7 =	vld.idx.msk [tilespmem:v7+s3+$0x0], $0xffff  }
0x449: {  	v14 =	vld.idx.msk [tilespmem:v14+s3+$0x0], $0xffff;
	[tilespmem:s7+$0xFFFFFFA0] =	vst v1  }
0x44a: {  	[tilespmem:s7+$0xFFFFFFB0] =	vst v2;
	v8 =	vld.idx.msk [tilespmem:v8+s3+$0x0], $0xffff  }
0x44b: {  	[tilespmem:s7+$0xFFFFFFC0] =	vst v3;
	v0 =	vld.idx.msk [tilespmem:v9+s3+$0x0], $0xffff  }
.Ltmp17:
0x44c: {  	[tilespmem:s7+$0xFFFFFFD0] =	vst v4;
	v1 =	vld.idx.msk [tilespmem:v10+s3+$0x0], $0xffff;
	(pc) =	sbr.rel @p1 .LBB2_30-.Ltmp17, $4  }
0x44d: {  	[tilespmem:s7+$0xFFFFFFE0] =	vst v5;
	v2 =	vld.idx.msk [tilespmem:v11+s3+$0x0], $0xffff  }
0x44e: {  	[tilespmem:s7+$0xFFFFFFF0] =	vst v7;
	v3 =	vld.idx.msk [tilespmem:v12+s3+$0x0], $0xffff  }
0x44f: {  	[tilespmem:s7+$0xFFFFFF80] =	vst v14;
	v4 =	vld.idx.msk [tilespmem:v13+s3+$0x0], $0xffff  }
0x450: {  	s9 =	sadd.s32 $0x100, s9;
	[tilespmem:s7+$0x0] =	vst v8;
	v5 =	vld.idx.msk [tilespmem:v6+s3+$0x0], $0xffff  }
0x451: {  	[tilespmem:s7+$0x10] =	vst v0  }
0x452: {  	[tilespmem:s7+$0x20] =	vst v1  }
0x453: {  	[tilespmem:s7+$0x30] =	vst v2  }
0x454: {  	[tilespmem:s7+$0x40] =	vst v3  }
0x455: {  	[tilespmem:s7+$0x50] =	vst v4  }
0x456: {  	[tilespmem:s7+$0x60] =	vst v5  }
0x457: {  	[hbm4b:s26+s1] =	stream.strided.scatter [tilespmem:s4], [sflag:$0x1], $0x2000, s0, s1, $0x38;
	[tilespmem:$0x1E700] =	vst v63  }
0x458: {  	_ =	swait.ge [sflag:s2], $0x2000  }
0x459: {  	[sflag:s2] =	ssyncset.done $0x0  }
0x45a: {  	[sflag:s2] =	ssyncadd.s32 $0xFFFFE000  }
0x45b: {  	[tilespmem:s3], [sflag:$0x1] =	stream.strided.gather [hbm4b:s11+s1], $0x18700, s0, s1, $0x38;
	[tilespmem:$0x1E700] =	vst v63  }
0x45c: {  	_ =	swait.ge [sflag:s2], $0x18700  }
0x45d: {  	[sflag:s2] =	ssyncset.done $0x0  }
0x45e: {  	s9 =	simm.s32 $0x18780;
	[sflag:s2] =	ssyncadd.s32 $0xFFFE7900  }
0x45f: {  	v0 =	vld [tilespmem:s9+$0x70]  }
0x460: {  	v1 =	vld [tilespmem:s9+$0xFFFFFF90]  }
0x461: {  	v2 =	vld [tilespmem:s9+$0xFFFFFFA0]  }
0x462: {  	v3 =	vld [tilespmem:s9+$0xFFFFFFB0]  }
0x463: {  	v4 =	vld [tilespmem:s9+$0xFFFFFFC0]  }
0x464: {  	v5 =	vld [tilespmem:s9+$0xFFFFFFD0]  }
0x465: {  	v6 =	vld [tilespmem:s9+$0xFFFFFFE0]  }
0x466: {  	v7 =	vld [tilespmem:s9+$0xFFFFFFF0]  }
0x467: {  	v8 =	vld [tilespmem:s9+$0x0]  }
0x468: {  	v9 =	vld [tilespmem:s9+$0x10]  }
0x469: {  	v10 =	vld [tilespmem:s9+$0x20]  }
0x46a: {  	v11 =	vld [tilespmem:s9+$0x30]  }
0x46b: {  	v12 =	vld [tilespmem:s9+$0x40]  }
0x46c: {  	v13 =	vld [tilespmem:s9+$0x50]  }
0x46d: {  	v14 =	vld [tilespmem:s9+$0x60]  }
0x46e: {  	v15 =	vld [tilespmem:s9+$0xFFFFFF80]  }
0x46f: {  	v0 =	vld.idx.msk [tilespmem:v0+s3+$0x0], $0xffff  }
0x470: {  	v1 =	vld.idx.msk [tilespmem:v1+s3+$0x0], $0xffff  }
0x471: {  	v2 =	vld.idx.msk [tilespmem:v2+s3+$0x0], $0xffff  }
0x472: {  	v3 =	vld.idx.msk [tilespmem:v3+s3+$0x0], $0xffff  }
0x473: {  	v4 =	vld.idx.msk [tilespmem:v4+s3+$0x0], $0xffff  }
0x474: {  	s7 =	simm.s32 $0x1C780;
	v5 =	vld.idx.msk [tilespmem:v5+s3+$0x0], $0xffff  }
0x475: {  	v6 =	vld.idx.msk [tilespmem:v6+s3+$0x0], $0xffff;
	[tilespmem:s7+$0x70] =	vst v0  }
0x476: {  	v7 =	vld.idx.msk [tilespmem:v7+s3+$0x0], $0xffff;
	[tilespmem:s7+$0xFFFFFF90] =	vst v1  }
0x477: {  	v15 =	vld.idx.msk [tilespmem:v15+s3+$0x0], $0xffff;
	[tilespmem:s7+$0xFFFFFFA0] =	vst v2  }
0x478: {  	v8 =	vld.idx.msk [tilespmem:v8+s3+$0x0], $0xffff;
	[tilespmem:s7+$0xFFFFFFB0] =	vst v3  }
0x479: {  	[tilespmem:s7+$0xFFFFFFC0] =	vst v4;
	v0 =	vld.idx.msk [tilespmem:v9+s3+$0x0], $0xffff  }
0x47a: {  	[tilespmem:s7+$0xFFFFFFD0] =	vst v5;
	v1 =	vld.idx.msk [tilespmem:v10+s3+$0x0], $0xffff  }
0x47b: {  	[tilespmem:s7+$0xFFFFFFE0] =	vst v6;
	v2 =	vld.idx.msk [tilespmem:v11+s3+$0x0], $0xffff  }
0x47c: {  	[tilespmem:s7+$0xFFFFFFF0] =	vst v7;
	v3 =	vld.idx.msk [tilespmem:v12+s3+$0x0], $0xffff  }
0x47d: {  	[tilespmem:s7+$0xFFFFFF80] =	vst v15;
	v4 =	vld.idx.msk [tilespmem:v13+s3+$0x0], $0xffff  }
0x47e: {  	s8 =	simm.s32 $0x0;
	s9 =	simm.s32 $0x18880;
	[tilespmem:s7+$0x0] =	vst v8;
	v5 =	vld.idx.msk [tilespmem:v14+s3+$0x0], $0xffff  }
.LBB2_32:
0x47f: {  	v6 =	vld [tilespmem:s9+$0x70];
	s8 =	sadd.s32 $0x100, s8;
	[tilespmem:s7+$0x10] =	vst v0  }
0x480: {  	v0 =	vld [tilespmem:s9+$0xFFFFFF90];
	p1 =	slt.u32 s8, $0x1F00;
	[tilespmem:s7+$0x20] =	vst v1  }
0x481: {  	v1 =	vld [tilespmem:s9+$0xFFFFFFA0];
	[tilespmem:s7+$0x30] =	vst v2  }
0x482: {  	v2 =	vld [tilespmem:s9+$0xFFFFFFB0];
	[tilespmem:s7+$0x40] =	vst v3  }
0x483: {  	v3 =	vld [tilespmem:s9+$0xFFFFFFC0];
	[tilespmem:s7+$0x50] =	vst v4  }
0x484: {  	v4 =	vld [tilespmem:s9+$0xFFFFFFD0];
	[tilespmem:s7+$0x60] =	vst v5  }
0x485: {  	v5 =	vld [tilespmem:s9+$0xFFFFFFE0]  }
0x486: {  	v7 =	vld [tilespmem:s9+$0xFFFFFFF0]  }
0x487: {  	v6 =	vld.idx.msk [tilespmem:v6+s3+$0x0], $0xffff  }
0x488: {  	v8 =	vld [tilespmem:s9+$0x0]  }
0x489: {  	v9 =	vld [tilespmem:s9+$0x10]  }
0x48a: {  	v10 =	vld [tilespmem:s9+$0x20]  }
0x48b: {  	v11 =	vld [tilespmem:s9+$0x30]  }
0x48c: {  	s7 =	sadd.s32 $0x100, s7;
	v12 =	vld [tilespmem:s9+$0x40]  }
0x48d: {  	v13 =	vld [tilespmem:s9+$0x50];
	[tilespmem:s7+$0x70] =	vst v6  }
0x48e: {  	v6 =	vld [tilespmem:s9+$0x60]  }
0x48f: {  	v14 =	vld [tilespmem:s9+$0xFFFFFF80]  }
0x490: {  	v0 =	vld.idx.msk [tilespmem:v0+s3+$0x0], $0xffff  }
0x491: {  	v1 =	vld.idx.msk [tilespmem:v1+s3+$0x0], $0xffff  }
0x492: {  	v2 =	vld.idx.msk [tilespmem:v2+s3+$0x0], $0xffff  }
0x493: {  	v3 =	vld.idx.msk [tilespmem:v3+s3+$0x0], $0xffff  }
0x494: {  	v4 =	vld.idx.msk [tilespmem:v4+s3+$0x0], $0xffff  }
0x495: {  	v5 =	vld.idx.msk [tilespmem:v5+s3+$0x0], $0xffff  }
0x496: {  	[tilespmem:s7+$0xFFFFFF90] =	vst v0;
	v7 =	vld.idx.msk [tilespmem:v7+s3+$0x0], $0xffff  }
0x497: {  	v14 =	vld.idx.msk [tilespmem:v14+s3+$0x0], $0xffff;
	[tilespmem:s7+$0xFFFFFFA0] =	vst v1  }
0x498: {  	[tilespmem:s7+$0xFFFFFFB0] =	vst v2;
	v8 =	vld.idx.msk [tilespmem:v8+s3+$0x0], $0xffff  }
0x499: {  	[tilespmem:s7+$0xFFFFFFC0] =	vst v3;
	v0 =	vld.idx.msk [tilespmem:v9+s3+$0x0], $0xffff  }
.Ltmp18:
0x49a: {  	[tilespmem:s7+$0xFFFFFFD0] =	vst v4;
	v1 =	vld.idx.msk [tilespmem:v10+s3+$0x0], $0xffff;
	(pc) =	sbr.rel @p1 .LBB2_32-.Ltmp18, $4  }
0x49b: {  	[tilespmem:s7+$0xFFFFFFE0] =	vst v5;
	v2 =	vld.idx.msk [tilespmem:v11+s3+$0x0], $0xffff  }
0x49c: {  	[tilespmem:s7+$0xFFFFFFF0] =	vst v7;
	v3 =	vld.idx.msk [tilespmem:v12+s3+$0x0], $0xffff  }
0x49d: {  	[tilespmem:s7+$0xFFFFFF80] =	vst v14;
	v4 =	vld.idx.msk [tilespmem:v13+s3+$0x0], $0xffff  }
0x49e: {  	s9 =	sadd.s32 $0x100, s9;
	[tilespmem:s7+$0x0] =	vst v8;
	v5 =	vld.idx.msk [tilespmem:v6+s3+$0x0], $0xffff  }
0x49f: {  	[tilespmem:s7+$0x10] =	vst v0  }
0x4a0: {  	[tilespmem:s7+$0x20] =	vst v1  }
0x4a1: {  	[tilespmem:s7+$0x30] =	vst v2  }
0x4a2: {  	[tilespmem:s7+$0x40] =	vst v3  }
0x4a3: {  	[tilespmem:s7+$0x50] =	vst v4  }
0x4a4: {  	[tilespmem:s7+$0x60] =	vst v5  }
0x4a5: {  	[hbm4b:s19+s1] =	stream.strided.scatter [tilespmem:s4], [sflag:$0x1], $0x2000, s0, s1, $0x38;
	[tilespmem:$0x1E700] =	vst v63  }
0x4a6: {  	_ =	swait.ge [sflag:s2], $0x2000  }
0x4a7: {  	[sflag:s2] =	ssyncset.done $0x0  }
0x4a8: {  	s9 =	simm.s32 $0x1A7F0;
	[sflag:s2] =	ssyncadd.s32 $0xFFFFE000  }
0x4a9: {  	v0 =	vld [tilespmem:s9+$0x0]  }
0x4aa: {  	v1 =	vld [tilespmem:s9+$0xFFFFFF20]  }
0x4ab: {  	v2 =	vld [tilespmem:s9+$0xFFFFFF30]  }
0x4ac: {  	v3 =	vld [tilespmem:s9+$0xFFFFFF40]  }
0x4ad: {  	v4 =	vld [tilespmem:s9+$0xFFFFFF50]  }
0x4ae: {  	v5 =	vld [tilespmem:s9+$0xFFFFFF60]  }
0x4af: {  	v6 =	vld [tilespmem:s9+$0xFFFFFF70]  }
0x4b0: {  	v7 =	vld [tilespmem:s9+$0xFFFFFF80]  }
0x4b1: {  	v8 =	vld [tilespmem:s9+$0xFFFFFF90]  }
0x4b2: {  	v9 =	vld [tilespmem:s9+$0xFFFFFFA0]  }
0x4b3: {  	v10 =	vld [tilespmem:s9+$0xFFFFFFB0]  }
0x4b4: {  	v11 =	vld [tilespmem:s9+$0xFFFFFFC0]  }
0x4b5: {  	v12 =	vld [tilespmem:s9+$0xFFFFFFD0]  }
0x4b6: {  	v13 =	vld [tilespmem:s9+$0xFFFFFFE0]  }
0x4b7: {  	v14 =	vld [tilespmem:s9+$0xFFFFFFF0]  }
0x4b8: {  	v15 =	vld [tilespmem:s9+$0xFFFFFF10]  }
0x4b9: {  	v0 =	vld.idx.msk [tilespmem:v0+s3+$0x0], $0xffff  }
0x4ba: {  	v1 =	vld.idx.msk [tilespmem:v1+s3+$0x0], $0xffff  }
0x4bb: {  	v2 =	vld.idx.msk [tilespmem:v2+s3+$0x0], $0xffff  }
0x4bc: {  	v3 =	vld.idx.msk [tilespmem:v3+s3+$0x0], $0xffff  }
0x4bd: {  	v4 =	vld.idx.msk [tilespmem:v4+s3+$0x0], $0xffff  }
0x4be: {  	s7 =	simm.s32 $0x1C780;
	v5 =	vld.idx.msk [tilespmem:v5+s3+$0x0], $0xffff  }
0x4bf: {  	v6 =	vld.idx.msk [tilespmem:v6+s3+$0x0], $0xffff;
	[tilespmem:s7+$0x70] =	vst v0  }
0x4c0: {  	v7 =	vld.idx.msk [tilespmem:v7+s3+$0x0], $0xffff;
	[tilespmem:s7+$0xFFFFFF90] =	vst v1  }
0x4c1: {  	v15 =	vld.idx.msk [tilespmem:v15+s3+$0x0], $0xffff;
	[tilespmem:s7+$0xFFFFFFA0] =	vst v2  }
0x4c2: {  	v8 =	vld.idx.msk [tilespmem:v8+s3+$0x0], $0xffff;
	[tilespmem:s7+$0xFFFFFFB0] =	vst v3  }
0x4c3: {  	[tilespmem:s7+$0xFFFFFFC0] =	vst v4;
	v0 =	vld.idx.msk [tilespmem:v9+s3+$0x0], $0xffff  }
0x4c4: {  	[tilespmem:s7+$0xFFFFFFD0] =	vst v5;
	v1 =	vld.idx.msk [tilespmem:v10+s3+$0x0], $0xffff  }
0x4c5: {  	[tilespmem:s7+$0xFFFFFFE0] =	vst v6;
	v2 =	vld.idx.msk [tilespmem:v11+s3+$0x0], $0xffff  }
0x4c6: {  	[tilespmem:s7+$0xFFFFFFF0] =	vst v7;
	v3 =	vld.idx.msk [tilespmem:v12+s3+$0x0], $0xffff  }
0x4c7: {  	[tilespmem:s7+$0xFFFFFF80] =	vst v15;
	v4 =	vld.idx.msk [tilespmem:v13+s3+$0x0], $0xffff  }
0x4c8: {  	s8 =	simm.s32 $0x0;
	s9 =	simm.s32 $0x1A8F0;
	[tilespmem:s7+$0x0] =	vst v8;
	v5 =	vld.idx.msk [tilespmem:v14+s3+$0x0], $0xffff  }
.LBB2_34:
0x4c9: {  	v6 =	vld [tilespmem:s9+$0x0];
	s8 =	sadd.s32 $0x100, s8;
	[tilespmem:s7+$0x10] =	vst v0  }
0x4ca: {  	v0 =	vld [tilespmem:s9+$0xFFFFFF20];
	p1 =	slt.u32 s8, $0x1F00;
	[tilespmem:s7+$0x20] =	vst v1  }
0x4cb: {  	v1 =	vld [tilespmem:s9+$0xFFFFFF30];
	[tilespmem:s7+$0x30] =	vst v2  }
0x4cc: {  	v2 =	vld [tilespmem:s9+$0xFFFFFF40];
	[tilespmem:s7+$0x40] =	vst v3  }
0x4cd: {  	v3 =	vld [tilespmem:s9+$0xFFFFFF50];
	[tilespmem:s7+$0x50] =	vst v4  }
0x4ce: {  	v4 =	vld [tilespmem:s9+$0xFFFFFF60];
	[tilespmem:s7+$0x60] =	vst v5  }
0x4cf: {  	v5 =	vld [tilespmem:s9+$0xFFFFFF70]  }
0x4d0: {  	v7 =	vld [tilespmem:s9+$0xFFFFFF80]  }
0x4d1: {  	v6 =	vld.idx.msk [tilespmem:v6+s3+$0x0], $0xffff  }
0x4d2: {  	v8 =	vld [tilespmem:s9+$0xFFFFFF90]  }
0x4d3: {  	v9 =	vld [tilespmem:s9+$0xFFFFFFA0]  }
0x4d4: {  	v10 =	vld [tilespmem:s9+$0xFFFFFFB0]  }
0x4d5: {  	v11 =	vld [tilespmem:s9+$0xFFFFFFC0]  }
0x4d6: {  	s7 =	sadd.s32 $0x100, s7;
	v12 =	vld [tilespmem:s9+$0xFFFFFFD0]  }
0x4d7: {  	v13 =	vld [tilespmem:s9+$0xFFFFFFE0];
	[tilespmem:s7+$0x70] =	vst v6  }
0x4d8: {  	v6 =	vld [tilespmem:s9+$0xFFFFFFF0]  }
0x4d9: {  	v14 =	vld [tilespmem:s9+$0xFFFFFF10]  }
0x4da: {  	v0 =	vld.idx.msk [tilespmem:v0+s3+$0x0], $0xffff  }
0x4db: {  	v1 =	vld.idx.msk [tilespmem:v1+s3+$0x0], $0xffff  }
0x4dc: {  	v2 =	vld.idx.msk [tilespmem:v2+s3+$0x0], $0xffff  }
0x4dd: {  	v3 =	vld.idx.msk [tilespmem:v3+s3+$0x0], $0xffff  }
0x4de: {  	v4 =	vld.idx.msk [tilespmem:v4+s3+$0x0], $0xffff  }
0x4df: {  	v5 =	vld.idx.msk [tilespmem:v5+s3+$0x0], $0xffff  }
0x4e0: {  	[tilespmem:s7+$0xFFFFFF90] =	vst v0;
	v7 =	vld.idx.msk [tilespmem:v7+s3+$0x0], $0xffff  }
0x4e1: {  	v14 =	vld.idx.msk [tilespmem:v14+s3+$0x0], $0xffff;
	[tilespmem:s7+$0xFFFFFFA0] =	vst v1  }
0x4e2: {  	[tilespmem:s7+$0xFFFFFFB0] =	vst v2;
	v8 =	vld.idx.msk [tilespmem:v8+s3+$0x0], $0xffff  }
0x4e3: {  	[tilespmem:s7+$0xFFFFFFC0] =	vst v3;
	v0 =	vld.idx.msk [tilespmem:v9+s3+$0x0], $0xffff  }
.Ltmp19:
0x4e4: {  	[tilespmem:s7+$0xFFFFFFD0] =	vst v4;
	v1 =	vld.idx.msk [tilespmem:v10+s3+$0x0], $0xffff;
	(pc) =	sbr.rel @p1 .LBB2_34-.Ltmp19, $4  }
0x4e5: {  	[tilespmem:s7+$0xFFFFFFE0] =	vst v5;
	v2 =	vld.idx.msk [tilespmem:v11+s3+$0x0], $0xffff  }
0x4e6: {  	[tilespmem:s7+$0xFFFFFFF0] =	vst v7;
	v3 =	vld.idx.msk [tilespmem:v12+s3+$0x0], $0xffff  }
0x4e7: {  	[tilespmem:s7+$0xFFFFFF80] =	vst v14;
	v4 =	vld.idx.msk [tilespmem:v13+s3+$0x0], $0xffff  }
0x4e8: {  	s9 =	sadd.s32 $0x100, s9;
	[tilespmem:s7+$0x0] =	vst v8;
	v5 =	vld.idx.msk [tilespmem:v6+s3+$0x0], $0xffff  }
.Ltmp20:
0x4e9: {  	_ = 	snop;
	(pc) =	sbr.rel .LBB2_35-.Ltmp20, $1  }
0x4ea: {  	_ =	sdelay $0x3  }
.LBB2_37:
0x4eb: {  	_ =	sfence.sel $0x180000  }
0x4ec: {  	[bflag:$0x0] =	sbarrier.arrive $0xFFFF  }
0x4ed: {  	_ =	strace $0x90000047  }
0x4ee: {  	s0 =	stileid.u32;
	[bflag:$0x2] =	sbarrier.arrive $0xFFFF  }
0x4ef: {  	p0 =	sne.s32 s0, $0x0;
	s0 =	rddreg [dreg:$0x4]  }
0x4f0: {  	s0 =	sadd.s32 @!p0 $0x100000, s0  }
0x4f1: {  	[sflag:s0] =	ssyncadd.tile.s32 @!p0 $0x1;
	_ =	shalt  }
.Lfunc_end2:
_tile_overlayer_lowered:
.L_overlay_start_2:
0x4f2: {  	(tag) =	ssettag $0x2  }
0x4f3: {  	s0 =	rddreg [dreg:$0x0];
	s2 =	stileid.u32  }
0x4f4: {  	s1 =	rddreg [dreg:$0x1];
	p0 =	sne.s32 s2, $0x0  }
0x4f5: {  	s3 =	rddreg [dreg:$0x2];
	[bflag:$0x3] =	sbarrier.arrive $0xFFFF;
	s2 =	simm.s32 @!p0 $0x1C01  }
0x4f6: {  	[timem:s3], [sflag:s2] =	dma.local @!p0 [hbm:s0], s1  }
0x4f7: {  	s0 =	simm.s32 @!p0 $0x1  }
0x4f8: {  	_ =	swait.ge @!p0 [sflag:s0], s1  }
0x4f9: {  	s1 =	ssub.s32 @!p0 $0x0, s1;
	[sflag:s0] =	ssyncset.done @!p0 $0x0  }
0x4fa: {  	[sflag:s0] =	ssyncadd.s32 @!p0 s1  }
0x4fb: {  	[bflag:$0x3] =	sbarrier.arrive $0xFFFF  }
0x4fc: {  	_ =	shalt  }

</sc_bundles>
